<compile_context>
chip_gen: v7x
topology: tpu7x:2x2x1
jax: 0.10.2.dev20260603
libtpu: 0.0.44.dev20260713+nightly
codegen_flags: <defaults>
</compile_context>

<pallas_src>
import functools

import jax
import jax.numpy as jnp
from jax import lax
from jax.experimental import pallas as pl
from jax.experimental.pallas import tpu as pltpu
from jax.experimental.pallas import tpu_sc as plsc

N = 4
Q = 900
D = 256
H = 8
L = 4
P = 4
DH = 32
S = 5440
NR = N * S * H
NQF = N * Q
NROW = NQF * H
LVL_START = (0, 4096, 5120, 5376)

NC = 2
NS = 16
NW = NC * NS
CQ = 2
CH_TOTAL = NQF // CQ
ITERS = -(-CH_TOTAL // NW)
CHROWS = CQ * 4
G = CQ * 512


def _a1_body(x_ref, w_ref, b_ref, o_ref):
    o_ref[...] = (
        lax.dot_general(x_ref[...], w_ref[...], (((1,), (1,)), ((), ())),
                        preferred_element_type=jnp.float32)
        + b_ref[...]
    )


def _value_proj(x, w, b):
    NSR = N * S
    blk = NSR // 16
    return pl.pallas_call(
        _a1_body,
        grid=(16,),
        in_specs=[
            pl.BlockSpec((blk, D), lambda i: (i, 0)),
            pl.BlockSpec((D, D), lambda i: (0, 0)),
            pl.BlockSpec((1, D), lambda i: (0, 0)),
        ],
        out_specs=pl.BlockSpec((blk, D), lambda i: (i, 0)),
        out_shape=jax.ShapeDtypeStruct((NSR, D), jnp.float32),
    )(x, w, b)


def _a2_body(q_ref, r_ref, wox_ref, woy_ref, box_ref, boy_ref, wa_ref, ba_ref,
             idx_ref, w_ref):
    n = pl.program_id(0)
    q = q_ref[0]
    qb = q.shape[0]

    ox = lax.dot_general(q, wox_ref[...], (((1,), (1,)), ((), ())),
                         preferred_element_type=jnp.float32) + box_ref[...]
    oy = lax.dot_general(q, woy_ref[...], (((1,), (1,)), ((), ())),
                         preferred_element_type=jnp.float32) + boy_ref[...]
    logits = lax.dot_general(q, wa_ref[...], (((1,), (1,)), ((), ())),
                             preferred_element_type=jnp.float32) + ba_ref[...]

    e = jnp.exp(logits)
    ii = lax.broadcasted_iota(jnp.int32, (128, 128), 0)
    jj = lax.broadcasted_iota(jnp.int32, (128, 128), 1)
    msum = ((ii >> 4) == (jj >> 4)).astype(jnp.float32)
    denom = lax.dot_general(e, msum, (((1,), (0,)), ((), ())),
                            preferred_element_type=jnp.float32)
    aw = e / denom

    li = lax.broadcasted_iota(jnp.int32, (qb, 128), 1)
    h_lane = li >> 4
    l_lane = (li >> 2) & 3
    wl_i = 64 >> l_lane
    wl_f = wl_i.astype(jnp.float32)
    lvl0 = jnp.where(l_lane == 0, LVL_START[0],
            jnp.where(l_lane == 1, LVL_START[1],
             jnp.where(l_lane == 2, LVL_START[2], LVL_START[3])))

    r = r_ref[0]
    zero = jnp.zeros((qb, 128), jnp.float32)
    rx = zero
    ry = zero
    for lv in range(L):
        rx = rx + jnp.where(l_lane == lv, r[:, 2 * lv:2 * lv + 1], 0.0)
        ry = ry + jnp.where(l_lane == lv, r[:, 2 * lv + 1:2 * lv + 2], 0.0)

    ix = rx * wl_f + ox - 0.5
    iy = ry * wl_f + oy - 0.5
    xs = jnp.clip(jnp.floor(ix), 0.0, wl_f - 2.0)
    ys = jnp.clip(jnp.floor(iy), 0.0, wl_f - 2.0)
    wx0 = jnp.maximum(0.0, 1.0 - jnp.abs(ix - xs))
    wx1 = jnp.maximum(0.0, 1.0 - jnp.abs(ix - xs - 1.0))
    wy0 = jnp.maximum(0.0, 1.0 - jnp.abs(iy - ys))
    wy1 = jnp.maximum(0.0, 1.0 - jnp.abs(iy - ys - 1.0))
    xs_i = xs.astype(jnp.int32)
    ys_i = ys.astype(jnp.int32)

    rowbase = (n * (S * H)) + (lvl0 + ys_i * wl_i + xs_i) * H + h_lane
    wys = (wy0, wy0, wy1, wy1)
    wxs = (wx0, wx1, wx0, wx1)
    offs = (0, H, wl_i * H, wl_i * H + H)
    for c in range(4):
        idx_ref[0, :, c, :] = rowbase + offs[c]
        w_ref[0, :, c, :] = aw * wys[c] * wxs[c]


def _sampling_params(query, ref_pts, wox, woy, box, boy, wa, ba):
    qb = Q
    return pl.pallas_call(
        _a2_body,
        grid=(N,),
        in_specs=[
            pl.BlockSpec((1, qb, D), lambda n: (n, 0, 0)),
            pl.BlockSpec((1, qb, 2 * L), lambda n: (n, 0, 0)),
            pl.BlockSpec((128, D), lambda n: (0, 0)),
            pl.BlockSpec((128, D), lambda n: (0, 0)),
            pl.BlockSpec((1, 128), lambda n: (0, 0)),
            pl.BlockSpec((1, 128), lambda n: (0, 0)),
            pl.BlockSpec((128, D), lambda n: (0, 0)),
            pl.BlockSpec((1, 128), lambda n: (0, 0)),
        ],
        out_specs=[
            pl.BlockSpec((1, qb, 4, 128), lambda n: (n, 0, 0, 0)),
            pl.BlockSpec((1, qb, 4, 128), lambda n: (n, 0, 0, 0)),
        ],
        out_shape=[
            jax.ShapeDtypeStruct((N, Q, 4, 128), jnp.int32),
            jax.ShapeDtypeStruct((N, Q, 4, 128), jnp.float32),
        ],
    )(query, ref_pts, wox, woy, box, boy, wa, ba)


def _sc_body(value_hbm, idx_hbm, w_hbm, out_hbm, idx_v, w_v, g_v, out_v, sem):
    wid = lax.axis_index("s") * NC + lax.axis_index("c")

    def chunk_body(i, _):
        ch = wid * ITERS + i

        @pl.when(ch < CH_TOTAL)
        def _():
            g0 = ch * CQ
            r0 = g0 * 4
            pltpu.sync_copy(idx_hbm.at[pl.ds(r0, CHROWS)], idx_v)
            pltpu.sync_copy(w_hbm.at[pl.ds(r0, CHROWS)], w_v)
            cps = [
                pltpu.async_copy(value_hbm.at[idx_v.at[j]],
                                 g_v.at[pl.ds(j * 128, 128)], sem)
                for j in range(CHROWS)
            ]
            for cp in cps:
                cp.wait()
            for qq in range(CQ):
                for h in range(H):
                    w16s = [w_v[qq * 4 + c, pl.ds(h * 16, 16)]
                            for c in range(4)]

                    def kbody(k, accs, qq=qq, h=h, w16s=w16s):
                        a0, a1 = accs
                        kv = jnp.full((16,), k, jnp.int32)
                        for c in range(4):
                            row = qq * 512 + c * 128 + h * 16 + k
                            wk = lax.gather(
                                w16s[c], kv[:, None],
                                lax.GatherDimensionNumbers(
                                    offset_dims=(),
                                    collapsed_slice_dims=(0,),
                                    start_index_map=(0,)),
                                (1,),
                                mode=lax.GatherScatterMode.PROMISE_IN_BOUNDS)
                            a0 = a0 + wk * g_v[row, pl.ds(0, 16)]
                            a1 = a1 + wk * g_v[row, pl.ds(16, 16)]
                        return a0, a1

                    a0, a1 = lax.fori_loop(
                        0, 16, kbody,
                        (jnp.zeros((16,), jnp.float32),
                         jnp.zeros((16,), jnp.float32)))
                    out_v[qq * H + h, pl.ds(0, 16)] = a0
                    out_v[qq * H + h, pl.ds(16, 16)] = a1
            pltpu.sync_copy(out_v, out_hbm.at[pl.ds(g0 * H, CQ * H)])

        return 0

    lax.fori_loop(0, ITERS, chunk_body, 0)


@functools.cache
def _sc_gather_fn():
    return pl.kernel(
        _sc_body,
        out_type=jax.ShapeDtypeStruct((NROW, DH), jnp.float32),
        mesh=plsc.VectorSubcoreMesh(core_axis_name="c", subcore_axis_name="s",
                                    num_cores=NC, num_subcores=NS),
        compiler_params=pltpu.CompilerParams(use_tc_tiling_on_sc=False),
        scratch_types=[
            pltpu.VMEM((CHROWS, 128), jnp.int32),
            pltpu.VMEM((CHROWS, 128), jnp.float32),
            pltpu.VMEM((G, DH), jnp.float32),
            pltpu.VMEM((CQ * H, DH), jnp.float32),
            pltpu.SemaphoreType.DMA,
        ],
    )


def _sc_gather(value_rows, idx, w):
    return _sc_gather_fn()(value_rows, idx, w)


def _out_proj(x, w, b):
    blk = NQF // 5
    return pl.pallas_call(
        _a1_body,
        grid=(5,),
        in_specs=[
            pl.BlockSpec((blk, D), lambda i: (i, 0)),
            pl.BlockSpec((D, D), lambda i: (0, 0)),
            pl.BlockSpec((1, D), lambda i: (0, 0)),
        ],
        out_specs=pl.BlockSpec((blk, D), lambda i: (i, 0)),
        out_shape=jax.ShapeDtypeStruct((NQF, D), jnp.float32),
    )(x, w, b)


def kernel(query, reference_points, input_flatten, input_spatial_shapes,
           input_level_start_index, W_off, b_off, W_attn, b_attn, W_val,
           b_val, W_out, b_out):
    value = _value_proj(input_flatten.reshape(N * S, D), W_val,
                        b_val.reshape(1, D))
    value_rows = value.reshape(NR, DH)

    wo = W_off.reshape(H, L, P, 2, D)
    bo = b_off.reshape(H, L, P, 2)
    idx4, w4 = _sampling_params(
        query,
        reference_points.reshape(N, Q, 2 * L),
        wo[:, :, :, 0, :].reshape(128, D),
        wo[:, :, :, 1, :].reshape(128, D),
        bo[:, :, :, 0].reshape(1, 128),
        bo[:, :, :, 1].reshape(1, 128),
        W_attn,
        b_attn.reshape(1, 128),
    )

    out_rows = _sc_gather(value_rows, idx4.reshape(NQF * 4, 128),
                          w4.reshape(NQF * 4, 128))
    out = _out_proj(out_rows.reshape(NQF, D), W_out, b_out.reshape(1, D))
    return out.reshape(N, Q, D)

# --- scband reference (transcript-rebuilt; emitter-appended) ---
"""Pipeline reference for scband-multi-scale-deformable-attention-28827820491357 (READ-ONLY COPY).

The authoritative reference and input builder live on the scoring server;
editing this copy changes nothing except your own understanding.
"""

import jax, jax.numpy as jnp
import numpy as np
import math

D_MODEL = 256
N_LEVELS = 4
N_HEADS = 8
N_POINTS = 4
BATCH = 4
NQ = 900
SHAPES = np.array([[64, 64], [32, 32], [16, 16], [8, 8]], dtype=np.int64)


def _grid_sample(im, grid):
    # torch F.grid_sample, mode=bilinear, padding_mode=zeros, align_corners=False
    N, C, H, W = im.shape
    Hg, Wg = grid.shape[1], grid.shape[2]
    ix = ((grid[..., 0] + 1.0) * W - 1.0) / 2.0
    iy = ((grid[..., 1] + 1.0) * H - 1.0) / 2.0
    ix0 = jnp.floor(ix)
    iy0 = jnp.floor(iy)
    imf = im.reshape(N, C, H * W)
    out = jnp.zeros((N, C, Hg * Wg), im.dtype)
    for dx in (0, 1):
        for dy in (0, 1):
            ixc = ix0 + dx
            iyc = iy0 + dy
            w = ((1.0 - jnp.abs(ix - ixc)) * (1.0 - jnp.abs(iy - iyc))).reshape(N, 1, Hg * Wg)
            valid = ((ixc >= 0) & (ixc <= W - 1) & (iyc >= 0) & (iyc <= H - 1)).reshape(N, 1, Hg * Wg)
            idx = (jnp.clip(iyc, 0, H - 1) * W + jnp.clip(ixc, 0, W - 1)).astype(jnp.int32).reshape(N, 1, Hg * Wg)
            g = jnp.take_along_axis(imf, idx, axis=2)
            out = out + g * w * valid
    return out.reshape(N, C, Hg, Wg)


def _msda_forward(query, reference_points, input_flatten, W_off, b_off, W_attn, b_attn, W_val, b_val, W_out, b_out, spatial_shapes, level_start_index):
    N, Q, D = query.shape
    S = input_flatten.shape[1]
    H, L, P = N_HEADS, N_LEVELS, N_POINTS
    dh = D // H
    value = input_flatten @ W_val.T + b_val
    value = value.reshape(N, S, H, dh)
    off = (query @ W_off.T + b_off).reshape(N, Q, H, L, P, 2)
    aw = (query @ W_attn.T + b_attn).reshape(N, Q, H, L * P)
    aw = jax.nn.softmax(aw, axis=-1).reshape(N, Q, H, L, P)
    shapes_j = spatial_shapes
    norm = jnp.stack([shapes_j[:, 1], shapes_j[:, 0]], -1).astype(query.dtype)
    loc = reference_points[:, :, None, :, None, :] + off / norm[None, None, None, :, None, :]
    grids = 2.0 * loc - 1.0
    areas = [int(a) for a in (SHAPES[:, 0] * SHAPES[:, 1])]
    sampled = []
    for lv in range(L):
        h, w = int(SHAPES[lv, 0]), int(SHAPES[lv, 1])
        v = jax.lax.dynamic_slice_in_dim(value, level_start_index[lv], areas[lv], axis=1)
        v = v.reshape(N, areas[lv], H * dh).transpose(0, 2, 1).reshape(N * H, dh, h, w)
        g = grids[:, :, :, lv].transpose(0, 2, 1, 3, 4).reshape(N * H, Q, P, 2)
        sampled.append(_grid_sample(v, g))
    attn = aw.transpose(0, 2, 1, 3, 4).reshape(N * H, 1, Q, L * P)
    stacked = jnp.stack(sampled, axis=-2).reshape(N * H, dh, Q, L * P)
    out = (stacked * attn).sum(-1).reshape(N, H * dh, Q).transpose(0, 2, 1)
    return out @ W_out.T + b_out


def setup_inputs(seed: int = 0) -> dict:
    key = jax.random.key(seed)
    ks = jax.random.split(key, 10)
    S = int((SHAPES[:, 0] * SHAPES[:, 1]).sum())
    thetas = np.arange(N_HEADS, dtype=np.float64) * (2.0 * math.pi / N_HEADS)
    gi = np.stack([np.cos(thetas), np.sin(thetas)], -1)
    gi = gi / np.abs(gi).max(-1, keepdims=True)
    gi = np.tile(gi.reshape(N_HEADS, 1, 1, 2), (1, N_LEVELS, N_POINTS, 1))
    for i in range(N_POINTS):
        gi[:, :, i, :] *= i + 1
    return {
        'query': jax.random.normal(ks[0], (BATCH, NQ, D_MODEL), jnp.float32),
        'reference_points': jax.random.uniform(ks[1], (BATCH, NQ, N_LEVELS, 2), jnp.float32),
        'input_flatten': jax.random.normal(ks[2], (BATCH, S, D_MODEL), jnp.float32),
        'input_spatial_shapes': jnp.asarray(SHAPES, dtype=jnp.int32),
        'input_level_start_index': jnp.asarray(np.concatenate([[0], np.cumsum(SHAPES[:, 0] * SHAPES[:, 1])[:-1]]), dtype=jnp.int32),
        'W_off': jax.random.normal(ks[3], (N_HEADS * N_LEVELS * N_POINTS * 2, D_MODEL), jnp.float32) * 0.01,
        'b_off': jnp.asarray(gi.reshape(-1), jnp.float32),
        'W_attn': jax.random.normal(ks[4], (N_HEADS * N_LEVELS * N_POINTS, D_MODEL), jnp.float32) * 0.02,
        'b_attn': jnp.zeros((N_HEADS * N_LEVELS * N_POINTS,), jnp.float32),
        'W_val': jax.random.normal(ks[5], (D_MODEL, D_MODEL), jnp.float32) * (1.0 / math.sqrt(D_MODEL)),
        'b_val': jnp.zeros((D_MODEL,), jnp.float32),
        'W_out': jax.random.normal(ks[6], (D_MODEL, D_MODEL), jnp.float32) * (1.0 / math.sqrt(D_MODEL)),
        'b_out': jnp.zeros((D_MODEL,), jnp.float32),
    }


def reference(query, reference_points, input_flatten, input_spatial_shapes, input_level_start_index, W_off, b_off, W_attn, b_attn, W_val, b_val, W_out, b_out):
    return _msda_forward(query, reference_points, input_flatten, W_off, b_off, W_attn, b_attn, W_val, b_val, W_out, b_out, input_spatial_shapes, input_level_start_index)

if __name__ == "__main__":
    import jax
    _d = setup_inputs()
    print(jax.jit(kernel)(*tuple(_d.values())))

</pallas_src>

<mosaic_0001>
#map = affine_map<(d0, d1) -> (0, 0)>
module attributes {stable_mosaic.version = 14 : i64} {
  func.func @_sc_body(%arg0: i32, %arg1: i32, %arg2: memref<174080x32xf32, #tpu.memory_space<hbm>>, %arg3: memref<14400x128xi32, #tpu.memory_space<hbm>>, %arg4: memref<14400x128xf32, #tpu.memory_space<hbm>>, %arg5: memref<28800x32xf32, #tpu.memory_space<hbm>>, %arg6: memref<8x128xi32, #tpu.memory_space<vmem>>, %arg7: memref<8x128xf32, #tpu.memory_space<vmem>>, %arg8: memref<1024x32xf32, #tpu.memory_space<vmem>>, %arg9: memref<16x32xf32, #tpu.memory_space<vmem>>, %arg10: memref<!tpu.dma_semaphore, #tpu.memory_space<semaphore_mem>>) attributes {dimension_semantics = [#tpu.dimension_semantics<core_parallel>, #tpu.dimension_semantics<subcore_parallel>], iteration_bounds = array<i64: 2, 16>, scalar_prefetch = 0 : i64, scratch_operands = 5 : i64, tpu.core_type = #tpu.core_type<sc_vector_subcore>, window_params = [{transform_indices = #map}, {transform_indices = #map}, {transform_indices = #map}, {transform_indices = #map}]} {
    %mul3A = arith.constant 2 : i32
    %mul3A_0 = arith.muli %arg1, %mul3A : i32
    %add3A = arith.addi %mul3A_0, %arg0 : i32
    %scan3A = arith.constant 0 : i32
    %scan3A_1 = arith.constant 0 : i32
    %scan3A_2 = arith.constant 57 : i32
    %scan3A_3 = arith.addi %scan3A_1, %scan3A_2 : i32
    %scan3A_4 = arith.constant 1 : i32
    %scan3A_5 = scf.for %scan3A_7 = %scan3A_1 to %scan3A_3 step %scan3A_4 iter_args(%scan3A_8 = %scan3A) -> (i32)  : i32 {
      %mul3A_9 = arith.constant 57 : i32
      %mul3A_10 = arith.muli %add3A, %mul3A_9 : i32
      %add3A_11 = arith.addi %mul3A_10, %scan3A_7 : i32
      %lt3A = arith.constant 1800 : i32
      %lt3A_12 = arith.cmpi slt, %add3A_11, %lt3A : i32
      %convert_element_type3A = arith.extui %lt3A_12 : i1 to i32
      %cond3A = arith.constant 0 : i32
      %cond3A_13 = arith.cmpi ne, %convert_element_type3A, %cond3A : i32
      scf.if %cond3A_13 {
        %mul3A_15 = arith.constant 2 : i32
        %mul3A_16 = arith.muli %add3A_11, %mul3A_15 : i32
        %mul3A_17 = arith.constant 4 : i32
        %mul3A_18 = arith.muli %mul3A_16, %mul3A_17 : i32
        "tpu.region"() ({
          %run_scoped3A = tpu.sem_alloc : memref<!tpu.dma_semaphore, #tpu.memory_space<semaphore_mem>>
          %dma_start3A_848 = arith.constant 0 : i32
          %dma_start3A_849 = tpu.memref_slice %arg3[%mul3A_18, %dma_start3A_848] : memref<14400x128xi32, #tpu.memory_space<hbm>> -> memref<8x128xi32, #tpu.memory_space<hbm>>
          %dma_start3A_850 = arith.constant 0 : i32
          %dma_start3A_851 = tpu.memref_slice %arg3[%mul3A_18, %dma_start3A_850] : memref<14400x128xi32, #tpu.memory_space<hbm>> -> memref<8x128xi32, #tpu.memory_space<hbm>>
          tpu.enqueue_dma source(%dma_start3A_851 : memref<8x128xi32, #tpu.memory_space<hbm>>) target(%arg6 : memref<8x128xi32, #tpu.memory_space<vmem>>) target_semaphore(%run_scoped3A : memref<!tpu.dma_semaphore, #tpu.memory_space<semaphore_mem>>)
          %dma_wait3A_852 = arith.constant 0 : i32
          %dma_wait3A_853 = tpu.memref_slice %arg3[%mul3A_18, %dma_wait3A_852] : memref<14400x128xi32, #tpu.memory_space<hbm>> -> memref<8x128xi32, #tpu.memory_space<hbm>>
          %dma_wait3A_854 = arith.constant 0 : i32
          %dma_wait3A_855 = tpu.memref_slice %arg3[%mul3A_18, %dma_wait3A_854] : memref<14400x128xi32, #tpu.memory_space<hbm>> -> memref<8x128xi32, #tpu.memory_space<hbm>>
          tpu.wait_dma2 semaphore(%run_scoped3A : memref<!tpu.dma_semaphore, #tpu.memory_space<semaphore_mem>>) src(%dma_wait3A_855 : memref<8x128xi32, #tpu.memory_space<hbm>>) dst(%arg6 : memref<8x128xi32, #tpu.memory_space<vmem>>)
          tpu.yield
        }) : () -> ()
        "tpu.region"() ({
          %run_scoped3A = tpu.sem_alloc : memref<!tpu.dma_semaphore, #tpu.memory_space<semaphore_mem>>
          %dma_start3A_848 = arith.constant 0 : i32
          %dma_start3A_849 = tpu.memref_slice %arg4[%mul3A_18, %dma_start3A_848] : memref<14400x128xf32, #tpu.memory_space<hbm>> -> memref<8x128xf32, #tpu.memory_space<hbm>>
          %dma_start3A_850 = arith.constant 0 : i32
          %dma_start3A_851 = tpu.memref_slice %arg4[%mul3A_18, %dma_start3A_850] : memref<14400x128xf32, #tpu.memory_space<hbm>> -> memref<8x128xf32, #tpu.memory_space<hbm>>
          tpu.enqueue_dma source(%dma_start3A_851 : memref<8x128xf32, #tpu.memory_space<hbm>>) target(%arg7 : memref<8x128xf32, #tpu.memory_space<vmem>>) target_semaphore(%run_scoped3A : memref<!tpu.dma_semaphore, #tpu.memory_space<semaphore_mem>>)
          %dma_wait3A_852 = arith.constant 0 : i32
          %dma_wait3A_853 = tpu.memref_slice %arg4[%mul3A_18, %dma_wait3A_852] : memref<14400x128xf32, #tpu.memory_space<hbm>> -> memref<8x128xf32, #tpu.memory_space<hbm>>
          %dma_wait3A_854 = arith.constant 0 : i32
          %dma_wait3A_855 = tpu.memref_slice %arg4[%mul3A_18, %dma_wait3A_854] : memref<14400x128xf32, #tpu.memory_space<hbm>> -> memref<8x128xf32, #tpu.memory_space<hbm>>
          tpu.wait_dma2 semaphore(%run_scoped3A : memref<!tpu.dma_semaphore, #tpu.memory_space<semaphore_mem>>) src(%dma_wait3A_855 : memref<8x128xf32, #tpu.memory_space<hbm>>) dst(%arg7 : memref<8x128xf32, #tpu.memory_space<vmem>>)
          tpu.yield
        }) : () -> ()
        %dma_start3A = arith.constant 0 : i32
        %dma_start3A_19 = arith.constant 0 : i32
        %dma_start3A_20 = arith.constant 0 : i32
        %dma_start3A_21 = tpu.memref_slice %arg8[%dma_start3A_19, %dma_start3A_20] : memref<1024x32xf32, #tpu.memory_space<vmem>> -> memref<128x32xf32, #tpu.memory_space<vmem>>
        %dma_start3A_22 = arith.constant 0 : i32
        %dma_start3A_23 = tpu.memref_slice %arg6[%dma_start3A, %dma_start3A_22] : memref<8x128xi32, #tpu.memory_space<vmem>> -> memref<1x128xi32, #tpu.memory_space<vmem>>
        %dma_start3A_24 = tpu.memref_squeeze %dma_start3A_23 : memref<1x128xi32, #tpu.memory_space<vmem>> -> memref<128xi32, #tpu.memory_space<vmem>>
        %dma_start3A_25 = arith.constant 0 : i32
        %dma_start3A_26 = arith.constant 0 : i32
        %dma_start3A_27 = tpu.memref_slice %arg2[%dma_start3A_25, %dma_start3A_26] : memref<174080x32xf32, #tpu.memory_space<hbm>> -> memref<174080x32xf32, #tpu.memory_space<hbm>>
        tpu.enqueue_indirect_dma source(%dma_start3A_27 : memref<174080x32xf32, #tpu.memory_space<hbm>>) target(%dma_start3A_21 : memref<128x32xf32, #tpu.memory_space<vmem>>) offsets(%dma_start3A_24 : memref<128xi32, #tpu.memory_space<vmem>>) semaphore(%arg10 : memref<!tpu.dma_semaphore, #tpu.memory_space<semaphore_mem>>)
        %dma_start3A_28 = arith.constant 1 : i32
        %dma_start3A_29 = arith.constant 128 : i32
        %dma_start3A_30 = arith.constant 0 : i32
        %dma_start3A_31 = tpu.memref_slice %arg8[%dma_start3A_29, %dma_start3A_30] : memref<1024x32xf32, #tpu.memory_space<vmem>> -> memref<128x32xf32, #tpu.memory_space<vmem>>
        %dma_start3A_32 = arith.constant 0 : i32
        %dma_start3A_33 = tpu.memref_slice %arg6[%dma_start3A_28, %dma_start3A_32] : memref<8x128xi32, #tpu.memory_space<vmem>> -> memref<1x128xi32, #tpu.memory_space<vmem>>
        %dma_start3A_34 = tpu.memref_squeeze %dma_start3A_33 : memref<1x128xi32, #tpu.memory_space<vmem>> -> memref<128xi32, #tpu.memory_space<vmem>>
        %dma_start3A_35 = arith.constant 0 : i32
        %dma_start3A_36 = arith.constant 0 : i32
        %dma_start3A_37 = tpu.memref_slice %arg2[%dma_start3A_35, %dma_start3A_36] : memref<174080x32xf32, #tpu.memory_space<hbm>> -> memref<174080x32xf32, #tpu.memory_space<hbm>>
        tpu.enqueue_indirect_dma source(%dma_start3A_37 : memref<174080x32xf32, #tpu.memory_space<hbm>>) target(%dma_start3A_31 : memref<128x32xf32, #tpu.memory_space<vmem>>) offsets(%dma_start3A_34 : memref<128xi32, #tpu.memory_space<vmem>>) semaphore(%arg10 : memref<!tpu.dma_semaphore, #tpu.memory_space<semaphore_mem>>)
        %dma_start3A_38 = arith.constant 2 : i32
        %dma_start3A_39 = arith.constant 256 : i32
        %dma_start3A_40 = arith.constant 0 : i32
        %dma_start3A_41 = tpu.memref_slice %arg8[%dma_start3A_39, %dma_start3A_40] : memref<1024x32xf32, #tpu.memory_space<vmem>> -> memref<128x32xf32, #tpu.memory_space<vmem>>
        %dma_start3A_42 = arith.constant 0 : i32
        %dma_start3A_43 = tpu.memref_slice %arg6[%dma_start3A_38, %dma_start3A_42] : memref<8x128xi32, #tpu.memory_space<vmem>> -> memref<1x128xi32, #tpu.memory_space<vmem>>
        %dma_start3A_44 = tpu.memref_squeeze %dma_start3A_43 : memref<1x128xi32, #tpu.memory_space<vmem>> -> memref<128xi32, #tpu.memory_space<vmem>>
        %dma_start3A_45 = arith.constant 0 : i32
        %dma_start3A_46 = arith.constant 0 : i32
        %dma_start3A_47 = tpu.memref_slice %arg2[%dma_start3A_45, %dma_start3A_46] : memref<174080x32xf32, #tpu.memory_space<hbm>> -> memref<174080x32xf32, #tpu.memory_space<hbm>>
        tpu.enqueue_indirect_dma source(%dma_start3A_47 : memref<174080x32xf32, #tpu.memory_space<hbm>>) target(%dma_start3A_41 : memref<128x32xf32, #tpu.memory_space<vmem>>) offsets(%dma_start3A_44 : memref<128xi32, #tpu.memory_space<vmem>>) semaphore(%arg10 : memref<!tpu.dma_semaphore, #tpu.memory_space<semaphore_mem>>)
        %dma_start3A_48 = arith.constant 3 : i32
        %dma_start3A_49 = arith.constant 384 : i32
        %dma_start3A_50 = arith.constant 0 : i32
        %dma_start3A_51 = tpu.memref_slice %arg8[%dma_start3A_49, %dma_start3A_50] : memref<1024x32xf32, #tpu.memory_space<vmem>> -> memref<128x32xf32, #tpu.memory_space<vmem>>
        %dma_start3A_52 = arith.constant 0 : i32
        %dma_start3A_53 = tpu.memref_slice %arg6[%dma_start3A_48, %dma_start3A_52] : memref<8x128xi32, #tpu.memory_space<vmem>> -> memref<1x128xi32, #tpu.memory_space<vmem>>
        %dma_start3A_54 = tpu.memref_squeeze %dma_start3A_53 : memref<1x128xi32, #tpu.memory_space<vmem>> -> memref<128xi32, #tpu.memory_space<vmem>>
        %dma_start3A_55 = arith.constant 0 : i32
        %dma_start3A_56 = arith.constant 0 : i32
        %dma_start3A_57 = tpu.memref_slice %arg2[%dma_start3A_55, %dma_start3A_56] : memref<174080x32xf32, #tpu.memory_space<hbm>> -> memref<174080x32xf32, #tpu.memory_space<hbm>>
        tpu.enqueue_indirect_dma source(%dma_start3A_57 : memref<174080x32xf32, #tpu.memory_space<hbm>>) target(%dma_start3A_51 : memref<128x32xf32, #tpu.memory_space<vmem>>) offsets(%dma_start3A_54 : memref<128xi32, #tpu.memory_space<vmem>>) semaphore(%arg10 : memref<!tpu.dma_semaphore, #tpu.memory_space<semaphore_mem>>)
        %dma_start3A_58 = arith.constant 4 : i32
        %dma_start3A_59 = arith.constant 512 : i32
        %dma_start3A_60 = arith.constant 0 : i32
        %dma_start3A_61 = tpu.memref_slice %arg8[%dma_start3A_59, %dma_start3A_60] : memref<1024x32xf32, #tpu.memory_space<vmem>> -> memref<128x32xf32, #tpu.memory_space<vmem>>
        %dma_start3A_62 = arith.constant 0 : i32
        %dma_start3A_63 = tpu.memref_slice %arg6[%dma_start3A_58, %dma_start3A_62] : memref<8x128xi32, #tpu.memory_space<vmem>> -> memref<1x128xi32, #tpu.memory_space<vmem>>
        %dma_start3A_64 = tpu.memref_squeeze %dma_start3A_63 : memref<1x128xi32, #tpu.memory_space<vmem>> -> memref<128xi32, #tpu.memory_space<vmem>>
        %dma_start3A_65 = arith.constant 0 : i32
        %dma_start3A_66 = arith.constant 0 : i32
        %dma_start3A_67 = tpu.memref_slice %arg2[%dma_start3A_65, %dma_start3A_66] : memref<174080x32xf32, #tpu.memory_space<hbm>> -> memref<174080x32xf32, #tpu.memory_space<hbm>>
        tpu.enqueue_indirect_dma source(%dma_start3A_67 : memref<174080x32xf32, #tpu.memory_space<hbm>>) target(%dma_start3A_61 : memref<128x32xf32, #tpu.memory_space<vmem>>) offsets(%dma_start3A_64 : memref<128xi32, #tpu.memory_space<vmem>>) semaphore(%arg10 : memref<!tpu.dma_semaphore, #tpu.memory_space<semaphore_mem>>)
        %dma_start3A_68 = arith.constant 5 : i32
        %dma_start3A_69 = arith.constant 640 : i32
        %dma_start3A_70 = arith.constant 0 : i32
        %dma_start3A_71 = tpu.memref_slice %arg8[%dma_start3A_69, %dma_start3A_70] : memref<1024x32xf32, #tpu.memory_space<vmem>> -> memref<128x32xf32, #tpu.memory_space<vmem>>
        %dma_start3A_72 = arith.constant 0 : i32
        %dma_start3A_73 = tpu.memref_slice %arg6[%dma_start3A_68, %dma_start3A_72] : memref<8x128xi32, #tpu.memory_space<vmem>> -> memref<1x128xi32, #tpu.memory_space<vmem>>
        %dma_start3A_74 = tpu.memref_squeeze %dma_start3A_73 : memref<1x128xi32, #tpu.memory_space<vmem>> -> memref<128xi32, #tpu.memory_space<vmem>>
        %dma_start3A_75 = arith.constant 0 : i32
        %dma_start3A_76 = arith.constant 0 : i32
        %dma_start3A_77 = tpu.memref_slice %arg2[%dma_start3A_75, %dma_start3A_76] : memref<174080x32xf32, #tpu.memory_space<hbm>> -> memref<174080x32xf32, #tpu.memory_space<hbm>>
        tpu.enqueue_indirect_dma source(%dma_start3A_77 : memref<174080x32xf32, #tpu.memory_space<hbm>>) target(%dma_start3A_71 : memref<128x32xf32, #tpu.memory_space<vmem>>) offsets(%dma_start3A_74 : memref<128xi32, #tpu.memory_space<vmem>>) semaphore(%arg10 : memref<!tpu.dma_semaphore, #tpu.memory_space<semaphore_mem>>)
        %dma_start3A_78 = arith.constant 6 : i32
        %dma_start3A_79 = arith.constant 768 : i32
        %dma_start3A_80 = arith.constant 0 : i32
        %dma_start3A_81 = tpu.memref_slice %arg8[%dma_start3A_79, %dma_start3A_80] : memref<1024x32xf32, #tpu.memory_space<vmem>> -> memref<128x32xf32, #tpu.memory_space<vmem>>
        %dma_start3A_82 = arith.constant 0 : i32
        %dma_start3A_83 = tpu.memref_slice %arg6[%dma_start3A_78, %dma_start3A_82] : memref<8x128xi32, #tpu.memory_space<vmem>> -> memref<1x128xi32, #tpu.memory_space<vmem>>
        %dma_start3A_84 = tpu.memref_squeeze %dma_start3A_83 : memref<1x128xi32, #tpu.memory_space<vmem>> -> memref<128xi32, #tpu.memory_space<vmem>>
        %dma_start3A_85 = arith.constant 0 : i32
        %dma_start3A_86 = arith.constant 0 : i32
        %dma_start3A_87 = tpu.memref_slice %arg2[%dma_start3A_85, %dma_start3A_86] : memref<174080x32xf32, #tpu.memory_space<hbm>> -> memref<174080x32xf32, #tpu.memory_space<hbm>>
        tpu.enqueue_indirect_dma source(%dma_start3A_87 : memref<174080x32xf32, #tpu.memory_space<hbm>>) target(%dma_start3A_81 : memref<128x32xf32, #tpu.memory_space<vmem>>) offsets(%dma_start3A_84 : memref<128xi32, #tpu.memory_space<vmem>>) semaphore(%arg10 : memref<!tpu.dma_semaphore, #tpu.memory_space<semaphore_mem>>)
        %dma_start3A_88 = arith.constant 7 : i32
        %dma_start3A_89 = arith.constant 896 : i32
        %dma_start3A_90 = arith.constant 0 : i32
        %dma_start3A_91 = tpu.memref_slice %arg8[%dma_start3A_89, %dma_start3A_90] : memref<1024x32xf32, #tpu.memory_space<vmem>> -> memref<128x32xf32, #tpu.memory_space<vmem>>
        %dma_start3A_92 = arith.constant 0 : i32
        %dma_start3A_93 = tpu.memref_slice %arg6[%dma_start3A_88, %dma_start3A_92] : memref<8x128xi32, #tpu.memory_space<vmem>> -> memref<1x128xi32, #tpu.memory_space<vmem>>
        %dma_start3A_94 = tpu.memref_squeeze %dma_start3A_93 : memref<1x128xi32, #tpu.memory_space<vmem>> -> memref<128xi32, #tpu.memory_space<vmem>>
        %dma_start3A_95 = arith.constant 0 : i32
        %dma_start3A_96 = arith.constant 0 : i32
        %dma_start3A_97 = tpu.memref_slice %arg2[%dma_start3A_95, %dma_start3A_96] : memref<174080x32xf32, #tpu.memory_space<hbm>> -> memref<174080x32xf32, #tpu.memory_space<hbm>>
        tpu.enqueue_indirect_dma source(%dma_start3A_97 : memref<174080x32xf32, #tpu.memory_space<hbm>>) target(%dma_start3A_91 : memref<128x32xf32, #tpu.memory_space<vmem>>) offsets(%dma_start3A_94 : memref<128xi32, #tpu.memory_space<vmem>>) semaphore(%arg10 : memref<!tpu.dma_semaphore, #tpu.memory_space<semaphore_mem>>)
        %dma_wait3A = arith.constant 0 : i32
        %dma_wait3A_98 = arith.constant 0 : i32
        %dma_wait3A_99 = arith.constant 0 : i32
        %dma_wait3A_100 = tpu.memref_slice %arg8[%dma_wait3A_98, %dma_wait3A_99] : memref<1024x32xf32, #tpu.memory_space<vmem>> -> memref<128x32xf32, #tpu.memory_space<vmem>>
        %dma_wait3A_101 = arith.constant 0 : i32
        %dma_wait3A_102 = tpu.memref_slice %arg6[%dma_wait3A, %dma_wait3A_101] : memref<8x128xi32, #tpu.memory_space<vmem>> -> memref<1x128xi32, #tpu.memory_space<vmem>>
        %dma_wait3A_103 = tpu.memref_squeeze %dma_wait3A_102 : memref<1x128xi32, #tpu.memory_space<vmem>> -> memref<128xi32, #tpu.memory_space<vmem>>
        %dma_wait3A_104 = arith.constant 0 : i32
        %dma_wait3A_105 = arith.constant 0 : i32
        %dma_wait3A_106 = tpu.memref_slice %arg2[%dma_wait3A_104, %dma_wait3A_105] : memref<174080x32xf32, #tpu.memory_space<hbm>> -> memref<174080x32xf32, #tpu.memory_space<hbm>>
        tpu.wait_indirect_dma semaphore(%arg10 : memref<!tpu.dma_semaphore, #tpu.memory_space<semaphore_mem>>) src(%dma_wait3A_106 : memref<174080x32xf32, #tpu.memory_space<hbm>>) dst(%dma_wait3A_100 : memref<128x32xf32, #tpu.memory_space<vmem>>)
        %dma_wait3A_107 = arith.constant 1 : i32
        %dma_wait3A_108 = arith.constant 128 : i32
        %dma_wait3A_109 = arith.constant 0 : i32
        %dma_wait3A_110 = tpu.memref_slice %arg8[%dma_wait3A_108, %dma_wait3A_109] : memref<1024x32xf32, #tpu.memory_space<vmem>> -> memref<128x32xf32, #tpu.memory_space<vmem>>
        %dma_wait3A_111 = arith.constant 0 : i32
        %dma_wait3A_112 = tpu.memref_slice %arg6[%dma_wait3A_107, %dma_wait3A_111] : memref<8x128xi32, #tpu.memory_space<vmem>> -> memref<1x128xi32, #tpu.memory_space<vmem>>
        %dma_wait3A_113 = tpu.memref_squeeze %dma_wait3A_112 : memref<1x128xi32, #tpu.memory_space<vmem>> -> memref<128xi32, #tpu.memory_space<vmem>>
        %dma_wait3A_114 = arith.constant 0 : i32
        %dma_wait3A_115 = arith.constant 0 : i32
        %dma_wait3A_116 = tpu.memref_slice %arg2[%dma_wait3A_114, %dma_wait3A_115] : memref<174080x32xf32, #tpu.memory_space<hbm>> -> memref<174080x32xf32, #tpu.memory_space<hbm>>
        tpu.wait_indirect_dma semaphore(%arg10 : memref<!tpu.dma_semaphore, #tpu.memory_space<semaphore_mem>>) src(%dma_wait3A_116 : memref<174080x32xf32, #tpu.memory_space<hbm>>) dst(%dma_wait3A_110 : memref<128x32xf32, #tpu.memory_space<vmem>>)
        %dma_wait3A_117 = arith.constant 2 : i32
        %dma_wait3A_118 = arith.constant 256 : i32
        %dma_wait3A_119 = arith.constant 0 : i32
        %dma_wait3A_120 = tpu.memref_slice %arg8[%dma_wait3A_118, %dma_wait3A_119] : memref<1024x32xf32, #tpu.memory_space<vmem>> -> memref<128x32xf32, #tpu.memory_space<vmem>>
        %dma_wait3A_121 = arith.constant 0 : i32
        %dma_wait3A_122 = tpu.memref_slice %arg6[%dma_wait3A_117, %dma_wait3A_121] : memref<8x128xi32, #tpu.memory_space<vmem>> -> memref<1x128xi32, #tpu.memory_space<vmem>>
        %dma_wait3A_123 = tpu.memref_squeeze %dma_wait3A_122 : memref<1x128xi32, #tpu.memory_space<vmem>> -> memref<128xi32, #tpu.memory_space<vmem>>
        %dma_wait3A_124 = arith.constant 0 : i32
        %dma_wait3A_125 = arith.constant 0 : i32
        %dma_wait3A_126 = tpu.memref_slice %arg2[%dma_wait3A_124, %dma_wait3A_125] : memref<174080x32xf32, #tpu.memory_space<hbm>> -> memref<174080x32xf32, #tpu.memory_space<hbm>>
        tpu.wait_indirect_dma semaphore(%arg10 : memref<!tpu.dma_semaphore, #tpu.memory_space<semaphore_mem>>) src(%dma_wait3A_126 : memref<174080x32xf32, #tpu.memory_space<hbm>>) dst(%dma_wait3A_120 : memref<128x32xf32, #tpu.memory_space<vmem>>)
        %dma_wait3A_127 = arith.constant 3 : i32
        %dma_wait3A_128 = arith.constant 384 : i32
        %dma_wait3A_129 = arith.constant 0 : i32
        %dma_wait3A_130 = tpu.memref_slice %arg8[%dma_wait3A_128, %dma_wait3A_129] : memref<1024x32xf32, #tpu.memory_space<vmem>> -> memref<128x32xf32, #tpu.memory_space<vmem>>
        %dma_wait3A_131 = arith.constant 0 : i32
        %dma_wait3A_132 = tpu.memref_slice %arg6[%dma_wait3A_127, %dma_wait3A_131] : memref<8x128xi32, #tpu.memory_space<vmem>> -> memref<1x128xi32, #tpu.memory_space<vmem>>
        %dma_wait3A_133 = tpu.memref_squeeze %dma_wait3A_132 : memref<1x128xi32, #tpu.memory_space<vmem>> -> memref<128xi32, #tpu.memory_space<vmem>>
        %dma_wait3A_134 = arith.constant 0 : i32
        %dma_wait3A_135 = arith.constant 0 : i32
        %dma_wait3A_136 = tpu.memref_slice %arg2[%dma_wait3A_134, %dma_wait3A_135] : memref<174080x32xf32, #tpu.memory_space<hbm>> -> memref<174080x32xf32, #tpu.memory_space<hbm>>
        tpu.wait_indirect_dma semaphore(%arg10 : memref<!tpu.dma_semaphore, #tpu.memory_space<semaphore_mem>>) src(%dma_wait3A_136 : memref<174080x32xf32, #tpu.memory_space<hbm>>) dst(%dma_wait3A_130 : memref<128x32xf32, #tpu.memory_space<vmem>>)
        %dma_wait3A_137 = arith.constant 4 : i32
        %dma_wait3A_138 = arith.constant 512 : i32
        %dma_wait3A_139 = arith.constant 0 : i32
        %dma_wait3A_140 = tpu.memref_slice %arg8[%dma_wait3A_138, %dma_wait3A_139] : memref<1024x32xf32, #tpu.memory_space<vmem>> -> memref<128x32xf32, #tpu.memory_space<vmem>>
        %dma_wait3A_141 = arith.constant 0 : i32
        %dma_wait3A_142 = tpu.memref_slice %arg6[%dma_wait3A_137, %dma_wait3A_141] : memref<8x128xi32, #tpu.memory_space<vmem>> -> memref<1x128xi32, #tpu.memory_space<vmem>>
        %dma_wait3A_143 = tpu.memref_squeeze %dma_wait3A_142 : memref<1x128xi32, #tpu.memory_space<vmem>> -> memref<128xi32, #tpu.memory_space<vmem>>
        %dma_wait3A_144 = arith.constant 0 : i32
        %dma_wait3A_145 = arith.constant 0 : i32
        %dma_wait3A_146 = tpu.memref_slice %arg2[%dma_wait3A_144, %dma_wait3A_145] : memref<174080x32xf32, #tpu.memory_space<hbm>> -> memref<174080x32xf32, #tpu.memory_space<hbm>>
        tpu.wait_indirect_dma semaphore(%arg10 : memref<!tpu.dma_semaphore, #tpu.memory_space<semaphore_mem>>) src(%dma_wait3A_146 : memref<174080x32xf32, #tpu.memory_space<hbm>>) dst(%dma_wait3A_140 : memref<128x32xf32, #tpu.memory_space<vmem>>)
        %dma_wait3A_147 = arith.constant 5 : i32
        %dma_wait3A_148 = arith.constant 640 : i32
        %dma_wait3A_149 = arith.constant 0 : i32
        %dma_wait3A_150 = tpu.memref_slice %arg8[%dma_wait3A_148, %dma_wait3A_149] : memref<1024x32xf32, #tpu.memory_space<vmem>> -> memref<128x32xf32, #tpu.memory_space<vmem>>
        %dma_wait3A_151 = arith.constant 0 : i32
        %dma_wait3A_152 = tpu.memref_slice %arg6[%dma_wait3A_147, %dma_wait3A_151] : memref<8x128xi32, #tpu.memory_space<vmem>> -> memref<1x128xi32, #tpu.memory_space<vmem>>
        %dma_wait3A_153 = tpu.memref_squeeze %dma_wait3A_152 : memref<1x128xi32, #tpu.memory_space<vmem>> -> memref<128xi32, #tpu.memory_space<vmem>>
        %dma_wait3A_154 = arith.constant 0 : i32
        %dma_wait3A_155 = arith.constant 0 : i32
        %dma_wait3A_156 = tpu.memref_slice %arg2[%dma_wait3A_154, %dma_wait3A_155] : memref<174080x32xf32, #tpu.memory_space<hbm>> -> memref<174080x32xf32, #tpu.memory_space<hbm>>
        tpu.wait_indirect_dma semaphore(%arg10 : memref<!tpu.dma_semaphore, #tpu.memory_space<semaphore_mem>>) src(%dma_wait3A_156 : memref<174080x32xf32, #tpu.memory_space<hbm>>) dst(%dma_wait3A_150 : memref<128x32xf32, #tpu.memory_space<vmem>>)
        %dma_wait3A_157 = arith.constant 6 : i32
        %dma_wait3A_158 = arith.constant 768 : i32
        %dma_wait3A_159 = arith.constant 0 : i32
        %dma_wait3A_160 = tpu.memref_slice %arg8[%dma_wait3A_158, %dma_wait3A_159] : memref<1024x32xf32, #tpu.memory_space<vmem>> -> memref<128x32xf32, #tpu.memory_space<vmem>>
        %dma_wait3A_161 = arith.constant 0 : i32
        %dma_wait3A_162 = tpu.memref_slice %arg6[%dma_wait3A_157, %dma_wait3A_161] : memref<8x128xi32, #tpu.memory_space<vmem>> -> memref<1x128xi32, #tpu.memory_space<vmem>>
        %dma_wait3A_163 = tpu.memref_squeeze %dma_wait3A_162 : memref<1x128xi32, #tpu.memory_space<vmem>> -> memref<128xi32, #tpu.memory_space<vmem>>
        %dma_wait3A_164 = arith.constant 0 : i32
        %dma_wait3A_165 = arith.constant 0 : i32
        %dma_wait3A_166 = tpu.memref_slice %arg2[%dma_wait3A_164, %dma_wait3A_165] : memref<174080x32xf32, #tpu.memory_space<hbm>> -> memref<174080x32xf32, #tpu.memory_space<hbm>>
        tpu.wait_indirect_dma semaphore(%arg10 : memref<!tpu.dma_semaphore, #tpu.memory_space<semaphore_mem>>) src(%dma_wait3A_166 : memref<174080x32xf32, #tpu.memory_space<hbm>>) dst(%dma_wait3A_160 : memref<128x32xf32, #tpu.memory_space<vmem>>)
        %dma_wait3A_167 = arith.constant 7 : i32
        %dma_wait3A_168 = arith.constant 896 : i32
        %dma_wait3A_169 = arith.constant 0 : i32
        %dma_wait3A_170 = tpu.memref_slice %arg8[%dma_wait3A_168, %dma_wait3A_169] : memref<1024x32xf32, #tpu.memory_space<vmem>> -> memref<128x32xf32, #tpu.memory_space<vmem>>
        %dma_wait3A_171 = arith.constant 0 : i32
        %dma_wait3A_172 = tpu.memref_slice %arg6[%dma_wait3A_167, %dma_wait3A_171] : memref<8x128xi32, #tpu.memory_space<vmem>> -> memref<1x128xi32, #tpu.memory_space<vmem>>
        %dma_wait3A_173 = tpu.memref_squeeze %dma_wait3A_172 : memref<1x128xi32, #tpu.memory_space<vmem>> -> memref<128xi32, #tpu.memory_space<vmem>>
        %dma_wait3A_174 = arith.constant 0 : i32
        %dma_wait3A_175 = arith.constant 0 : i32
        %dma_wait3A_176 = tpu.memref_slice %arg2[%dma_wait3A_174, %dma_wait3A_175] : memref<174080x32xf32, #tpu.memory_space<hbm>> -> memref<174080x32xf32, #tpu.memory_space<hbm>>
        tpu.wait_indirect_dma semaphore(%arg10 : memref<!tpu.dma_semaphore, #tpu.memory_space<semaphore_mem>>) src(%dma_wait3A_176 : memref<174080x32xf32, #tpu.memory_space<hbm>>) dst(%dma_wait3A_170 : memref<128x32xf32, #tpu.memory_space<vmem>>)
        %get3A = arith.constant 0 : i32
        %get3A_177 = arith.index_cast %get3A : i32 to index
        %get3A_178 = arith.constant 0 : index
        %get3A_179 = tpu.vector_load %arg7[%get3A_177, %get3A_178] {strides = array<i32>} : memref<8x128xf32, #tpu.memory_space<vmem>>, vector<1x16xf32>,
        %get3A_180 = vector.shape_cast %get3A_179 : vector<1x16xf32> to vector<16xf32>
        %get3A_181 = arith.constant 1 : i32
        %get3A_182 = arith.index_cast %get3A_181 : i32 to index
        %get3A_183 = arith.constant 0 : index
        %get3A_184 = tpu.vector_load %arg7[%get3A_182, %get3A_183] {strides = array<i32>} : memref<8x128xf32, #tpu.memory_space<vmem>>, vector<1x16xf32>,
        %get3A_185 = vector.shape_cast %get3A_184 : vector<1x16xf32> to vector<16xf32>
        %get3A_186 = arith.constant 2 : i32
        %get3A_187 = arith.index_cast %get3A_186 : i32 to index
        %get3A_188 = arith.constant 0 : index
        %get3A_189 = tpu.vector_load %arg7[%get3A_187, %get3A_188] {strides = array<i32>} : memref<8x128xf32, #tpu.memory_space<vmem>>, vector<1x16xf32>,
        %get3A_190 = vector.shape_cast %get3A_189 : vector<1x16xf32> to vector<16xf32>
        %get3A_191 = arith.constant 3 : i32
        %get3A_192 = arith.index_cast %get3A_191 : i32 to index
        %get3A_193 = arith.constant 0 : index
        %get3A_194 = tpu.vector_load %arg7[%get3A_192, %get3A_193] {strides = array<i32>} : memref<8x128xf32, #tpu.memory_space<vmem>>, vector<1x16xf32>,
        %get3A_195 = vector.shape_cast %get3A_194 : vector<1x16xf32> to vector<16xf32>
        %broadcast_in_dim3A = arith.constant 0.000000e+00 : f32
        %broadcast_in_dim3A_196 = vector.broadcast %broadcast_in_dim3A : f32 to vector<16xf32>
        %broadcast_in_dim3A_197 = arith.constant 0.000000e+00 : f32
        %broadcast_in_dim3A_198 = vector.broadcast %broadcast_in_dim3A_197 : f32 to vector<16xf32>
        %scan3A_199 = arith.constant 0 : i32
        %scan3A_200 = arith.constant 16 : i32
        %scan3A_201 = arith.addi %scan3A_199, %scan3A_200 : i32
        %scan3A_202 = arith.constant 1 : i32
        %scan3A_203:2 = scf.for %scan3A_848 = %scan3A_199 to %scan3A_201 step %scan3A_202 iter_args(%scan3A_849 = %broadcast_in_dim3A_196, %scan3A_850 = %broadcast_in_dim3A_198) -> (vector<16xf32>, vector<16xf32>)  : i32 {
          %broadcast_in_dim3A_851 = vector.broadcast %scan3A_848 : i32 to vector<16xi32>
          %add3A_852 = arith.constant 0 : i32
          %add3A_853 = arith.addi %add3A_852, %scan3A_848 : i32
          %broadcast_in_dim3A_854 = vector.shape_cast %broadcast_in_dim3A_851 : vector<16xi32> to vector<16x1xi32>
          %gather3A = vector.shape_cast %broadcast_in_dim3A_854 : vector<16x1xi32> to vector<16xi32>
          %gather3A_855 = tpu.dynamic_gather %get3A_180[%gather3A] in [0] : vector<16xf32>, vector<16xi32> -> vector<16xf32>
          %get3A_856 = arith.index_cast %add3A_853 : i32 to index
          %get3A_857 = arith.constant 0 : index
          %get3A_858 = tpu.vector_load %arg8[%get3A_856, %get3A_857] {strides = array<i32>} : memref<1024x32xf32, #tpu.memory_space<vmem>>, vector<1x16xf32>,
          %get3A_859 = vector.shape_cast %get3A_858 : vector<1x16xf32> to vector<16xf32>
          %mul3A_860 = arith.mulf %gather3A_855, %get3A_859 : vector<16xf32>
          %add3A_861 = arith.addf %scan3A_849, %mul3A_860 : vector<16xf32>
          %get3A_862 = arith.index_cast %add3A_853 : i32 to index
          %get3A_863 = arith.constant 16 : index
          %get3A_864 = tpu.vector_load %arg8[%get3A_862, %get3A_863] {strides = array<i32>} : memref<1024x32xf32, #tpu.memory_space<vmem>>, vector<1x16xf32>,
          %get3A_865 = vector.shape_cast %get3A_864 : vector<1x16xf32> to vector<16xf32>
          %mul3A_866 = arith.mulf %gather3A_855, %get3A_865 : vector<16xf32>
          %add3A_867 = arith.addf %scan3A_850, %mul3A_866 : vector<16xf32>
          %add3A_868 = arith.constant 128 : i32
          %add3A_869 = arith.addi %add3A_868, %scan3A_848 : i32
          %broadcast_in_dim3A_870 = vector.shape_cast %broadcast_in_dim3A_851 : vector<16xi32> to vector<16x1xi32>
          %gather3A_871 = vector.shape_cast %broadcast_in_dim3A_870 : vector<16x1xi32> to vector<16xi32>
          %gather3A_872 = tpu.dynamic_gather %get3A_185[%gather3A_871] in [0] : vector<16xf32>, vector<16xi32> -> vector<16xf32>
          %get3A_873 = arith.index_cast %add3A_869 : i32 to index
          %get3A_874 = arith.constant 0 : index
          %get3A_875 = tpu.vector_load %arg8[%get3A_873, %get3A_874] {strides = array<i32>} : memref<1024x32xf32, #tpu.memory_space<vmem>>, vector<1x16xf32>,
          %get3A_876 = vector.shape_cast %get3A_875 : vector<1x16xf32> to vector<16xf32>
          %mul3A_877 = arith.mulf %gather3A_872, %get3A_876 : vector<16xf32>
          %add3A_878 = arith.addf %add3A_861, %mul3A_877 : vector<16xf32>
          %get3A_879 = arith.index_cast %add3A_869 : i32 to index
          %get3A_880 = arith.constant 16 : index
          %get3A_881 = tpu.vector_load %arg8[%get3A_879, %get3A_880] {strides = array<i32>} : memref<1024x32xf32, #tpu.memory_space<vmem>>, vector<1x16xf32>,
          %get3A_882 = vector.shape_cast %get3A_881 : vector<1x16xf32> to vector<16xf32>
          %mul3A_883 = arith.mulf %gather3A_872, %get3A_882 : vector<16xf32>
          %add3A_884 = arith.addf %add3A_867, %mul3A_883 : vector<16xf32>
          %add3A_885 = arith.constant 256 : i32
          %add3A_886 = arith.addi %add3A_885, %scan3A_848 : i32
          %broadcast_in_dim3A_887 = vector.shape_cast %broadcast_in_dim3A_851 : vector<16xi32> to vector<16x1xi32>
          %gather3A_888 = vector.shape_cast %broadcast_in_dim3A_887 : vector<16x1xi32> to vector<16xi32>
          %gather3A_889 = tpu.dynamic_gather %get3A_190[%gather3A_888] in [0] : vector<16xf32>, vector<16xi32> -> vector<16xf32>
          %get3A_890 = arith.index_cast %add3A_886 : i32 to index
          %get3A_891 = arith.constant 0 : index
          %get3A_892 = tpu.vector_load %arg8[%get3A_890, %get3A_891] {strides = array<i32>} : memref<1024x32xf32, #tpu.memory_space<vmem>>, vector<1x16xf32>,
          %get3A_893 = vector.shape_cast %get3A_892 : vector<1x16xf32> to vector<16xf32>
          %mul3A_894 = arith.mulf %gather3A_889, %get3A_893 : vector<16xf32>
          %add3A_895 = arith.addf %add3A_878, %mul3A_894 : vector<16xf32>
          %get3A_896 = arith.index_cast %add3A_886 : i32 to index
          %get3A_897 = arith.constant 16 : index
          %get3A_898 = tpu.vector_load %arg8[%get3A_896, %get3A_897] {strides = array<i32>} : memref<1024x32xf32, #tpu.memory_space<vmem>>, vector<1x16xf32>,
          %get3A_899 = vector.shape_cast %get3A_898 : vector<1x16xf32> to vector<16xf32>
          %mul3A_900 = arith.mulf %gather3A_889, %get3A_899 : vector<16xf32>
          %add3A_901 = arith.addf %add3A_884, %mul3A_900 : vector<16xf32>
          %add3A_902 = arith.constant 384 : i32
          %add3A_903 = arith.addi %add3A_902, %scan3A_848 : i32
          %broadcast_in_dim3A_904 = vector.shape_cast %broadcast_in_dim3A_851 : vector<16xi32> to vector<16x1xi32>
          %gather3A_905 = vector.shape_cast %broadcast_in_dim3A_904 : vector<16x1xi32> to vector<16xi32>
          %gather3A_906 = tpu.dynamic_gather %get3A_195[%gather3A_905] in [0] : vector<16xf32>, vector<16xi32> -> vector<16xf32>
          %get3A_907 = arith.index_cast %add3A_903 : i32 to index
          %get3A_908 = arith.constant 0 : index
          %get3A_909 = tpu.vector_load %arg8[%get3A_907, %get3A_908] {strides = array<i32>} : memref<1024x32xf32, #tpu.memory_space<vmem>>, vector<1x16xf32>,
          %get3A_910 = vector.shape_cast %get3A_909 : vector<1x16xf32> to vector<16xf32>
          %mul3A_911 = arith.mulf %gather3A_906, %get3A_910 : vector<16xf32>
          %add3A_912 = arith.addf %add3A_895, %mul3A_911 : vector<16xf32>
          %get3A_913 = arith.index_cast %add3A_903 : i32 to index
          %get3A_914 = arith.constant 16 : index
          %get3A_915 = tpu.vector_load %arg8[%get3A_913, %get3A_914] {strides = array<i32>} : memref<1024x32xf32, #tpu.memory_space<vmem>>, vector<1x16xf32>,
          %get3A_916 = vector.shape_cast %get3A_915 : vector<1x16xf32> to vector<16xf32>
          %mul3A_917 = arith.mulf %gather3A_906, %get3A_916 : vector<16xf32>
          %add3A_918 = arith.addf %add3A_901, %mul3A_917 : vector<16xf32>
          scf.yield %add3A_912, %add3A_918 : vector<16xf32>, vector<16xf32>
        }
        %scan3A_204 = arith.constant 16 : i32
        %swap3A = arith.constant 0 : i32
        %swap3A_205 = arith.index_cast %swap3A : i32 to index
        %swap3A_206 = arith.constant 0 : index
        %swap3A_207 = tpu.vector_load %arg9[%swap3A_205, %swap3A_206] {strides = array<i32>} : memref<16x32xf32, #tpu.memory_space<vmem>>, vector<1x16xf32>,
        %swap3A_208 = vector.shape_cast %swap3A_207 : vector<1x16xf32> to vector<16xf32>
        %swap3A_209 = vector.shape_cast %scan3A_203#0 : vector<16xf32> to vector<1x16xf32>
        tpu.vector_store %arg9[%swap3A_205, %swap3A_206], %swap3A_209 {strides = array<i32>} : memref<16x32xf32, #tpu.memory_space<vmem>>, vector<1x16xf32>,
        %swap3A_210 = arith.constant 0 : i32
        %swap3A_211 = arith.index_cast %swap3A_210 : i32 to index
        %swap3A_212 = arith.constant 16 : index
        %swap3A_213 = tpu.vector_load %arg9[%swap3A_211, %swap3A_212] {strides = array<i32>} : memref<16x32xf32, #tpu.memory_space<vmem>>, vector<1x16xf32>,
        %swap3A_214 = vector.shape_cast %swap3A_213 : vector<1x16xf32> to vector<16xf32>
        %swap3A_215 = vector.shape_cast %scan3A_203#1 : vector<16xf32> to vector<1x16xf32>
        tpu.vector_store %arg9[%swap3A_211, %swap3A_212], %swap3A_215 {strides = array<i32>} : memref<16x32xf32, #tpu.memory_space<vmem>>, vector<1x16xf32>,
        %get3A_216 = arith.constant 0 : i32
        %get3A_217 = arith.index_cast %get3A_216 : i32 to index
        %get3A_218 = arith.constant 16 : index
        %get3A_219 = tpu.vector_load %arg7[%get3A_217, %get3A_218] {strides = array<i32>} : memref<8x128xf32, #tpu.memory_space<vmem>>, vector<1x16xf32>,
        %get3A_220 = vector.shape_cast %get3A_219 : vector<1x16xf32> to vector<16xf32>
        %get3A_221 = arith.constant 1 : i32
        %get3A_222 = arith.index_cast %get3A_221 : i32 to index
        %get3A_223 = arith.constant 16 : index
        %get3A_224 = tpu.vector_load %arg7[%get3A_222, %get3A_223] {strides = array<i32>} : memref<8x128xf32, #tpu.memory_space<vmem>>, vector<1x16xf32>,
        %get3A_225 = vector.shape_cast %get3A_224 : vector<1x16xf32> to vector<16xf32>
        %get3A_226 = arith.constant 2 : i32
        %get3A_227 = arith.index_cast %get3A_226 : i32 to index
        %get3A_228 = arith.constant 16 : index
        %get3A_229 = tpu.vector_load %arg7[%get3A_227, %get3A_228] {strides = array<i32>} : memref<8x128xf32, #tpu.memory_space<vmem>>, vector<1x16xf32>,
        %get3A_230 = vector.shape_cast %get3A_229 : vector<1x16xf32> to vector<16xf32>
        %get3A_231 = arith.constant 3 : i32
        %get3A_232 = arith.index_cast %get3A_231 : i32 to index
        %get3A_233 = arith.constant 16 : index
        %get3A_234 = tpu.vector_load %arg7[%get3A_232, %get3A_233] {strides = array<i32>} : memref<8x128xf32, #tpu.memory_space<vmem>>, vector<1x16xf32>,
        %get3A_235 = vector.shape_cast %get3A_234 : vector<1x16xf32> to vector<16xf32>
        %broadcast_in_dim3A_236 = arith.constant 0.000000e+00 : f32
        %broadcast_in_dim3A_237 = vector.broadcast %broadcast_in_dim3A_236 : f32 to vector<16xf32>
        %broadcast_in_dim3A_238 = arith.constant 0.000000e+00 : f32
        %broadcast_in_dim3A_239 = vector.broadcast %broadcast_in_dim3A_238 : f32 to vector<16xf32>
        %scan3A_240 = arith.constant 0 : i32
        %scan3A_241 = arith.constant 16 : i32
        %scan3A_242 = arith.addi %scan3A_240, %scan3A_241 : i32
        %scan3A_243 = arith.constant 1 : i32
        %scan3A_244:2 = scf.for %scan3A_848 = %scan3A_240 to %scan3A_242 step %scan3A_243 iter_args(%scan3A_849 = %broadcast_in_dim3A_237, %scan3A_850 = %broadcast_in_dim3A_239) -> (vector<16xf32>, vector<16xf32>)  : i32 {
          %broadcast_in_dim3A_851 = vector.broadcast %scan3A_848 : i32 to vector<16xi32>
          %add3A_852 = arith.constant 16 : i32
          %add3A_853 = arith.addi %add3A_852, %scan3A_848 : i32
          %broadcast_in_dim3A_854 = vector.shape_cast %broadcast_in_dim3A_851 : vector<16xi32> to vector<16x1xi32>
          %gather3A = vector.shape_cast %broadcast_in_dim3A_854 : vector<16x1xi32> to vector<16xi32>
          %gather3A_855 = tpu.dynamic_gather %get3A_220[%gather3A] in [0] : vector<16xf32>, vector<16xi32> -> vector<16xf32>
          %get3A_856 = arith.index_cast %add3A_853 : i32 to index
          %get3A_857 = arith.constant 0 : index
          %get3A_858 = tpu.vector_load %arg8[%get3A_856, %get3A_857] {strides = array<i32>} : memref<1024x32xf32, #tpu.memory_space<vmem>>, vector<1x16xf32>,
          %get3A_859 = vector.shape_cast %get3A_858 : vector<1x16xf32> to vector<16xf32>
          %mul3A_860 = arith.mulf %gather3A_855, %get3A_859 : vector<16xf32>
          %add3A_861 = arith.addf %scan3A_849, %mul3A_860 : vector<16xf32>
          %get3A_862 = arith.index_cast %add3A_853 : i32 to index
          %get3A_863 = arith.constant 16 : index
          %get3A_864 = tpu.vector_load %arg8[%get3A_862, %get3A_863] {strides = array<i32>} : memref<1024x32xf32, #tpu.memory_space<vmem>>, vector<1x16xf32>,
          %get3A_865 = vector.shape_cast %get3A_864 : vector<1x16xf32> to vector<16xf32>
          %mul3A_866 = arith.mulf %gather3A_855, %get3A_865 : vector<16xf32>
          %add3A_867 = arith.addf %scan3A_850, %mul3A_866 : vector<16xf32>
          %add3A_868 = arith.constant 144 : i32
          %add3A_869 = arith.addi %add3A_868, %scan3A_848 : i32
          %broadcast_in_dim3A_870 = vector.shape_cast %broadcast_in_dim3A_851 : vector<16xi32> to vector<16x1xi32>
          %gather3A_871 = vector.shape_cast %broadcast_in_dim3A_870 : vector<16x1xi32> to vector<16xi32>
          %gather3A_872 = tpu.dynamic_gather %get3A_225[%gather3A_871] in [0] : vector<16xf32>, vector<16xi32> -> vector<16xf32>
          %get3A_873 = arith.index_cast %add3A_869 : i32 to index
          %get3A_874 = arith.constant 0 : index
          %get3A_875 = tpu.vector_load %arg8[%get3A_873, %get3A_874] {strides = array<i32>} : memref<1024x32xf32, #tpu.memory_space<vmem>>, vector<1x16xf32>,
          %get3A_876 = vector.shape_cast %get3A_875 : vector<1x16xf32> to vector<16xf32>
          %mul3A_877 = arith.mulf %gather3A_872, %get3A_876 : vector<16xf32>
          %add3A_878 = arith.addf %add3A_861, %mul3A_877 : vector<16xf32>
          %get3A_879 = arith.index_cast %add3A_869 : i32 to index
          %get3A_880 = arith.constant 16 : index
          %get3A_881 = tpu.vector_load %arg8[%get3A_879, %get3A_880] {strides = array<i32>} : memref<1024x32xf32, #tpu.memory_space<vmem>>, vector<1x16xf32>,
          %get3A_882 = vector.shape_cast %get3A_881 : vector<1x16xf32> to vector<16xf32>
          %mul3A_883 = arith.mulf %gather3A_872, %get3A_882 : vector<16xf32>
          %add3A_884 = arith.addf %add3A_867, %mul3A_883 : vector<16xf32>
          %add3A_885 = arith.constant 272 : i32
          %add3A_886 = arith.addi %add3A_885, %scan3A_848 : i32
          %broadcast_in_dim3A_887 = vector.shape_cast %broadcast_in_dim3A_851 : vector<16xi32> to vector<16x1xi32>
          %gather3A_888 = vector.shape_cast %broadcast_in_dim3A_887 : vector<16x1xi32> to vector<16xi32>
          %gather3A_889 = tpu.dynamic_gather %get3A_230[%gather3A_888] in [0] : vector<16xf32>, vector<16xi32> -> vector<16xf32>
          %get3A_890 = arith.index_cast %add3A_886 : i32 to index
          %get3A_891 = arith.constant 0 : index
          %get3A_892 = tpu.vector_load %arg8[%get3A_890, %get3A_891] {strides = array<i32>} : memref<1024x32xf32, #tpu.memory_space<vmem>>, vector<1x16xf32>,
          %get3A_893 = vector.shape_cast %get3A_892 : vector<1x16xf32> to vector<16xf32>
          %mul3A_894 = arith.mulf %gather3A_889, %get3A_893 : vector<16xf32>
          %add3A_895 = arith.addf %add3A_878, %mul3A_894 : vector<16xf32>
          %get3A_896 = arith.index_cast %add3A_886 : i32 to index
          %get3A_897 = arith.constant 16 : index
          %get3A_898 = tpu.vector_load %arg8[%get3A_896, %get3A_897] {strides = array<i32>} : memref<1024x32xf32, #tpu.memory_space<vmem>>, vector<1x16xf32>,
          %get3A_899 = vector.shape_cast %get3A_898 : vector<1x16xf32> to vector<16xf32>
          %mul3A_900 = arith.mulf %gather3A_889, %get3A_899 : vector<16xf32>
          %add3A_901 = arith.addf %add3A_884, %mul3A_900 : vector<16xf32>
          %add3A_902 = arith.constant 400 : i32
          %add3A_903 = arith.addi %add3A_902, %scan3A_848 : i32
          %broadcast_in_dim3A_904 = vector.shape_cast %broadcast_in_dim3A_851 : vector<16xi32> to vector<16x1xi32>
          %gather3A_905 = vector.shape_cast %broadcast_in_dim3A_904 : vector<16x1xi32> to vector<16xi32>
          %gather3A_906 = tpu.dynamic_gather %get3A_235[%gather3A_905] in [0] : vector<16xf32>, vector<16xi32> -> vector<16xf32>
          %get3A_907 = arith.index_cast %add3A_903 : i32 to index
          %get3A_908 = arith.constant 0 : index
          %get3A_909 = tpu.vector_load %arg8[%get3A_907, %get3A_908] {strides = array<i32>} : memref<1024x32xf32, #tpu.memory_space<vmem>>, vector<1x16xf32>,
          %get3A_910 = vector.shape_cast %get3A_909 : vector<1x16xf32> to vector<16xf32>
          %mul3A_911 = arith.mulf %gather3A_906, %get3A_910 : vector<16xf32>
          %add3A_912 = arith.addf %add3A_895, %mul3A_911 : vector<16xf32>
          %get3A_913 = arith.index_cast %add3A_903 : i32 to index
          %get3A_914 = arith.constant 16 : index
          %get3A_915 = tpu.vector_load %arg8[%get3A_913, %get3A_914] {strides = array<i32>} : memref<1024x32xf32, #tpu.memory_space<vmem>>, vector<1x16xf32>,
          %get3A_916 = vector.shape_cast %get3A_915 : vector<1x16xf32> to vector<16xf32>
          %mul3A_917 = arith.mulf %gather3A_906, %get3A_916 : vector<16xf32>
          %add3A_918 = arith.addf %add3A_901, %mul3A_917 : vector<16xf32>
          scf.yield %add3A_912, %add3A_918 : vector<16xf32>, vector<16xf32>
        }
        %scan3A_245 = arith.constant 16 : i32
        %swap3A_246 = arith.constant 1 : i32
        %swap3A_247 = arith.index_cast %swap3A_246 : i32 to index
        %swap3A_248 = arith.constant 0 : index
        %swap3A_249 = tpu.vector_load %arg9[%swap3A_247, %swap3A_248] {strides = array<i32>} : memref<16x32xf32, #tpu.memory_space<vmem>>, vector<1x16xf32>,
        %swap3A_250 = vector.shape_cast %swap3A_249 : vector<1x16xf32> to vector<16xf32>
        %swap3A_251 = vector.shape_cast %scan3A_244#0 : vector<16xf32> to vector<1x16xf32>
        tpu.vector_store %arg9[%swap3A_247, %swap3A_248], %swap3A_251 {strides = array<i32>} : memref<16x32xf32, #tpu.memory_space<vmem>>, vector<1x16xf32>,
        %swap3A_252 = arith.constant 1 : i32
        %swap3A_253 = arith.index_cast %swap3A_252 : i32 to index
        %swap3A_254 = arith.constant 16 : index
        %swap3A_255 = tpu.vector_load %arg9[%swap3A_253, %swap3A_254] {strides = array<i32>} : memref<16x32xf32, #tpu.memory_space<vmem>>, vector<1x16xf32>,
        %swap3A_256 = vector.shape_cast %swap3A_255 : vector<1x16xf32> to vector<16xf32>
        %swap3A_257 = vector.shape_cast %scan3A_244#1 : vector<16xf32> to vector<1x16xf32>
        tpu.vector_store %arg9[%swap3A_253, %swap3A_254], %swap3A_257 {strides = array<i32>} : memref<16x32xf32, #tpu.memory_space<vmem>>, vector<1x16xf32>,
        %get3A_258 = arith.constant 0 : i32
        %get3A_259 = arith.index_cast %get3A_258 : i32 to index
        %get3A_260 = arith.constant 32 : index
        %get3A_261 = tpu.vector_load %arg7[%get3A_259, %get3A_260] {strides = array<i32>} : memref<8x128xf32, #tpu.memory_space<vmem>>, vector<1x16xf32>,
        %get3A_262 = vector.shape_cast %get3A_261 : vector<1x16xf32> to vector<16xf32>
        %get3A_263 = arith.constant 1 : i32
        %get3A_264 = arith.index_cast %get3A_263 : i32 to index
        %get3A_265 = arith.constant 32 : index
        %get3A_266 = tpu.vector_load %arg7[%get3A_264, %get3A_265] {strides = array<i32>} : memref<8x128xf32, #tpu.memory_space<vmem>>, vector<1x16xf32>,
        %get3A_267 = vector.shape_cast %get3A_266 : vector<1x16xf32> to vector<16xf32>
        %get3A_268 = arith.constant 2 : i32
        %get3A_269 = arith.index_cast %get3A_268 : i32 to index
        %get3A_270 = arith.constant 32 : index
        %get3A_271 = tpu.vector_load %arg7[%get3A_269, %get3A_270] {strides = array<i32>} : memref<8x128xf32, #tpu.memory_space<vmem>>, vector<1x16xf32>,
        %get3A_272 = vector.shape_cast %get3A_271 : vector<1x16xf32> to vector<16xf32>
        %get3A_273 = arith.constant 3 : i32
        %get3A_274 = arith.index_cast %get3A_273 : i32 to index
        %get3A_275 = arith.constant 32 : index
        %get3A_276 = tpu.vector_load %arg7[%get3A_274, %get3A_275] {strides = array<i32>} : memref<8x128xf32, #tpu.memory_space<vmem>>, vector<1x16xf32>,
        %get3A_277 = vector.shape_cast %get3A_276 : vector<1x16xf32> to vector<16xf32>
        %broadcast_in_dim3A_278 = arith.constant 0.000000e+00 : f32
        %broadcast_in_dim3A_279 = vector.broadcast %broadcast_in_dim3A_278 : f32 to vector<16xf32>
        %broadcast_in_dim3A_280 = arith.constant 0.000000e+00 : f32
        %broadcast_in_dim3A_281 = vector.broadcast %broadcast_in_dim3A_280 : f32 to vector<16xf32>
        %scan3A_282 = arith.constant 0 : i32
        %scan3A_283 = arith.constant 16 : i32
        %scan3A_284 = arith.addi %scan3A_282, %scan3A_283 : i32
        %scan3A_285 = arith.constant 1 : i32
        %scan3A_286:2 = scf.for %scan3A_848 = %scan3A_282 to %scan3A_284 step %scan3A_285 iter_args(%scan3A_849 = %broadcast_in_dim3A_279, %scan3A_850 = %broadcast_in_dim3A_281) -> (vector<16xf32>, vector<16xf32>)  : i32 {
          %broadcast_in_dim3A_851 = vector.broadcast %scan3A_848 : i32 to vector<16xi32>
          %add3A_852 = arith.constant 32 : i32
          %add3A_853 = arith.addi %add3A_852, %scan3A_848 : i32
          %broadcast_in_dim3A_854 = vector.shape_cast %broadcast_in_dim3A_851 : vector<16xi32> to vector<16x1xi32>
          %gather3A = vector.shape_cast %broadcast_in_dim3A_854 : vector<16x1xi32> to vector<16xi32>
          %gather3A_855 = tpu.dynamic_gather %get3A_262[%gather3A] in [0] : vector<16xf32>, vector<16xi32> -> vector<16xf32>
          %get3A_856 = arith.index_cast %add3A_853 : i32 to index
          %get3A_857 = arith.constant 0 : index
          %get3A_858 = tpu.vector_load %arg8[%get3A_856, %get3A_857] {strides = array<i32>} : memref<1024x32xf32, #tpu.memory_space<vmem>>, vector<1x16xf32>,
          %get3A_859 = vector.shape_cast %get3A_858 : vector<1x16xf32> to vector<16xf32>
          %mul3A_860 = arith.mulf %gather3A_855, %get3A_859 : vector<16xf32>
          %add3A_861 = arith.addf %scan3A_849, %mul3A_860 : vector<16xf32>
          %get3A_862 = arith.index_cast %add3A_853 : i32 to index
          %get3A_863 = arith.constant 16 : index
          %get3A_864 = tpu.vector_load %arg8[%get3A_862, %get3A_863] {strides = array<i32>} : memref<1024x32xf32, #tpu.memory_space<vmem>>, vector<1x16xf32>,
          %get3A_865 = vector.shape_cast %get3A_864 : vector<1x16xf32> to vector<16xf32>
          %mul3A_866 = arith.mulf %gather3A_855, %get3A_865 : vector<16xf32>
          %add3A_867 = arith.addf %scan3A_850, %mul3A_866 : vector<16xf32>
          %add3A_868 = arith.constant 160 : i32
          %add3A_869 = arith.addi %add3A_868, %scan3A_848 : i32
          %broadcast_in_dim3A_870 = vector.shape_cast %broadcast_in_dim3A_851 : vector<16xi32> to vector<16x1xi32>
          %gather3A_871 = vector.shape_cast %broadcast_in_dim3A_870 : vector<16x1xi32> to vector<16xi32>
          %gather3A_872 = tpu.dynamic_gather %get3A_267[%gather3A_871] in [0] : vector<16xf32>, vector<16xi32> -> vector<16xf32>
          %get3A_873 = arith.index_cast %add3A_869 : i32 to index
          %get3A_874 = arith.constant 0 : index
          %get3A_875 = tpu.vector_load %arg8[%get3A_873, %get3A_874] {strides = array<i32>} : memref<1024x32xf32, #tpu.memory_space<vmem>>, vector<1x16xf32>,
          %get3A_876 = vector.shape_cast %get3A_875 : vector<1x16xf32> to vector<16xf32>
          %mul3A_877 = arith.mulf %gather3A_872, %get3A_876 : vector<16xf32>
          %add3A_878 = arith.addf %add3A_861, %mul3A_877 : vector<16xf32>
          %get3A_879 = arith.index_cast %add3A_869 : i32 to index
          %get3A_880 = arith.constant 16 : index
          %get3A_881 = tpu.vector_load %arg8[%get3A_879, %get3A_880] {strides = array<i32>} : memref<1024x32xf32, #tpu.memory_space<vmem>>, vector<1x16xf32>,
          %get3A_882 = vector.shape_cast %get3A_881 : vector<1x16xf32> to vector<16xf32>
          %mul3A_883 = arith.mulf %gather3A_872, %get3A_882 : vector<16xf32>
          %add3A_884 = arith.addf %add3A_867, %mul3A_883 : vector<16xf32>
          %add3A_885 = arith.constant 288 : i32
          %add3A_886 = arith.addi %add3A_885, %scan3A_848 : i32
          %broadcast_in_dim3A_887 = vector.shape_cast %broadcast_in_dim3A_851 : vector<16xi32> to vector<16x1xi32>
          %gather3A_888 = vector.shape_cast %broadcast_in_dim3A_887 : vector<16x1xi32> to vector<16xi32>
          %gather3A_889 = tpu.dynamic_gather %get3A_272[%gather3A_888] in [0] : vector<16xf32>, vector<16xi32> -> vector<16xf32>
          %get3A_890 = arith.index_cast %add3A_886 : i32 to index
          %get3A_891 = arith.constant 0 : index
          %get3A_892 = tpu.vector_load %arg8[%get3A_890, %get3A_891] {strides = array<i32>} : memref<1024x32xf32, #tpu.memory_space<vmem>>, vector<1x16xf32>,
          %get3A_893 = vector.shape_cast %get3A_892 : vector<1x16xf32> to vector<16xf32>
          %mul3A_894 = arith.mulf %gather3A_889, %get3A_893 : vector<16xf32>
          %add3A_895 = arith.addf %add3A_878, %mul3A_894 : vector<16xf32>
          %get3A_896 = arith.index_cast %add3A_886 : i32 to index
          %get3A_897 = arith.constant 16 : index
          %get3A_898 = tpu.vector_load %arg8[%get3A_896, %get3A_897] {strides = array<i32>} : memref<1024x32xf32, #tpu.memory_space<vmem>>, vector<1x16xf32>,
          %get3A_899 = vector.shape_cast %get3A_898 : vector<1x16xf32> to vector<16xf32>
          %mul3A_900 = arith.mulf %gather3A_889, %get3A_899 : vector<16xf32>
          %add3A_901 = arith.addf %add3A_884, %mul3A_900 : vector<16xf32>
          %add3A_902 = arith.constant 416 : i32
          %add3A_903 = arith.addi %add3A_902, %scan3A_848 : i32
          %broadcast_in_dim3A_904 = vector.shape_cast %broadcast_in_dim3A_851 : vector<16xi32> to vector<16x1xi32>
          %gather3A_905 = vector.shape_cast %broadcast_in_dim3A_904 : vector<16x1xi32> to vector<16xi32>
          %gather3A_906 = tpu.dynamic_gather %get3A_277[%gather3A_905] in [0] : vector<16xf32>, vector<16xi32> -> vector<16xf32>
          %get3A_907 = arith.index_cast %add3A_903 : i32 to index
          %get3A_908 = arith.constant 0 : index
          %get3A_909 = tpu.vector_load %arg8[%get3A_907, %get3A_908] {strides = array<i32>} : memref<1024x32xf32, #tpu.memory_space<vmem>>, vector<1x16xf32>,
          %get3A_910 = vector.shape_cast %get3A_909 : vector<1x16xf32> to vector<16xf32>
          %mul3A_911 = arith.mulf %gather3A_906, %get3A_910 : vector<16xf32>
          %add3A_912 = arith.addf %add3A_895, %mul3A_911 : vector<16xf32>
          %get3A_913 = arith.index_cast %add3A_903 : i32 to index
          %get3A_914 = arith.constant 16 : index
          %get3A_915 = tpu.vector_load %arg8[%get3A_913, %get3A_914] {strides = array<i32>} : memref<1024x32xf32, #tpu.memory_space<vmem>>, vector<1x16xf32>,
          %get3A_916 = vector.shape_cast %get3A_915 : vector<1x16xf32> to vector<16xf32>
          %mul3A_917 = arith.mulf %gather3A_906, %get3A_916 : vector<16xf32>
          %add3A_918 = arith.addf %add3A_901, %mul3A_917 : vector<16xf32>
          scf.yield %add3A_912, %add3A_918 : vector<16xf32>, vector<16xf32>
        }
        %scan3A_287 = arith.constant 16 : i32
        %swap3A_288 = arith.constant 2 : i32
        %swap3A_289 = arith.index_cast %swap3A_288 : i32 to index
        %swap3A_290 = arith.constant 0 : index
        %swap3A_291 = tpu.vector_load %arg9[%swap3A_289, %swap3A_290] {strides = array<i32>} : memref<16x32xf32, #tpu.memory_space<vmem>>, vector<1x16xf32>,
        %swap3A_292 = vector.shape_cast %swap3A_291 : vector<1x16xf32> to vector<16xf32>
        %swap3A_293 = vector.shape_cast %scan3A_286#0 : vector<16xf32> to vector<1x16xf32>
        tpu.vector_store %arg9[%swap3A_289, %swap3A_290], %swap3A_293 {strides = array<i32>} : memref<16x32xf32, #tpu.memory_space<vmem>>, vector<1x16xf32>,
        %swap3A_294 = arith.constant 2 : i32
        %swap3A_295 = arith.index_cast %swap3A_294 : i32 to index
        %swap3A_296 = arith.constant 16 : index
        %swap3A_297 = tpu.vector_load %arg9[%swap3A_295, %swap3A_296] {strides = array<i32>} : memref<16x32xf32, #tpu.memory_space<vmem>>, vector<1x16xf32>,
        %swap3A_298 = vector.shape_cast %swap3A_297 : vector<1x16xf32> to vector<16xf32>
        %swap3A_299 = vector.shape_cast %scan3A_286#1 : vector<16xf32> to vector<1x16xf32>
        tpu.vector_store %arg9[%swap3A_295, %swap3A_296], %swap3A_299 {strides = array<i32>} : memref<16x32xf32, #tpu.memory_space<vmem>>, vector<1x16xf32>,
        %get3A_300 = arith.constant 0 : i32
        %get3A_301 = arith.index_cast %get3A_300 : i32 to index
        %get3A_302 = arith.constant 48 : index
        %get3A_303 = tpu.vector_load %arg7[%get3A_301, %get3A_302] {strides = array<i32>} : memref<8x128xf32, #tpu.memory_space<vmem>>, vector<1x16xf32>,
        %get3A_304 = vector.shape_cast %get3A_303 : vector<1x16xf32> to vector<16xf32>
        %get3A_305 = arith.constant 1 : i32
        %get3A_306 = arith.index_cast %get3A_305 : i32 to index
        %get3A_307 = arith.constant 48 : index
        %get3A_308 = tpu.vector_load %arg7[%get3A_306, %get3A_307] {strides = array<i32>} : memref<8x128xf32, #tpu.memory_space<vmem>>, vector<1x16xf32>,
        %get3A_309 = vector.shape_cast %get3A_308 : vector<1x16xf32> to vector<16xf32>
        %get3A_310 = arith.constant 2 : i32
        %get3A_311 = arith.index_cast %get3A_310 : i32 to index
        %get3A_312 = arith.constant 48 : index
        %get3A_313 = tpu.vector_load %arg7[%get3A_311, %get3A_312] {strides = array<i32>} : memref<8x128xf32, #tpu.memory_space<vmem>>, vector<1x16xf32>,
        %get3A_314 = vector.shape_cast %get3A_313 : vector<1x16xf32> to vector<16xf32>
        %get3A_315 = arith.constant 3 : i32
        %get3A_316 = arith.index_cast %get3A_315 : i32 to index
        %get3A_317 = arith.constant 48 : index
        %get3A_318 = tpu.vector_load %arg7[%get3A_316, %get3A_317] {strides = array<i32>} : memref<8x128xf32, #tpu.memory_space<vmem>>, vector<1x16xf32>,
        %get3A_319 = vector.shape_cast %get3A_318 : vector<1x16xf32> to vector<16xf32>
        %broadcast_in_dim3A_320 = arith.constant 0.000000e+00 : f32
        %broadcast_in_dim3A_321 = vector.broadcast %broadcast_in_dim3A_320 : f32 to vector<16xf32>
        %broadcast_in_dim3A_322 = arith.constant 0.000000e+00 : f32
        %broadcast_in_dim3A_323 = vector.broadcast %broadcast_in_dim3A_322 : f32 to vector<16xf32>
        %scan3A_324 = arith.constant 0 : i32
        %scan3A_325 = arith.constant 16 : i32
        %scan3A_326 = arith.addi %scan3A_324, %scan3A_325 : i32
        %scan3A_327 = arith.constant 1 : i32
        %scan3A_328:2 = scf.for %scan3A_848 = %scan3A_324 to %scan3A_326 step %scan3A_327 iter_args(%scan3A_849 = %broadcast_in_dim3A_321, %scan3A_850 = %broadcast_in_dim3A_323) -> (vector<16xf32>, vector<16xf32>)  : i32 {
          %broadcast_in_dim3A_851 = vector.broadcast %scan3A_848 : i32 to vector<16xi32>
          %add3A_852 = arith.constant 48 : i32
          %add3A_853 = arith.addi %add3A_852, %scan3A_848 : i32
          %broadcast_in_dim3A_854 = vector.shape_cast %broadcast_in_dim3A_851 : vector<16xi32> to vector<16x1xi32>
          %gather3A = vector.shape_cast %broadcast_in_dim3A_854 : vector<16x1xi32> to vector<16xi32>
          %gather3A_855 = tpu.dynamic_gather %get3A_304[%gather3A] in [0] : vector<16xf32>, vector<16xi32> -> vector<16xf32>
          %get3A_856 = arith.index_cast %add3A_853 : i32 to index
          %get3A_857 = arith.constant 0 : index
          %get3A_858 = tpu.vector_load %arg8[%get3A_856, %get3A_857] {strides = array<i32>} : memref<1024x32xf32, #tpu.memory_space<vmem>>, vector<1x16xf32>,
          %get3A_859 = vector.shape_cast %get3A_858 : vector<1x16xf32> to vector<16xf32>
          %mul3A_860 = arith.mulf %gather3A_855, %get3A_859 : vector<16xf32>
          %add3A_861 = arith.addf %scan3A_849, %mul3A_860 : vector<16xf32>
          %get3A_862 = arith.index_cast %add3A_853 : i32 to index
          %get3A_863 = arith.constant 16 : index
          %get3A_864 = tpu.vector_load %arg8[%get3A_862, %get3A_863] {strides = array<i32>} : memref<1024x32xf32, #tpu.memory_space<vmem>>, vector<1x16xf32>,
          %get3A_865 = vector.shape_cast %get3A_864 : vector<1x16xf32> to vector<16xf32>
          %mul3A_866 = arith.mulf %gather3A_855, %get3A_865 : vector<16xf32>
          %add3A_867 = arith.addf %scan3A_850, %mul3A_866 : vector<16xf32>
          %add3A_868 = arith.constant 176 : i32
          %add3A_869 = arith.addi %add3A_868, %scan3A_848 : i32
          %broadcast_in_dim3A_870 = vector.shape_cast %broadcast_in_dim3A_851 : vector<16xi32> to vector<16x1xi32>
          %gather3A_871 = vector.shape_cast %broadcast_in_dim3A_870 : vector<16x1xi32> to vector<16xi32>
          %gather3A_872 = tpu.dynamic_gather %get3A_309[%gather3A_871] in [0] : vector<16xf32>, vector<16xi32> -> vector<16xf32>
          %get3A_873 = arith.index_cast %add3A_869 : i32 to index
          %get3A_874 = arith.constant 0 : index
          %get3A_875 = tpu.vector_load %arg8[%get3A_873, %get3A_874] {strides = array<i32>} : memref<1024x32xf32, #tpu.memory_space<vmem>>, vector<1x16xf32>,
          %get3A_876 = vector.shape_cast %get3A_875 : vector<1x16xf32> to vector<16xf32>
          %mul3A_877 = arith.mulf %gather3A_872, %get3A_876 : vector<16xf32>
          %add3A_878 = arith.addf %add3A_861, %mul3A_877 : vector<16xf32>
          %get3A_879 = arith.index_cast %add3A_869 : i32 to index
          %get3A_880 = arith.constant 16 : index
          %get3A_881 = tpu.vector_load %arg8[%get3A_879, %get3A_880] {strides = array<i32>} : memref<1024x32xf32, #tpu.memory_space<vmem>>, vector<1x16xf32>,
          %get3A_882 = vector.shape_cast %get3A_881 : vector<1x16xf32> to vector<16xf32>
          %mul3A_883 = arith.mulf %gather3A_872, %get3A_882 : vector<16xf32>
          %add3A_884 = arith.addf %add3A_867, %mul3A_883 : vector<16xf32>
          %add3A_885 = arith.constant 304 : i32
          %add3A_886 = arith.addi %add3A_885, %scan3A_848 : i32
          %broadcast_in_dim3A_887 = vector.shape_cast %broadcast_in_dim3A_851 : vector<16xi32> to vector<16x1xi32>
          %gather3A_888 = vector.shape_cast %broadcast_in_dim3A_887 : vector<16x1xi32> to vector<16xi32>
          %gather3A_889 = tpu.dynamic_gather %get3A_314[%gather3A_888] in [0] : vector<16xf32>, vector<16xi32> -> vector<16xf32>
          %get3A_890 = arith.index_cast %add3A_886 : i32 to index
          %get3A_891 = arith.constant 0 : index
          %get3A_892 = tpu.vector_load %arg8[%get3A_890, %get3A_891] {strides = array<i32>} : memref<1024x32xf32, #tpu.memory_space<vmem>>, vector<1x16xf32>,
          %get3A_893 = vector.shape_cast %get3A_892 : vector<1x16xf32> to vector<16xf32>
          %mul3A_894 = arith.mulf %gather3A_889, %get3A_893 : vector<16xf32>
          %add3A_895 = arith.addf %add3A_878, %mul3A_894 : vector<16xf32>
          %get3A_896 = arith.index_cast %add3A_886 : i32 to index
          %get3A_897 = arith.constant 16 : index
          %get3A_898 = tpu.vector_load %arg8[%get3A_896, %get3A_897] {strides = array<i32>} : memref<1024x32xf32, #tpu.memory_space<vmem>>, vector<1x16xf32>,
          %get3A_899 = vector.shape_cast %get3A_898 : vector<1x16xf32> to vector<16xf32>
          %mul3A_900 = arith.mulf %gather3A_889, %get3A_899 : vector<16xf32>
          %add3A_901 = arith.addf %add3A_884, %mul3A_900 : vector<16xf32>
          %add3A_902 = arith.constant 432 : i32
          %add3A_903 = arith.addi %add3A_902, %scan3A_848 : i32
          %broadcast_in_dim3A_904 = vector.shape_cast %broadcast_in_dim3A_851 : vector<16xi32> to vector<16x1xi32>
          %gather3A_905 = vector.shape_cast %broadcast_in_dim3A_904 : vector<16x1xi32> to vector<16xi32>
          %gather3A_906 = tpu.dynamic_gather %get3A_319[%gather3A_905] in [0] : vector<16xf32>, vector<16xi32> -> vector<16xf32>
          %get3A_907 = arith.index_cast %add3A_903 : i32 to index
          %get3A_908 = arith.constant 0 : index
          %get3A_909 = tpu.vector_load %arg8[%get3A_907, %get3A_908] {strides = array<i32>} : memref<1024x32xf32, #tpu.memory_space<vmem>>, vector<1x16xf32>,
          %get3A_910 = vector.shape_cast %get3A_909 : vector<1x16xf32> to vector<16xf32>
          %mul3A_911 = arith.mulf %gather3A_906, %get3A_910 : vector<16xf32>
          %add3A_912 = arith.addf %add3A_895, %mul3A_911 : vector<16xf32>
          %get3A_913 = arith.index_cast %add3A_903 : i32 to index
          %get3A_914 = arith.constant 16 : index
          %get3A_915 = tpu.vector_load %arg8[%get3A_913, %get3A_914] {strides = array<i32>} : memref<1024x32xf32, #tpu.memory_space<vmem>>, vector<1x16xf32>,
          %get3A_916 = vector.shape_cast %get3A_915 : vector<1x16xf32> to vector<16xf32>
          %mul3A_917 = arith.mulf %gather3A_906, %get3A_916 : vector<16xf32>
          %add3A_918 = arith.addf %add3A_901, %mul3A_917 : vector<16xf32>
          scf.yield %add3A_912, %add3A_918 : vector<16xf32>, vector<16xf32>
        }
        %scan3A_329 = arith.constant 16 : i32
        %swap3A_330 = arith.constant 3 : i32
        %swap3A_331 = arith.index_cast %swap3A_330 : i32 to index
        %swap3A_332 = arith.constant 0 : index
        %swap3A_333 = tpu.vector_load %arg9[%swap3A_331, %swap3A_332] {strides = array<i32>} : memref<16x32xf32, #tpu.memory_space<vmem>>, vector<1x16xf32>,
        %swap3A_334 = vector.shape_cast %swap3A_333 : vector<1x16xf32> to vector<16xf32>
        %swap3A_335 = vector.shape_cast %scan3A_328#0 : vector<16xf32> to vector<1x16xf32>
        tpu.vector_store %arg9[%swap3A_331, %swap3A_332], %swap3A_335 {strides = array<i32>} : memref<16x32xf32, #tpu.memory_space<vmem>>, vector<1x16xf32>,
        %swap3A_336 = arith.constant 3 : i32
        %swap3A_337 = arith.index_cast %swap3A_336 : i32 to index
        %swap3A_338 = arith.constant 16 : index
        %swap3A_339 = tpu.vector_load %arg9[%swap3A_337, %swap3A_338] {strides = array<i32>} : memref<16x32xf32, #tpu.memory_space<vmem>>, vector<1x16xf32>,
        %swap3A_340 = vector.shape_cast %swap3A_339 : vector<1x16xf32> to vector<16xf32>
        %swap3A_341 = vector.shape_cast %scan3A_328#1 : vector<16xf32> to vector<1x16xf32>
        tpu.vector_store %arg9[%swap3A_337, %swap3A_338], %swap3A_341 {strides = array<i32>} : memref<16x32xf32, #tpu.memory_space<vmem>>, vector<1x16xf32>,
        %get3A_342 = arith.constant 0 : i32
        %get3A_343 = arith.index_cast %get3A_342 : i32 to index
        %get3A_344 = arith.constant 64 : index
        %get3A_345 = tpu.vector_load %arg7[%get3A_343, %get3A_344] {strides = array<i32>} : memref<8x128xf32, #tpu.memory_space<vmem>>, vector<1x16xf32>,
        %get3A_346 = vector.shape_cast %get3A_345 : vector<1x16xf32> to vector<16xf32>
        %get3A_347 = arith.constant 1 : i32
        %get3A_348 = arith.index_cast %get3A_347 : i32 to index
        %get3A_349 = arith.constant 64 : index
        %get3A_350 = tpu.vector_load %arg7[%get3A_348, %get3A_349] {strides = array<i32>} : memref<8x128xf32, #tpu.memory_space<vmem>>, vector<1x16xf32>,
        %get3A_351 = vector.shape_cast %get3A_350 : vector<1x16xf32> to vector<16xf32>
        %get3A_352 = arith.constant 2 : i32
        %get3A_353 = arith.index_cast %get3A_352 : i32 to index
        %get3A_354 = arith.constant 64 : index
        %get3A_355 = tpu.vector_load %arg7[%get3A_353, %get3A_354] {strides = array<i32>} : memref<8x128xf32, #tpu.memory_space<vmem>>, vector<1x16xf32>,
        %get3A_356 = vector.shape_cast %get3A_355 : vector<1x16xf32> to vector<16xf32>
        %get3A_357 = arith.constant 3 : i32
        %get3A_358 = arith.index_cast %get3A_357 : i32 to index
        %get3A_359 = arith.constant 64 : index
        %get3A_360 = tpu.vector_load %arg7[%get3A_358, %get3A_359] {strides = array<i32>} : memref<8x128xf32, #tpu.memory_space<vmem>>, vector<1x16xf32>,
        %get3A_361 = vector.shape_cast %get3A_360 : vector<1x16xf32> to vector<16xf32>
        %broadcast_in_dim3A_362 = arith.constant 0.000000e+00 : f32
        %broadcast_in_dim3A_363 = vector.broadcast %broadcast_in_dim3A_362 : f32 to vector<16xf32>
        %broadcast_in_dim3A_364 = arith.constant 0.000000e+00 : f32
        %broadcast_in_dim3A_365 = vector.broadcast %broadcast_in_dim3A_364 : f32 to vector<16xf32>
        %scan3A_366 = arith.constant 0 : i32
        %scan3A_367 = arith.constant 16 : i32
        %scan3A_368 = arith.addi %scan3A_366, %scan3A_367 : i32
        %scan3A_369 = arith.constant 1 : i32
        %scan3A_370:2 = scf.for %scan3A_848 = %scan3A_366 to %scan3A_368 step %scan3A_369 iter_args(%scan3A_849 = %broadcast_in_dim3A_363, %scan3A_850 = %broadcast_in_dim3A_365) -> (vector<16xf32>, vector<16xf32>)  : i32 {
          %broadcast_in_dim3A_851 = vector.broadcast %scan3A_848 : i32 to vector<16xi32>
          %add3A_852 = arith.constant 64 : i32
          %add3A_853 = arith.addi %add3A_852, %scan3A_848 : i32
          %broadcast_in_dim3A_854 = vector.shape_cast %broadcast_in_dim3A_851 : vector<16xi32> to vector<16x1xi32>
          %gather3A = vector.shape_cast %broadcast_in_dim3A_854 : vector<16x1xi32> to vector<16xi32>
          %gather3A_855 = tpu.dynamic_gather %get3A_346[%gather3A] in [0] : vector<16xf32>, vector<16xi32> -> vector<16xf32>
          %get3A_856 = arith.index_cast %add3A_853 : i32 to index
          %get3A_857 = arith.constant 0 : index
          %get3A_858 = tpu.vector_load %arg8[%get3A_856, %get3A_857] {strides = array<i32>} : memref<1024x32xf32, #tpu.memory_space<vmem>>, vector<1x16xf32>,
          %get3A_859 = vector.shape_cast %get3A_858 : vector<1x16xf32> to vector<16xf32>
          %mul3A_860 = arith.mulf %gather3A_855, %get3A_859 : vector<16xf32>
          %add3A_861 = arith.addf %scan3A_849, %mul3A_860 : vector<16xf32>
          %get3A_862 = arith.index_cast %add3A_853 : i32 to index
          %get3A_863 = arith.constant 16 : index
          %get3A_864 = tpu.vector_load %arg8[%get3A_862, %get3A_863] {strides = array<i32>} : memref<1024x32xf32, #tpu.memory_space<vmem>>, vector<1x16xf32>,
          %get3A_865 = vector.shape_cast %get3A_864 : vector<1x16xf32> to vector<16xf32>
          %mul3A_866 = arith.mulf %gather3A_855, %get3A_865 : vector<16xf32>
          %add3A_867 = arith.addf %scan3A_850, %mul3A_866 : vector<16xf32>
          %add3A_868 = arith.constant 192 : i32
          %add3A_869 = arith.addi %add3A_868, %scan3A_848 : i32
          %broadcast_in_dim3A_870 = vector.shape_cast %broadcast_in_dim3A_851 : vector<16xi32> to vector<16x1xi32>
          %gather3A_871 = vector.shape_cast %broadcast_in_dim3A_870 : vector<16x1xi32> to vector<16xi32>
          %gather3A_872 = tpu.dynamic_gather %get3A_351[%gather3A_871] in [0] : vector<16xf32>, vector<16xi32> -> vector<16xf32>
          %get3A_873 = arith.index_cast %add3A_869 : i32 to index
          %get3A_874 = arith.constant 0 : index
          %get3A_875 = tpu.vector_load %arg8[%get3A_873, %get3A_874] {strides = array<i32>} : memref<1024x32xf32, #tpu.memory_space<vmem>>, vector<1x16xf32>,
          %get3A_876 = vector.shape_cast %get3A_875 : vector<1x16xf32> to vector<16xf32>
          %mul3A_877 = arith.mulf %gather3A_872, %get3A_876 : vector<16xf32>
          %add3A_878 = arith.addf %add3A_861, %mul3A_877 : vector<16xf32>
          %get3A_879 = arith.index_cast %add3A_869 : i32 to index
          %get3A_880 = arith.constant 16 : index
          %get3A_881 = tpu.vector_load %arg8[%get3A_879, %get3A_880] {strides = array<i32>} : memref<1024x32xf32, #tpu.memory_space<vmem>>, vector<1x16xf32>,
          %get3A_882 = vector.shape_cast %get3A_881 : vector<1x16xf32> to vector<16xf32>
          %mul3A_883 = arith.mulf %gather3A_872, %get3A_882 : vector<16xf32>
          %add3A_884 = arith.addf %add3A_867, %mul3A_883 : vector<16xf32>
          %add3A_885 = arith.constant 320 : i32
          %add3A_886 = arith.addi %add3A_885, %scan3A_848 : i32
          %broadcast_in_dim3A_887 = vector.shape_cast %broadcast_in_dim3A_851 : vector<16xi32> to vector<16x1xi32>
          %gather3A_888 = vector.shape_cast %broadcast_in_dim3A_887 : vector<16x1xi32> to vector<16xi32>
          %gather3A_889 = tpu.dynamic_gather %get3A_356[%gather3A_888] in [0] : vector<16xf32>, vector<16xi32> -> vector<16xf32>
          %get3A_890 = arith.index_cast %add3A_886 : i32 to index
          %get3A_891 = arith.constant 0 : index
          %get3A_892 = tpu.vector_load %arg8[%get3A_890, %get3A_891] {strides = array<i32>} : memref<1024x32xf32, #tpu.memory_space<vmem>>, vector<1x16xf32>,
          %get3A_893 = vector.shape_cast %get3A_892 : vector<1x16xf32> to vector<16xf32>
          %mul3A_894 = arith.mulf %gather3A_889, %get3A_893 : vector<16xf32>
          %add3A_895 = arith.addf %add3A_878, %mul3A_894 : vector<16xf32>
          %get3A_896 = arith.index_cast %add3A_886 : i32 to index
          %get3A_897 = arith.constant 16 : index
          %get3A_898 = tpu.vector_load %arg8[%get3A_896, %get3A_897] {strides = array<i32>} : memref<1024x32xf32, #tpu.memory_space<vmem>>, vector<1x16xf32>,
          %get3A_899 = vector.shape_cast %get3A_898 : vector<1x16xf32> to vector<16xf32>
          %mul3A_900 = arith.mulf %gather3A_889, %get3A_899 : vector<16xf32>
          %add3A_901 = arith.addf %add3A_884, %mul3A_900 : vector<16xf32>
          %add3A_902 = arith.constant 448 : i32
          %add3A_903 = arith.addi %add3A_902, %scan3A_848 : i32
          %broadcast_in_dim3A_904 = vector.shape_cast %broadcast_in_dim3A_851 : vector<16xi32> to vector<16x1xi32>
          %gather3A_905 = vector.shape_cast %broadcast_in_dim3A_904 : vector<16x1xi32> to vector<16xi32>
          %gather3A_906 = tpu.dynamic_gather %get3A_361[%gather3A_905] in [0] : vector<16xf32>, vector<16xi32> -> vector<16xf32>
          %get3A_907 = arith.index_cast %add3A_903 : i32 to index
          %get3A_908 = arith.constant 0 : index
          %get3A_909 = tpu.vector_load %arg8[%get3A_907, %get3A_908] {strides = array<i32>} : memref<1024x32xf32, #tpu.memory_space<vmem>>, vector<1x16xf32>,
          %get3A_910 = vector.shape_cast %get3A_909 : vector<1x16xf32> to vector<16xf32>
          %mul3A_911 = arith.mulf %gather3A_906, %get3A_910 : vector<16xf32>
          %add3A_912 = arith.addf %add3A_895, %mul3A_911 : vector<16xf32>
          %get3A_913 = arith.index_cast %add3A_903 : i32 to index
          %get3A_914 = arith.constant 16 : index
          %get3A_915 = tpu.vector_load %arg8[%get3A_913, %get3A_914] {strides = array<i32>} : memref<1024x32xf32, #tpu.memory_space<vmem>>, vector<1x16xf32>,
          %get3A_916 = vector.shape_cast %get3A_915 : vector<1x16xf32> to vector<16xf32>
          %mul3A_917 = arith.mulf %gather3A_906, %get3A_916 : vector<16xf32>
          %add3A_918 = arith.addf %add3A_901, %mul3A_917 : vector<16xf32>
          scf.yield %add3A_912, %add3A_918 : vector<16xf32>, vector<16xf32>
        }
        %scan3A_371 = arith.constant 16 : i32
        %swap3A_372 = arith.constant 4 : i32
        %swap3A_373 = arith.index_cast %swap3A_372 : i32 to index
        %swap3A_374 = arith.constant 0 : index
        %swap3A_375 = tpu.vector_load %arg9[%swap3A_373, %swap3A_374] {strides = array<i32>} : memref<16x32xf32, #tpu.memory_space<vmem>>, vector<1x16xf32>,
        %swap3A_376 = vector.shape_cast %swap3A_375 : vector<1x16xf32> to vector<16xf32>
        %swap3A_377 = vector.shape_cast %scan3A_370#0 : vector<16xf32> to vector<1x16xf32>
        tpu.vector_store %arg9[%swap3A_373, %swap3A_374], %swap3A_377 {strides = array<i32>} : memref<16x32xf32, #tpu.memory_space<vmem>>, vector<1x16xf32>,
        %swap3A_378 = arith.constant 4 : i32
        %swap3A_379 = arith.index_cast %swap3A_378 : i32 to index
        %swap3A_380 = arith.constant 16 : index
        %swap3A_381 = tpu.vector_load %arg9[%swap3A_379, %swap3A_380] {strides = array<i32>} : memref<16x32xf32, #tpu.memory_space<vmem>>, vector<1x16xf32>,
        %swap3A_382 = vector.shape_cast %swap3A_381 : vector<1x16xf32> to vector<16xf32>
        %swap3A_383 = vector.shape_cast %scan3A_370#1 : vector<16xf32> to vector<1x16xf32>
        tpu.vector_store %arg9[%swap3A_379, %swap3A_380], %swap3A_383 {strides = array<i32>} : memref<16x32xf32, #tpu.memory_space<vmem>>, vector<1x16xf32>,
        %get3A_384 = arith.constant 0 : i32
        %get3A_385 = arith.index_cast %get3A_384 : i32 to index
        %get3A_386 = arith.constant 80 : index
        %get3A_387 = tpu.vector_load %arg7[%get3A_385, %get3A_386] {strides = array<i32>} : memref<8x128xf32, #tpu.memory_space<vmem>>, vector<1x16xf32>,
        %get3A_388 = vector.shape_cast %get3A_387 : vector<1x16xf32> to vector<16xf32>
        %get3A_389 = arith.constant 1 : i32
        %get3A_390 = arith.index_cast %get3A_389 : i32 to index
        %get3A_391 = arith.constant 80 : index
        %get3A_392 = tpu.vector_load %arg7[%get3A_390, %get3A_391] {strides = array<i32>} : memref<8x128xf32, #tpu.memory_space<vmem>>, vector<1x16xf32>,
        %get3A_393 = vector.shape_cast %get3A_392 : vector<1x16xf32> to vector<16xf32>
        %get3A_394 = arith.constant 2 : i32
        %get3A_395 = arith.index_cast %get3A_394 : i32 to index
        %get3A_396 = arith.constant 80 : index
        %get3A_397 = tpu.vector_load %arg7[%get3A_395, %get3A_396] {strides = array<i32>} : memref<8x128xf32, #tpu.memory_space<vmem>>, vector<1x16xf32>,
        %get3A_398 = vector.shape_cast %get3A_397 : vector<1x16xf32> to vector<16xf32>
        %get3A_399 = arith.constant 3 : i32
        %get3A_400 = arith.index_cast %get3A_399 : i32 to index
        %get3A_401 = arith.constant 80 : index
        %get3A_402 = tpu.vector_load %arg7[%get3A_400, %get3A_401] {strides = array<i32>} : memref<8x128xf32, #tpu.memory_space<vmem>>, vector<1x16xf32>,
        %get3A_403 = vector.shape_cast %get3A_402 : vector<1x16xf32> to vector<16xf32>
        %broadcast_in_dim3A_404 = arith.constant 0.000000e+00 : f32
        %broadcast_in_dim3A_405 = vector.broadcast %broadcast_in_dim3A_404 : f32 to vector<16xf32>
        %broadcast_in_dim3A_406 = arith.constant 0.000000e+00 : f32
        %broadcast_in_dim3A_407 = vector.broadcast %broadcast_in_dim3A_406 : f32 to vector<16xf32>
        %scan3A_408 = arith.constant 0 : i32
        %scan3A_409 = arith.constant 16 : i32
        %scan3A_410 = arith.addi %scan3A_408, %scan3A_409 : i32
        %scan3A_411 = arith.constant 1 : i32
        %scan3A_412:2 = scf.for %scan3A_848 = %scan3A_408 to %scan3A_410 step %scan3A_411 iter_args(%scan3A_849 = %broadcast_in_dim3A_405, %scan3A_850 = %broadcast_in_dim3A_407) -> (vector<16xf32>, vector<16xf32>)  : i32 {
          %broadcast_in_dim3A_851 = vector.broadcast %scan3A_848 : i32 to vector<16xi32>
          %add3A_852 = arith.constant 80 : i32
          %add3A_853 = arith.addi %add3A_852, %scan3A_848 : i32
          %broadcast_in_dim3A_854 = vector.shape_cast %broadcast_in_dim3A_851 : vector<16xi32> to vector<16x1xi32>
          %gather3A = vector.shape_cast %broadcast_in_dim3A_854 : vector<16x1xi32> to vector<16xi32>
          %gather3A_855 = tpu.dynamic_gather %get3A_388[%gather3A] in [0] : vector<16xf32>, vector<16xi32> -> vector<16xf32>
          %get3A_856 = arith.index_cast %add3A_853 : i32 to index
          %get3A_857 = arith.constant 0 : index
          %get3A_858 = tpu.vector_load %arg8[%get3A_856, %get3A_857] {strides = array<i32>} : memref<1024x32xf32, #tpu.memory_space<vmem>>, vector<1x16xf32>,
          %get3A_859 = vector.shape_cast %get3A_858 : vector<1x16xf32> to vector<16xf32>
          %mul3A_860 = arith.mulf %gather3A_855, %get3A_859 : vector<16xf32>
          %add3A_861 = arith.addf %scan3A_849, %mul3A_860 : vector<16xf32>
          %get3A_862 = arith.index_cast %add3A_853 : i32 to index
          %get3A_863 = arith.constant 16 : index
          %get3A_864 = tpu.vector_load %arg8[%get3A_862, %get3A_863] {strides = array<i32>} : memref<1024x32xf32, #tpu.memory_space<vmem>>, vector<1x16xf32>,
          %get3A_865 = vector.shape_cast %get3A_864 : vector<1x16xf32> to vector<16xf32>
          %mul3A_866 = arith.mulf %gather3A_855, %get3A_865 : vector<16xf32>
          %add3A_867 = arith.addf %scan3A_850, %mul3A_866 : vector<16xf32>
          %add3A_868 = arith.constant 208 : i32
          %add3A_869 = arith.addi %add3A_868, %scan3A_848 : i32
          %broadcast_in_dim3A_870 = vector.shape_cast %broadcast_in_dim3A_851 : vector<16xi32> to vector<16x1xi32>
          %gather3A_871 = vector.shape_cast %broadcast_in_dim3A_870 : vector<16x1xi32> to vector<16xi32>
          %gather3A_872 = tpu.dynamic_gather %get3A_393[%gather3A_871] in [0] : vector<16xf32>, vector<16xi32> -> vector<16xf32>
          %get3A_873 = arith.index_cast %add3A_869 : i32 to index
          %get3A_874 = arith.constant 0 : index
          %get3A_875 = tpu.vector_load %arg8[%get3A_873, %get3A_874] {strides = array<i32>} : memref<1024x32xf32, #tpu.memory_space<vmem>>, vector<1x16xf32>,
          %get3A_876 = vector.shape_cast %get3A_875 : vector<1x16xf32> to vector<16xf32>
          %mul3A_877 = arith.mulf %gather3A_872, %get3A_876 : vector<16xf32>
          %add3A_878 = arith.addf %add3A_861, %mul3A_877 : vector<16xf32>
          %get3A_879 = arith.index_cast %add3A_869 : i32 to index
          %get3A_880 = arith.constant 16 : index
          %get3A_881 = tpu.vector_load %arg8[%get3A_879, %get3A_880] {strides = array<i32>} : memref<1024x32xf32, #tpu.memory_space<vmem>>, vector<1x16xf32>,
          %get3A_882 = vector.shape_cast %get3A_881 : vector<1x16xf32> to vector<16xf32>
          %mul3A_883 = arith.mulf %gather3A_872, %get3A_882 : vector<16xf32>
          %add3A_884 = arith.addf %add3A_867, %mul3A_883 : vector<16xf32>
          %add3A_885 = arith.constant 336 : i32
          %add3A_886 = arith.addi %add3A_885, %scan3A_848 : i32
          %broadcast_in_dim3A_887 = vector.shape_cast %broadcast_in_dim3A_851 : vector<16xi32> to vector<16x1xi32>
          %gather3A_888 = vector.shape_cast %broadcast_in_dim3A_887 : vector<16x1xi32> to vector<16xi32>
          %gather3A_889 = tpu.dynamic_gather %get3A_398[%gather3A_888] in [0] : vector<16xf32>, vector<16xi32> -> vector<16xf32>
          %get3A_890 = arith.index_cast %add3A_886 : i32 to index
          %get3A_891 = arith.constant 0 : index
          %get3A_892 = tpu.vector_load %arg8[%get3A_890, %get3A_891] {strides = array<i32>} : memref<1024x32xf32, #tpu.memory_space<vmem>>, vector<1x16xf32>,
          %get3A_893 = vector.shape_cast %get3A_892 : vector<1x16xf32> to vector<16xf32>
          %mul3A_894 = arith.mulf %gather3A_889, %get3A_893 : vector<16xf32>
          %add3A_895 = arith.addf %add3A_878, %mul3A_894 : vector<16xf32>
          %get3A_896 = arith.index_cast %add3A_886 : i32 to index
          %get3A_897 = arith.constant 16 : index
          %get3A_898 = tpu.vector_load %arg8[%get3A_896, %get3A_897] {strides = array<i32>} : memref<1024x32xf32, #tpu.memory_space<vmem>>, vector<1x16xf32>,
          %get3A_899 = vector.shape_cast %get3A_898 : vector<1x16xf32> to vector<16xf32>
          %mul3A_900 = arith.mulf %gather3A_889, %get3A_899 : vector<16xf32>
          %add3A_901 = arith.addf %add3A_884, %mul3A_900 : vector<16xf32>
          %add3A_902 = arith.constant 464 : i32
          %add3A_903 = arith.addi %add3A_902, %scan3A_848 : i32
          %broadcast_in_dim3A_904 = vector.shape_cast %broadcast_in_dim3A_851 : vector<16xi32> to vector<16x1xi32>
          %gather3A_905 = vector.shape_cast %broadcast_in_dim3A_904 : vector<16x1xi32> to vector<16xi32>
          %gather3A_906 = tpu.dynamic_gather %get3A_403[%gather3A_905] in [0] : vector<16xf32>, vector<16xi32> -> vector<16xf32>
          %get3A_907 = arith.index_cast %add3A_903 : i32 to index
          %get3A_908 = arith.constant 0 : index
          %get3A_909 = tpu.vector_load %arg8[%get3A_907, %get3A_908] {strides = array<i32>} : memref<1024x32xf32, #tpu.memory_space<vmem>>, vector<1x16xf32>,
          %get3A_910 = vector.shape_cast %get3A_909 : vector<1x16xf32> to vector<16xf32>
          %mul3A_911 = arith.mulf %gather3A_906, %get3A_910 : vector<16xf32>
          %add3A_912 = arith.addf %add3A_895, %mul3A_911 : vector<16xf32>
          %get3A_913 = arith.index_cast %add3A_903 : i32 to index
          %get3A_914 = arith.constant 16 : index
          %get3A_915 = tpu.vector_load %arg8[%get3A_913, %get3A_914] {strides = array<i32>} : memref<1024x32xf32, #tpu.memory_space<vmem>>, vector<1x16xf32>,
          %get3A_916 = vector.shape_cast %get3A_915 : vector<1x16xf32> to vector<16xf32>
          %mul3A_917 = arith.mulf %gather3A_906, %get3A_916 : vector<16xf32>
          %add3A_918 = arith.addf %add3A_901, %mul3A_917 : vector<16xf32>
          scf.yield %add3A_912, %add3A_918 : vector<16xf32>, vector<16xf32>
        }
        %scan3A_413 = arith.constant 16 : i32
        %swap3A_414 = arith.constant 5 : i32
        %swap3A_415 = arith.index_cast %swap3A_414 : i32 to index
        %swap3A_416 = arith.constant 0 : index
        %swap3A_417 = tpu.vector_load %arg9[%swap3A_415, %swap3A_416] {strides = array<i32>} : memref<16x32xf32, #tpu.memory_space<vmem>>, vector<1x16xf32>,
        %swap3A_418 = vector.shape_cast %swap3A_417 : vector<1x16xf32> to vector<16xf32>
        %swap3A_419 = vector.shape_cast %scan3A_412#0 : vector<16xf32> to vector<1x16xf32>
        tpu.vector_store %arg9[%swap3A_415, %swap3A_416], %swap3A_419 {strides = array<i32>} : memref<16x32xf32, #tpu.memory_space<vmem>>, vector<1x16xf32>,
        %swap3A_420 = arith.constant 5 : i32
        %swap3A_421 = arith.index_cast %swap3A_420 : i32 to index
        %swap3A_422 = arith.constant 16 : index
        %swap3A_423 = tpu.vector_load %arg9[%swap3A_421, %swap3A_422] {strides = array<i32>} : memref<16x32xf32, #tpu.memory_space<vmem>>, vector<1x16xf32>,
        %swap3A_424 = vector.shape_cast %swap3A_423 : vector<1x16xf32> to vector<16xf32>
        %swap3A_425 = vector.shape_cast %scan3A_412#1 : vector<16xf32> to vector<1x16xf32>
        tpu.vector_store %arg9[%swap3A_421, %swap3A_422], %swap3A_425 {strides = array<i32>} : memref<16x32xf32, #tpu.memory_space<vmem>>, vector<1x16xf32>,
        %get3A_426 = arith.constant 0 : i32
        %get3A_427 = arith.index_cast %get3A_426 : i32 to index
        %get3A_428 = arith.constant 96 : index
        %get3A_429 = tpu.vector_load %arg7[%get3A_427, %get3A_428] {strides = array<i32>} : memref<8x128xf32, #tpu.memory_space<vmem>>, vector<1x16xf32>,
        %get3A_430 = vector.shape_cast %get3A_429 : vector<1x16xf32> to vector<16xf32>
        %get3A_431 = arith.constant 1 : i32
        %get3A_432 = arith.index_cast %get3A_431 : i32 to index
        %get3A_433 = arith.constant 96 : index
        %get3A_434 = tpu.vector_load %arg7[%get3A_432, %get3A_433] {strides = array<i32>} : memref<8x128xf32, #tpu.memory_space<vmem>>, vector<1x16xf32>,
        %get3A_435 = vector.shape_cast %get3A_434 : vector<1x16xf32> to vector<16xf32>
        %get3A_436 = arith.constant 2 : i32
        %get3A_437 = arith.index_cast %get3A_436 : i32 to index
        %get3A_438 = arith.constant 96 : index
        %get3A_439 = tpu.vector_load %arg7[%get3A_437, %get3A_438] {strides = array<i32>} : memref<8x128xf32, #tpu.memory_space<vmem>>, vector<1x16xf32>,
        %get3A_440 = vector.shape_cast %get3A_439 : vector<1x16xf32> to vector<16xf32>
        %get3A_441 = arith.constant 3 : i32
        %get3A_442 = arith.index_cast %get3A_441 : i32 to index
        %get3A_443 = arith.constant 96 : index
        %get3A_444 = tpu.vector_load %arg7[%get3A_442, %get3A_443] {strides = array<i32>} : memref<8x128xf32, #tpu.memory_space<vmem>>, vector<1x16xf32>,
        %get3A_445 = vector.shape_cast %get3A_444 : vector<1x16xf32> to vector<16xf32>
        %broadcast_in_dim3A_446 = arith.constant 0.000000e+00 : f32
        %broadcast_in_dim3A_447 = vector.broadcast %broadcast_in_dim3A_446 : f32 to vector<16xf32>
        %broadcast_in_dim3A_448 = arith.constant 0.000000e+00 : f32
        %broadcast_in_dim3A_449 = vector.broadcast %broadcast_in_dim3A_448 : f32 to vector<16xf32>
        %scan3A_450 = arith.constant 0 : i32
        %scan3A_451 = arith.constant 16 : i32
        %scan3A_452 = arith.addi %scan3A_450, %scan3A_451 : i32
        %scan3A_453 = arith.constant 1 : i32
        %scan3A_454:2 = scf.for %scan3A_848 = %scan3A_450 to %scan3A_452 step %scan3A_453 iter_args(%scan3A_849 = %broadcast_in_dim3A_447, %scan3A_850 = %broadcast_in_dim3A_449) -> (vector<16xf32>, vector<16xf32>)  : i32 {
          %broadcast_in_dim3A_851 = vector.broadcast %scan3A_848 : i32 to vector<16xi32>
          %add3A_852 = arith.constant 96 : i32
          %add3A_853 = arith.addi %add3A_852, %scan3A_848 : i32
          %broadcast_in_dim3A_854 = vector.shape_cast %broadcast_in_dim3A_851 : vector<16xi32> to vector<16x1xi32>
          %gather3A = vector.shape_cast %broadcast_in_dim3A_854 : vector<16x1xi32> to vector<16xi32>
          %gather3A_855 = tpu.dynamic_gather %get3A_430[%gather3A] in [0] : vector<16xf32>, vector<16xi32> -> vector<16xf32>
          %get3A_856 = arith.index_cast %add3A_853 : i32 to index
          %get3A_857 = arith.constant 0 : index
          %get3A_858 = tpu.vector_load %arg8[%get3A_856, %get3A_857] {strides = array<i32>} : memref<1024x32xf32, #tpu.memory_space<vmem>>, vector<1x16xf32>,
          %get3A_859 = vector.shape_cast %get3A_858 : vector<1x16xf32> to vector<16xf32>
          %mul3A_860 = arith.mulf %gather3A_855, %get3A_859 : vector<16xf32>
          %add3A_861 = arith.addf %scan3A_849, %mul3A_860 : vector<16xf32>
          %get3A_862 = arith.index_cast %add3A_853 : i32 to index
          %get3A_863 = arith.constant 16 : index
          %get3A_864 = tpu.vector_load %arg8[%get3A_862, %get3A_863] {strides = array<i32>} : memref<1024x32xf32, #tpu.memory_space<vmem>>, vector<1x16xf32>,
          %get3A_865 = vector.shape_cast %get3A_864 : vector<1x16xf32> to vector<16xf32>
          %mul3A_866 = arith.mulf %gather3A_855, %get3A_865 : vector<16xf32>
          %add3A_867 = arith.addf %scan3A_850, %mul3A_866 : vector<16xf32>
          %add3A_868 = arith.constant 224 : i32
          %add3A_869 = arith.addi %add3A_868, %scan3A_848 : i32
          %broadcast_in_dim3A_870 = vector.shape_cast %broadcast_in_dim3A_851 : vector<16xi32> to vector<16x1xi32>
          %gather3A_871 = vector.shape_cast %broadcast_in_dim3A_870 : vector<16x1xi32> to vector<16xi32>
          %gather3A_872 = tpu.dynamic_gather %get3A_435[%gather3A_871] in [0] : vector<16xf32>, vector<16xi32> -> vector<16xf32>
          %get3A_873 = arith.index_cast %add3A_869 : i32 to index
          %get3A_874 = arith.constant 0 : index
          %get3A_875 = tpu.vector_load %arg8[%get3A_873, %get3A_874] {strides = array<i32>} : memref<1024x32xf32, #tpu.memory_space<vmem>>, vector<1x16xf32>,
          %get3A_876 = vector.shape_cast %get3A_875 : vector<1x16xf32> to vector<16xf32>
          %mul3A_877 = arith.mulf %gather3A_872, %get3A_876 : vector<16xf32>
          %add3A_878 = arith.addf %add3A_861, %mul3A_877 : vector<16xf32>
          %get3A_879 = arith.index_cast %add3A_869 : i32 to index
          %get3A_880 = arith.constant 16 : index
          %get3A_881 = tpu.vector_load %arg8[%get3A_879, %get3A_880] {strides = array<i32>} : memref<1024x32xf32, #tpu.memory_space<vmem>>, vector<1x16xf32>,
          %get3A_882 = vector.shape_cast %get3A_881 : vector<1x16xf32> to vector<16xf32>
          %mul3A_883 = arith.mulf %gather3A_872, %get3A_882 : vector<16xf32>
          %add3A_884 = arith.addf %add3A_867, %mul3A_883 : vector<16xf32>
          %add3A_885 = arith.constant 352 : i32
          %add3A_886 = arith.addi %add3A_885, %scan3A_848 : i32
          %broadcast_in_dim3A_887 = vector.shape_cast %broadcast_in_dim3A_851 : vector<16xi32> to vector<16x1xi32>
          %gather3A_888 = vector.shape_cast %broadcast_in_dim3A_887 : vector<16x1xi32> to vector<16xi32>
          %gather3A_889 = tpu.dynamic_gather %get3A_440[%gather3A_888] in [0] : vector<16xf32>, vector<16xi32> -> vector<16xf32>
          %get3A_890 = arith.index_cast %add3A_886 : i32 to index
          %get3A_891 = arith.constant 0 : index
          %get3A_892 = tpu.vector_load %arg8[%get3A_890, %get3A_891] {strides = array<i32>} : memref<1024x32xf32, #tpu.memory_space<vmem>>, vector<1x16xf32>,
          %get3A_893 = vector.shape_cast %get3A_892 : vector<1x16xf32> to vector<16xf32>
          %mul3A_894 = arith.mulf %gather3A_889, %get3A_893 : vector<16xf32>
          %add3A_895 = arith.addf %add3A_878, %mul3A_894 : vector<16xf32>
          %get3A_896 = arith.index_cast %add3A_886 : i32 to index
          %get3A_897 = arith.constant 16 : index
          %get3A_898 = tpu.vector_load %arg8[%get3A_896, %get3A_897] {strides = array<i32>} : memref<1024x32xf32, #tpu.memory_space<vmem>>, vector<1x16xf32>,
          %get3A_899 = vector.shape_cast %get3A_898 : vector<1x16xf32> to vector<16xf32>
          %mul3A_900 = arith.mulf %gather3A_889, %get3A_899 : vector<16xf32>
          %add3A_901 = arith.addf %add3A_884, %mul3A_900 : vector<16xf32>
          %add3A_902 = arith.constant 480 : i32
          %add3A_903 = arith.addi %add3A_902, %scan3A_848 : i32
          %broadcast_in_dim3A_904 = vector.shape_cast %broadcast_in_dim3A_851 : vector<16xi32> to vector<16x1xi32>
          %gather3A_905 = vector.shape_cast %broadcast_in_dim3A_904 : vector<16x1xi32> to vector<16xi32>
          %gather3A_906 = tpu.dynamic_gather %get3A_445[%gather3A_905] in [0] : vector<16xf32>, vector<16xi32> -> vector<16xf32>
          %get3A_907 = arith.index_cast %add3A_903 : i32 to index
          %get3A_908 = arith.constant 0 : index
          %get3A_909 = tpu.vector_load %arg8[%get3A_907, %get3A_908] {strides = array<i32>} : memref<1024x32xf32, #tpu.memory_space<vmem>>, vector<1x16xf32>,
          %get3A_910 = vector.shape_cast %get3A_909 : vector<1x16xf32> to vector<16xf32>
          %mul3A_911 = arith.mulf %gather3A_906, %get3A_910 : vector<16xf32>
          %add3A_912 = arith.addf %add3A_895, %mul3A_911 : vector<16xf32>
          %get3A_913 = arith.index_cast %add3A_903 : i32 to index
          %get3A_914 = arith.constant 16 : index
          %get3A_915 = tpu.vector_load %arg8[%get3A_913, %get3A_914] {strides = array<i32>} : memref<1024x32xf32, #tpu.memory_space<vmem>>, vector<1x16xf32>,
          %get3A_916 = vector.shape_cast %get3A_915 : vector<1x16xf32> to vector<16xf32>
          %mul3A_917 = arith.mulf %gather3A_906, %get3A_916 : vector<16xf32>
          %add3A_918 = arith.addf %add3A_901, %mul3A_917 : vector<16xf32>
          scf.yield %add3A_912, %add3A_918 : vector<16xf32>, vector<16xf32>
        }
        %scan3A_455 = arith.constant 16 : i32
        %swap3A_456 = arith.constant 6 : i32
        %swap3A_457 = arith.index_cast %swap3A_456 : i32 to index
        %swap3A_458 = arith.constant 0 : index
        %swap3A_459 = tpu.vector_load %arg9[%swap3A_457, %swap3A_458] {strides = array<i32>} : memref<16x32xf32, #tpu.memory_space<vmem>>, vector<1x16xf32>,
        %swap3A_460 = vector.shape_cast %swap3A_459 : vector<1x16xf32> to vector<16xf32>
        %swap3A_461 = vector.shape_cast %scan3A_454#0 : vector<16xf32> to vector<1x16xf32>
        tpu.vector_store %arg9[%swap3A_457, %swap3A_458], %swap3A_461 {strides = array<i32>} : memref<16x32xf32, #tpu.memory_space<vmem>>, vector<1x16xf32>,
        %swap3A_462 = arith.constant 6 : i32
        %swap3A_463 = arith.index_cast %swap3A_462 : i32 to index
        %swap3A_464 = arith.constant 16 : index
        %swap3A_465 = tpu.vector_load %arg9[%swap3A_463, %swap3A_464] {strides = array<i32>} : memref<16x32xf32, #tpu.memory_space<vmem>>, vector<1x16xf32>,
        %swap3A_466 = vector.shape_cast %swap3A_465 : vector<1x16xf32> to vector<16xf32>
        %swap3A_467 = vector.shape_cast %scan3A_454#1 : vector<16xf32> to vector<1x16xf32>
        tpu.vector_store %arg9[%swap3A_463, %swap3A_464], %swap3A_467 {strides = array<i32>} : memref<16x32xf32, #tpu.memory_space<vmem>>, vector<1x16xf32>,
        %get3A_468 = arith.constant 0 : i32
        %get3A_469 = arith.index_cast %get3A_468 : i32 to index
        %get3A_470 = arith.constant 112 : index
        %get3A_471 = tpu.vector_load %arg7[%get3A_469, %get3A_470] {strides = array<i32>} : memref<8x128xf32, #tpu.memory_space<vmem>>, vector<1x16xf32>,
        %get3A_472 = vector.shape_cast %get3A_471 : vector<1x16xf32> to vector<16xf32>
        %get3A_473 = arith.constant 1 : i32
        %get3A_474 = arith.index_cast %get3A_473 : i32 to index
        %get3A_475 = arith.constant 112 : index
        %get3A_476 = tpu.vector_load %arg7[%get3A_474, %get3A_475] {strides = array<i32>} : memref<8x128xf32, #tpu.memory_space<vmem>>, vector<1x16xf32>,
        %get3A_477 = vector.shape_cast %get3A_476 : vector<1x16xf32> to vector<16xf32>
        %get3A_478 = arith.constant 2 : i32
        %get3A_479 = arith.index_cast %get3A_478 : i32 to index
        %get3A_480 = arith.constant 112 : index
        %get3A_481 = tpu.vector_load %arg7[%get3A_479, %get3A_480] {strides = array<i32>} : memref<8x128xf32, #tpu.memory_space<vmem>>, vector<1x16xf32>,
        %get3A_482 = vector.shape_cast %get3A_481 : vector<1x16xf32> to vector<16xf32>
        %get3A_483 = arith.constant 3 : i32
        %get3A_484 = arith.index_cast %get3A_483 : i32 to index
        %get3A_485 = arith.constant 112 : index
        %get3A_486 = tpu.vector_load %arg7[%get3A_484, %get3A_485] {strides = array<i32>} : memref<8x128xf32, #tpu.memory_space<vmem>>, vector<1x16xf32>,
        %get3A_487 = vector.shape_cast %get3A_486 : vector<1x16xf32> to vector<16xf32>
        %broadcast_in_dim3A_488 = arith.constant 0.000000e+00 : f32
        %broadcast_in_dim3A_489 = vector.broadcast %broadcast_in_dim3A_488 : f32 to vector<16xf32>
        %broadcast_in_dim3A_490 = arith.constant 0.000000e+00 : f32
        %broadcast_in_dim3A_491 = vector.broadcast %broadcast_in_dim3A_490 : f32 to vector<16xf32>
        %scan3A_492 = arith.constant 0 : i32
        %scan3A_493 = arith.constant 16 : i32
        %scan3A_494 = arith.addi %scan3A_492, %scan3A_493 : i32
        %scan3A_495 = arith.constant 1 : i32
        %scan3A_496:2 = scf.for %scan3A_848 = %scan3A_492 to %scan3A_494 step %scan3A_495 iter_args(%scan3A_849 = %broadcast_in_dim3A_489, %scan3A_850 = %broadcast_in_dim3A_491) -> (vector<16xf32>, vector<16xf32>)  : i32 {
          %broadcast_in_dim3A_851 = vector.broadcast %scan3A_848 : i32 to vector<16xi32>
          %add3A_852 = arith.constant 112 : i32
          %add3A_853 = arith.addi %add3A_852, %scan3A_848 : i32
          %broadcast_in_dim3A_854 = vector.shape_cast %broadcast_in_dim3A_851 : vector<16xi32> to vector<16x1xi32>
          %gather3A = vector.shape_cast %broadcast_in_dim3A_854 : vector<16x1xi32> to vector<16xi32>
          %gather3A_855 = tpu.dynamic_gather %get3A_472[%gather3A] in [0] : vector<16xf32>, vector<16xi32> -> vector<16xf32>
          %get3A_856 = arith.index_cast %add3A_853 : i32 to index
          %get3A_857 = arith.constant 0 : index
          %get3A_858 = tpu.vector_load %arg8[%get3A_856, %get3A_857] {strides = array<i32>} : memref<1024x32xf32, #tpu.memory_space<vmem>>, vector<1x16xf32>,
          %get3A_859 = vector.shape_cast %get3A_858 : vector<1x16xf32> to vector<16xf32>
          %mul3A_860 = arith.mulf %gather3A_855, %get3A_859 : vector<16xf32>
          %add3A_861 = arith.addf %scan3A_849, %mul3A_860 : vector<16xf32>
          %get3A_862 = arith.index_cast %add3A_853 : i32 to index
          %get3A_863 = arith.constant 16 : index
          %get3A_864 = tpu.vector_load %arg8[%get3A_862, %get3A_863] {strides = array<i32>} : memref<1024x32xf32, #tpu.memory_space<vmem>>, vector<1x16xf32>,
          %get3A_865 = vector.shape_cast %get3A_864 : vector<1x16xf32> to vector<16xf32>
          %mul3A_866 = arith.mulf %gather3A_855, %get3A_865 : vector<16xf32>
          %add3A_867 = arith.addf %scan3A_850, %mul3A_866 : vector<16xf32>
          %add3A_868 = arith.constant 240 : i32
          %add3A_869 = arith.addi %add3A_868, %scan3A_848 : i32
          %broadcast_in_dim3A_870 = vector.shape_cast %broadcast_in_dim3A_851 : vector<16xi32> to vector<16x1xi32>
          %gather3A_871 = vector.shape_cast %broadcast_in_dim3A_870 : vector<16x1xi32> to vector<16xi32>
          %gather3A_872 = tpu.dynamic_gather %get3A_477[%gather3A_871] in [0] : vector<16xf32>, vector<16xi32> -> vector<16xf32>
          %get3A_873 = arith.index_cast %add3A_869 : i32 to index
          %get3A_874 = arith.constant 0 : index
          %get3A_875 = tpu.vector_load %arg8[%get3A_873, %get3A_874] {strides = array<i32>} : memref<1024x32xf32, #tpu.memory_space<vmem>>, vector<1x16xf32>,
          %get3A_876 = vector.shape_cast %get3A_875 : vector<1x16xf32> to vector<16xf32>
          %mul3A_877 = arith.mulf %gather3A_872, %get3A_876 : vector<16xf32>
          %add3A_878 = arith.addf %add3A_861, %mul3A_877 : vector<16xf32>
          %get3A_879 = arith.index_cast %add3A_869 : i32 to index
          %get3A_880 = arith.constant 16 : index
          %get3A_881 = tpu.vector_load %arg8[%get3A_879, %get3A_880] {strides = array<i32>} : memref<1024x32xf32, #tpu.memory_space<vmem>>, vector<1x16xf32>,
          %get3A_882 = vector.shape_cast %get3A_881 : vector<1x16xf32> to vector<16xf32>
          %mul3A_883 = arith.mulf %gather3A_872, %get3A_882 : vector<16xf32>
          %add3A_884 = arith.addf %add3A_867, %mul3A_883 : vector<16xf32>
          %add3A_885 = arith.constant 368 : i32
          %add3A_886 = arith.addi %add3A_885, %scan3A_848 : i32
          %broadcast_in_dim3A_887 = vector.shape_cast %broadcast_in_dim3A_851 : vector<16xi32> to vector<16x1xi32>
          %gather3A_888 = vector.shape_cast %broadcast_in_dim3A_887 : vector<16x1xi32> to vector<16xi32>
          %gather3A_889 = tpu.dynamic_gather %get3A_482[%gather3A_888] in [0] : vector<16xf32>, vector<16xi32> -> vector<16xf32>
          %get3A_890 = arith.index_cast %add3A_886 : i32 to index
          %get3A_891 = arith.constant 0 : index
          %get3A_892 = tpu.vector_load %arg8[%get3A_890, %get3A_891] {strides = array<i32>} : memref<1024x32xf32, #tpu.memory_space<vmem>>, vector<1x16xf32>,
          %get3A_893 = vector.shape_cast %get3A_892 : vector<1x16xf32> to vector<16xf32>
          %mul3A_894 = arith.mulf %gather3A_889, %get3A_893 : vector<16xf32>
          %add3A_895 = arith.addf %add3A_878, %mul3A_894 : vector<16xf32>
          %get3A_896 = arith.index_cast %add3A_886 : i32 to index
          %get3A_897 = arith.constant 16 : index
          %get3A_898 = tpu.vector_load %arg8[%get3A_896, %get3A_897] {strides = array<i32>} : memref<1024x32xf32, #tpu.memory_space<vmem>>, vector<1x16xf32>,
          %get3A_899 = vector.shape_cast %get3A_898 : vector<1x16xf32> to vector<16xf32>
          %mul3A_900 = arith.mulf %gather3A_889, %get3A_899 : vector<16xf32>
          %add3A_901 = arith.addf %add3A_884, %mul3A_900 : vector<16xf32>
          %add3A_902 = arith.constant 496 : i32
          %add3A_903 = arith.addi %add3A_902, %scan3A_848 : i32
          %broadcast_in_dim3A_904 = vector.shape_cast %broadcast_in_dim3A_851 : vector<16xi32> to vector<16x1xi32>
          %gather3A_905 = vector.shape_cast %broadcast_in_dim3A_904 : vector<16x1xi32> to vector<16xi32>
          %gather3A_906 = tpu.dynamic_gather %get3A_487[%gather3A_905] in [0] : vector<16xf32>, vector<16xi32> -> vector<16xf32>
          %get3A_907 = arith.index_cast %add3A_903 : i32 to index
          %get3A_908 = arith.constant 0 : index
          %get3A_909 = tpu.vector_load %arg8[%get3A_907, %get3A_908] {strides = array<i32>} : memref<1024x32xf32, #tpu.memory_space<vmem>>, vector<1x16xf32>,
          %get3A_910 = vector.shape_cast %get3A_909 : vector<1x16xf32> to vector<16xf32>
          %mul3A_911 = arith.mulf %gather3A_906, %get3A_910 : vector<16xf32>
          %add3A_912 = arith.addf %add3A_895, %mul3A_911 : vector<16xf32>
          %get3A_913 = arith.index_cast %add3A_903 : i32 to index
          %get3A_914 = arith.constant 16 : index
          %get3A_915 = tpu.vector_load %arg8[%get3A_913, %get3A_914] {strides = array<i32>} : memref<1024x32xf32, #tpu.memory_space<vmem>>, vector<1x16xf32>,
          %get3A_916 = vector.shape_cast %get3A_915 : vector<1x16xf32> to vector<16xf32>
          %mul3A_917 = arith.mulf %gather3A_906, %get3A_916 : vector<16xf32>
          %add3A_918 = arith.addf %add3A_901, %mul3A_917 : vector<16xf32>
          scf.yield %add3A_912, %add3A_918 : vector<16xf32>, vector<16xf32>
        }
        %scan3A_497 = arith.constant 16 : i32
        %swap3A_498 = arith.constant 7 : i32
        %swap3A_499 = arith.index_cast %swap3A_498 : i32 to index
        %swap3A_500 = arith.constant 0 : index
        %swap3A_501 = tpu.vector_load %arg9[%swap3A_499, %swap3A_500] {strides = array<i32>} : memref<16x32xf32, #tpu.memory_space<vmem>>, vector<1x16xf32>,
        %swap3A_502 = vector.shape_cast %swap3A_501 : vector<1x16xf32> to vector<16xf32>
        %swap3A_503 = vector.shape_cast %scan3A_496#0 : vector<16xf32> to vector<1x16xf32>
        tpu.vector_store %arg9[%swap3A_499, %swap3A_500], %swap3A_503 {strides = array<i32>} : memref<16x32xf32, #tpu.memory_space<vmem>>, vector<1x16xf32>,
        %swap3A_504 = arith.constant 7 : i32
        %swap3A_505 = arith.index_cast %swap3A_504 : i32 to index
        %swap3A_506 = arith.constant 16 : index
        %swap3A_507 = tpu.vector_load %arg9[%swap3A_505, %swap3A_506] {strides = array<i32>} : memref<16x32xf32, #tpu.memory_space<vmem>>, vector<1x16xf32>,
        %swap3A_508 = vector.shape_cast %swap3A_507 : vector<1x16xf32> to vector<16xf32>
        %swap3A_509 = vector.shape_cast %scan3A_496#1 : vector<16xf32> to vector<1x16xf32>
        tpu.vector_store %arg9[%swap3A_505, %swap3A_506], %swap3A_509 {strides = array<i32>} : memref<16x32xf32, #tpu.memory_space<vmem>>, vector<1x16xf32>,
        %get3A_510 = arith.constant 4 : i32
        %get3A_511 = arith.index_cast %get3A_510 : i32 to index
        %get3A_512 = arith.constant 0 : index
        %get3A_513 = tpu.vector_load %arg7[%get3A_511, %get3A_512] {strides = array<i32>} : memref<8x128xf32, #tpu.memory_space<vmem>>, vector<1x16xf32>,
        %get3A_514 = vector.shape_cast %get3A_513 : vector<1x16xf32> to vector<16xf32>
        %get3A_515 = arith.constant 5 : i32
        %get3A_516 = arith.index_cast %get3A_515 : i32 to index
        %get3A_517 = arith.constant 0 : index
        %get3A_518 = tpu.vector_load %arg7[%get3A_516, %get3A_517] {strides = array<i32>} : memref<8x128xf32, #tpu.memory_space<vmem>>, vector<1x16xf32>,
        %get3A_519 = vector.shape_cast %get3A_518 : vector<1x16xf32> to vector<16xf32>
        %get3A_520 = arith.constant 6 : i32
        %get3A_521 = arith.index_cast %get3A_520 : i32 to index
        %get3A_522 = arith.constant 0 : index
        %get3A_523 = tpu.vector_load %arg7[%get3A_521, %get3A_522] {strides = array<i32>} : memref<8x128xf32, #tpu.memory_space<vmem>>, vector<1x16xf32>,
        %get3A_524 = vector.shape_cast %get3A_523 : vector<1x16xf32> to vector<16xf32>
        %get3A_525 = arith.constant 7 : i32
        %get3A_526 = arith.index_cast %get3A_525 : i32 to index
        %get3A_527 = arith.constant 0 : index
        %get3A_528 = tpu.vector_load %arg7[%get3A_526, %get3A_527] {strides = array<i32>} : memref<8x128xf32, #tpu.memory_space<vmem>>, vector<1x16xf32>,
        %get3A_529 = vector.shape_cast %get3A_528 : vector<1x16xf32> to vector<16xf32>
        %broadcast_in_dim3A_530 = arith.constant 0.000000e+00 : f32
        %broadcast_in_dim3A_531 = vector.broadcast %broadcast_in_dim3A_530 : f32 to vector<16xf32>
        %broadcast_in_dim3A_532 = arith.constant 0.000000e+00 : f32
        %broadcast_in_dim3A_533 = vector.broadcast %broadcast_in_dim3A_532 : f32 to vector<16xf32>
        %scan3A_534 = arith.constant 0 : i32
        %scan3A_535 = arith.constant 16 : i32
        %scan3A_536 = arith.addi %scan3A_534, %scan3A_535 : i32
        %scan3A_537 = arith.constant 1 : i32
        %scan3A_538:2 = scf.for %scan3A_848 = %scan3A_534 to %scan3A_536 step %scan3A_537 iter_args(%scan3A_849 = %broadcast_in_dim3A_531, %scan3A_850 = %broadcast_in_dim3A_533) -> (vector<16xf32>, vector<16xf32>)  : i32 {
          %broadcast_in_dim3A_851 = vector.broadcast %scan3A_848 : i32 to vector<16xi32>
          %add3A_852 = arith.constant 512 : i32
          %add3A_853 = arith.addi %add3A_852, %scan3A_848 : i32
          %broadcast_in_dim3A_854 = vector.shape_cast %broadcast_in_dim3A_851 : vector<16xi32> to vector<16x1xi32>
          %gather3A = vector.shape_cast %broadcast_in_dim3A_854 : vector<16x1xi32> to vector<16xi32>
          %gather3A_855 = tpu.dynamic_gather %get3A_514[%gather3A] in [0] : vector<16xf32>, vector<16xi32> -> vector<16xf32>
          %get3A_856 = arith.index_cast %add3A_853 : i32 to index
          %get3A_857 = arith.constant 0 : index
          %get3A_858 = tpu.vector_load %arg8[%get3A_856, %get3A_857] {strides = array<i32>} : memref<1024x32xf32, #tpu.memory_space<vmem>>, vector<1x16xf32>,
          %get3A_859 = vector.shape_cast %get3A_858 : vector<1x16xf32> to vector<16xf32>
          %mul3A_860 = arith.mulf %gather3A_855, %get3A_859 : vector<16xf32>
          %add3A_861 = arith.addf %scan3A_849, %mul3A_860 : vector<16xf32>
          %get3A_862 = arith.index_cast %add3A_853 : i32 to index
          %get3A_863 = arith.constant 16 : index
          %get3A_864 = tpu.vector_load %arg8[%get3A_862, %get3A_863] {strides = array<i32>} : memref<1024x32xf32, #tpu.memory_space<vmem>>, vector<1x16xf32>,
          %get3A_865 = vector.shape_cast %get3A_864 : vector<1x16xf32> to vector<16xf32>
          %mul3A_866 = arith.mulf %gather3A_855, %get3A_865 : vector<16xf32>
          %add3A_867 = arith.addf %scan3A_850, %mul3A_866 : vector<16xf32>
          %add3A_868 = arith.constant 640 : i32
          %add3A_869 = arith.addi %add3A_868, %scan3A_848 : i32
          %broadcast_in_dim3A_870 = vector.shape_cast %broadcast_in_dim3A_851 : vector<16xi32> to vector<16x1xi32>
          %gather3A_871 = vector.shape_cast %broadcast_in_dim3A_870 : vector<16x1xi32> to vector<16xi32>
          %gather3A_872 = tpu.dynamic_gather %get3A_519[%gather3A_871] in [0] : vector<16xf32>, vector<16xi32> -> vector<16xf32>
          %get3A_873 = arith.index_cast %add3A_869 : i32 to index
          %get3A_874 = arith.constant 0 : index
          %get3A_875 = tpu.vector_load %arg8[%get3A_873, %get3A_874] {strides = array<i32>} : memref<1024x32xf32, #tpu.memory_space<vmem>>, vector<1x16xf32>,
          %get3A_876 = vector.shape_cast %get3A_875 : vector<1x16xf32> to vector<16xf32>
          %mul3A_877 = arith.mulf %gather3A_872, %get3A_876 : vector<16xf32>
          %add3A_878 = arith.addf %add3A_861, %mul3A_877 : vector<16xf32>
          %get3A_879 = arith.index_cast %add3A_869 : i32 to index
          %get3A_880 = arith.constant 16 : index
          %get3A_881 = tpu.vector_load %arg8[%get3A_879, %get3A_880] {strides = array<i32>} : memref<1024x32xf32, #tpu.memory_space<vmem>>, vector<1x16xf32>,
          %get3A_882 = vector.shape_cast %get3A_881 : vector<1x16xf32> to vector<16xf32>
          %mul3A_883 = arith.mulf %gather3A_872, %get3A_882 : vector<16xf32>
          %add3A_884 = arith.addf %add3A_867, %mul3A_883 : vector<16xf32>
          %add3A_885 = arith.constant 768 : i32
          %add3A_886 = arith.addi %add3A_885, %scan3A_848 : i32
          %broadcast_in_dim3A_887 = vector.shape_cast %broadcast_in_dim3A_851 : vector<16xi32> to vector<16x1xi32>
          %gather3A_888 = vector.shape_cast %broadcast_in_dim3A_887 : vector<16x1xi32> to vector<16xi32>
          %gather3A_889 = tpu.dynamic_gather %get3A_524[%gather3A_888] in [0] : vector<16xf32>, vector<16xi32> -> vector<16xf32>
          %get3A_890 = arith.index_cast %add3A_886 : i32 to index
          %get3A_891 = arith.constant 0 : index
          %get3A_892 = tpu.vector_load %arg8[%get3A_890, %get3A_891] {strides = array<i32>} : memref<1024x32xf32, #tpu.memory_space<vmem>>, vector<1x16xf32>,
          %get3A_893 = vector.shape_cast %get3A_892 : vector<1x16xf32> to vector<16xf32>
          %mul3A_894 = arith.mulf %gather3A_889, %get3A_893 : vector<16xf32>
          %add3A_895 = arith.addf %add3A_878, %mul3A_894 : vector<16xf32>
          %get3A_896 = arith.index_cast %add3A_886 : i32 to index
          %get3A_897 = arith.constant 16 : index
          %get3A_898 = tpu.vector_load %arg8[%get3A_896, %get3A_897] {strides = array<i32>} : memref<1024x32xf32, #tpu.memory_space<vmem>>, vector<1x16xf32>,
          %get3A_899 = vector.shape_cast %get3A_898 : vector<1x16xf32> to vector<16xf32>
          %mul3A_900 = arith.mulf %gather3A_889, %get3A_899 : vector<16xf32>
          %add3A_901 = arith.addf %add3A_884, %mul3A_900 : vector<16xf32>
          %add3A_902 = arith.constant 896 : i32
          %add3A_903 = arith.addi %add3A_902, %scan3A_848 : i32
          %broadcast_in_dim3A_904 = vector.shape_cast %broadcast_in_dim3A_851 : vector<16xi32> to vector<16x1xi32>
          %gather3A_905 = vector.shape_cast %broadcast_in_dim3A_904 : vector<16x1xi32> to vector<16xi32>
          %gather3A_906 = tpu.dynamic_gather %get3A_529[%gather3A_905] in [0] : vector<16xf32>, vector<16xi32> -> vector<16xf32>
          %get3A_907 = arith.index_cast %add3A_903 : i32 to index
          %get3A_908 = arith.constant 0 : index
          %get3A_909 = tpu.vector_load %arg8[%get3A_907, %get3A_908] {strides = array<i32>} : memref<1024x32xf32, #tpu.memory_space<vmem>>, vector<1x16xf32>,
          %get3A_910 = vector.shape_cast %get3A_909 : vector<1x16xf32> to vector<16xf32>
          %mul3A_911 = arith.mulf %gather3A_906, %get3A_910 : vector<16xf32>
          %add3A_912 = arith.addf %add3A_895, %mul3A_911 : vector<16xf32>
          %get3A_913 = arith.index_cast %add3A_903 : i32 to index
          %get3A_914 = arith.constant 16 : index
          %get3A_915 = tpu.vector_load %arg8[%get3A_913, %get3A_914] {strides = array<i32>} : memref<1024x32xf32, #tpu.memory_space<vmem>>, vector<1x16xf32>,
          %get3A_916 = vector.shape_cast %get3A_915 : vector<1x16xf32> to vector<16xf32>
          %mul3A_917 = arith.mulf %gather3A_906, %get3A_916 : vector<16xf32>
          %add3A_918 = arith.addf %add3A_901, %mul3A_917 : vector<16xf32>
          scf.yield %add3A_912, %add3A_918 : vector<16xf32>, vector<16xf32>
        }
        %scan3A_539 = arith.constant 16 : i32
        %swap3A_540 = arith.constant 8 : i32
        %swap3A_541 = arith.index_cast %swap3A_540 : i32 to index
        %swap3A_542 = arith.constant 0 : index
        %swap3A_543 = tpu.vector_load %arg9[%swap3A_541, %swap3A_542] {strides = array<i32>} : memref<16x32xf32, #tpu.memory_space<vmem>>, vector<1x16xf32>,
        %swap3A_544 = vector.shape_cast %swap3A_543 : vector<1x16xf32> to vector<16xf32>
        %swap3A_545 = vector.shape_cast %scan3A_538#0 : vector<16xf32> to vector<1x16xf32>
        tpu.vector_store %arg9[%swap3A_541, %swap3A_542], %swap3A_545 {strides = array<i32>} : memref<16x32xf32, #tpu.memory_space<vmem>>, vector<1x16xf32>,
        %swap3A_546 = arith.constant 8 : i32
        %swap3A_547 = arith.index_cast %swap3A_546 : i32 to index
        %swap3A_548 = arith.constant 16 : index
        %swap3A_549 = tpu.vector_load %arg9[%swap3A_547, %swap3A_548] {strides = array<i32>} : memref<16x32xf32, #tpu.memory_space<vmem>>, vector<1x16xf32>,
        %swap3A_550 = vector.shape_cast %swap3A_549 : vector<1x16xf32> to vector<16xf32>
        %swap3A_551 = vector.shape_cast %scan3A_538#1 : vector<16xf32> to vector<1x16xf32>
        tpu.vector_store %arg9[%swap3A_547, %swap3A_548], %swap3A_551 {strides = array<i32>} : memref<16x32xf32, #tpu.memory_space<vmem>>, vector<1x16xf32>,
        %get3A_552 = arith.constant 4 : i32
        %get3A_553 = arith.index_cast %get3A_552 : i32 to index
        %get3A_554 = arith.constant 16 : index
        %get3A_555 = tpu.vector_load %arg7[%get3A_553, %get3A_554] {strides = array<i32>} : memref<8x128xf32, #tpu.memory_space<vmem>>, vector<1x16xf32>,
        %get3A_556 = vector.shape_cast %get3A_555 : vector<1x16xf32> to vector<16xf32>
        %get3A_557 = arith.constant 5 : i32
        %get3A_558 = arith.index_cast %get3A_557 : i32 to index
        %get3A_559 = arith.constant 16 : index
        %get3A_560 = tpu.vector_load %arg7[%get3A_558, %get3A_559] {strides = array<i32>} : memref<8x128xf32, #tpu.memory_space<vmem>>, vector<1x16xf32>,
        %get3A_561 = vector.shape_cast %get3A_560 : vector<1x16xf32> to vector<16xf32>
        %get3A_562 = arith.constant 6 : i32
        %get3A_563 = arith.index_cast %get3A_562 : i32 to index
        %get3A_564 = arith.constant 16 : index
        %get3A_565 = tpu.vector_load %arg7[%get3A_563, %get3A_564] {strides = array<i32>} : memref<8x128xf32, #tpu.memory_space<vmem>>, vector<1x16xf32>,
        %get3A_566 = vector.shape_cast %get3A_565 : vector<1x16xf32> to vector<16xf32>
        %get3A_567 = arith.constant 7 : i32
        %get3A_568 = arith.index_cast %get3A_567 : i32 to index
        %get3A_569 = arith.constant 16 : index
        %get3A_570 = tpu.vector_load %arg7[%get3A_568, %get3A_569] {strides = array<i32>} : memref<8x128xf32, #tpu.memory_space<vmem>>, vector<1x16xf32>,
        %get3A_571 = vector.shape_cast %get3A_570 : vector<1x16xf32> to vector<16xf32>
        %broadcast_in_dim3A_572 = arith.constant 0.000000e+00 : f32
        %broadcast_in_dim3A_573 = vector.broadcast %broadcast_in_dim3A_572 : f32 to vector<16xf32>
        %broadcast_in_dim3A_574 = arith.constant 0.000000e+00 : f32
        %broadcast_in_dim3A_575 = vector.broadcast %broadcast_in_dim3A_574 : f32 to vector<16xf32>
        %scan3A_576 = arith.constant 0 : i32
        %scan3A_577 = arith.constant 16 : i32
        %scan3A_578 = arith.addi %scan3A_576, %scan3A_577 : i32
        %scan3A_579 = arith.constant 1 : i32
        %scan3A_580:2 = scf.for %scan3A_848 = %scan3A_576 to %scan3A_578 step %scan3A_579 iter_args(%scan3A_849 = %broadcast_in_dim3A_573, %scan3A_850 = %broadcast_in_dim3A_575) -> (vector<16xf32>, vector<16xf32>)  : i32 {
          %broadcast_in_dim3A_851 = vector.broadcast %scan3A_848 : i32 to vector<16xi32>
          %add3A_852 = arith.constant 528 : i32
          %add3A_853 = arith.addi %add3A_852, %scan3A_848 : i32
          %broadcast_in_dim3A_854 = vector.shape_cast %broadcast_in_dim3A_851 : vector<16xi32> to vector<16x1xi32>
          %gather3A = vector.shape_cast %broadcast_in_dim3A_854 : vector<16x1xi32> to vector<16xi32>
          %gather3A_855 = tpu.dynamic_gather %get3A_556[%gather3A] in [0] : vector<16xf32>, vector<16xi32> -> vector<16xf32>
          %get3A_856 = arith.index_cast %add3A_853 : i32 to index
          %get3A_857 = arith.constant 0 : index
          %get3A_858 = tpu.vector_load %arg8[%get3A_856, %get3A_857] {strides = array<i32>} : memref<1024x32xf32, #tpu.memory_space<vmem>>, vector<1x16xf32>,
          %get3A_859 = vector.shape_cast %get3A_858 : vector<1x16xf32> to vector<16xf32>
          %mul3A_860 = arith.mulf %gather3A_855, %get3A_859 : vector<16xf32>
          %add3A_861 = arith.addf %scan3A_849, %mul3A_860 : vector<16xf32>
          %get3A_862 = arith.index_cast %add3A_853 : i32 to index
          %get3A_863 = arith.constant 16 : index
          %get3A_864 = tpu.vector_load %arg8[%get3A_862, %get3A_863] {strides = array<i32>} : memref<1024x32xf32, #tpu.memory_space<vmem>>, vector<1x16xf32>,
          %get3A_865 = vector.shape_cast %get3A_864 : vector<1x16xf32> to vector<16xf32>
          %mul3A_866 = arith.mulf %gather3A_855, %get3A_865 : vector<16xf32>
          %add3A_867 = arith.addf %scan3A_850, %mul3A_866 : vector<16xf32>
          %add3A_868 = arith.constant 656 : i32
          %add3A_869 = arith.addi %add3A_868, %scan3A_848 : i32
          %broadcast_in_dim3A_870 = vector.shape_cast %broadcast_in_dim3A_851 : vector<16xi32> to vector<16x1xi32>
          %gather3A_871 = vector.shape_cast %broadcast_in_dim3A_870 : vector<16x1xi32> to vector<16xi32>
          %gather3A_872 = tpu.dynamic_gather %get3A_561[%gather3A_871] in [0] : vector<16xf32>, vector<16xi32> -> vector<16xf32>
          %get3A_873 = arith.index_cast %add3A_869 : i32 to index
          %get3A_874 = arith.constant 0 : index
          %get3A_875 = tpu.vector_load %arg8[%get3A_873, %get3A_874] {strides = array<i32>} : memref<1024x32xf32, #tpu.memory_space<vmem>>, vector<1x16xf32>,
          %get3A_876 = vector.shape_cast %get3A_875 : vector<1x16xf32> to vector<16xf32>
          %mul3A_877 = arith.mulf %gather3A_872, %get3A_876 : vector<16xf32>
          %add3A_878 = arith.addf %add3A_861, %mul3A_877 : vector<16xf32>
          %get3A_879 = arith.index_cast %add3A_869 : i32 to index
          %get3A_880 = arith.constant 16 : index
          %get3A_881 = tpu.vector_load %arg8[%get3A_879, %get3A_880] {strides = array<i32>} : memref<1024x32xf32, #tpu.memory_space<vmem>>, vector<1x16xf32>,
          %get3A_882 = vector.shape_cast %get3A_881 : vector<1x16xf32> to vector<16xf32>
          %mul3A_883 = arith.mulf %gather3A_872, %get3A_882 : vector<16xf32>
          %add3A_884 = arith.addf %add3A_867, %mul3A_883 : vector<16xf32>
          %add3A_885 = arith.constant 784 : i32
          %add3A_886 = arith.addi %add3A_885, %scan3A_848 : i32
          %broadcast_in_dim3A_887 = vector.shape_cast %broadcast_in_dim3A_851 : vector<16xi32> to vector<16x1xi32>
          %gather3A_888 = vector.shape_cast %broadcast_in_dim3A_887 : vector<16x1xi32> to vector<16xi32>
          %gather3A_889 = tpu.dynamic_gather %get3A_566[%gather3A_888] in [0] : vector<16xf32>, vector<16xi32> -> vector<16xf32>
          %get3A_890 = arith.index_cast %add3A_886 : i32 to index
          %get3A_891 = arith.constant 0 : index
          %get3A_892 = tpu.vector_load %arg8[%get3A_890, %get3A_891] {strides = array<i32>} : memref<1024x32xf32, #tpu.memory_space<vmem>>, vector<1x16xf32>,
          %get3A_893 = vector.shape_cast %get3A_892 : vector<1x16xf32> to vector<16xf32>
          %mul3A_894 = arith.mulf %gather3A_889, %get3A_893 : vector<16xf32>
          %add3A_895 = arith.addf %add3A_878, %mul3A_894 : vector<16xf32>
          %get3A_896 = arith.index_cast %add3A_886 : i32 to index
          %get3A_897 = arith.constant 16 : index
          %get3A_898 = tpu.vector_load %arg8[%get3A_896, %get3A_897] {strides = array<i32>} : memref<1024x32xf32, #tpu.memory_space<vmem>>, vector<1x16xf32>,
          %get3A_899 = vector.shape_cast %get3A_898 : vector<1x16xf32> to vector<16xf32>
          %mul3A_900 = arith.mulf %gather3A_889, %get3A_899 : vector<16xf32>
          %add3A_901 = arith.addf %add3A_884, %mul3A_900 : vector<16xf32>
          %add3A_902 = arith.constant 912 : i32
          %add3A_903 = arith.addi %add3A_902, %scan3A_848 : i32
          %broadcast_in_dim3A_904 = vector.shape_cast %broadcast_in_dim3A_851 : vector<16xi32> to vector<16x1xi32>
          %gather3A_905 = vector.shape_cast %broadcast_in_dim3A_904 : vector<16x1xi32> to vector<16xi32>
          %gather3A_906 = tpu.dynamic_gather %get3A_571[%gather3A_905] in [0] : vector<16xf32>, vector<16xi32> -> vector<16xf32>
          %get3A_907 = arith.index_cast %add3A_903 : i32 to index
          %get3A_908 = arith.constant 0 : index
          %get3A_909 = tpu.vector_load %arg8[%get3A_907, %get3A_908] {strides = array<i32>} : memref<1024x32xf32, #tpu.memory_space<vmem>>, vector<1x16xf32>,
          %get3A_910 = vector.shape_cast %get3A_909 : vector<1x16xf32> to vector<16xf32>
          %mul3A_911 = arith.mulf %gather3A_906, %get3A_910 : vector<16xf32>
          %add3A_912 = arith.addf %add3A_895, %mul3A_911 : vector<16xf32>
          %get3A_913 = arith.index_cast %add3A_903 : i32 to index
          %get3A_914 = arith.constant 16 : index
          %get3A_915 = tpu.vector_load %arg8[%get3A_913, %get3A_914] {strides = array<i32>} : memref<1024x32xf32, #tpu.memory_space<vmem>>, vector<1x16xf32>,
          %get3A_916 = vector.shape_cast %get3A_915 : vector<1x16xf32> to vector<16xf32>
          %mul3A_917 = arith.mulf %gather3A_906, %get3A_916 : vector<16xf32>
          %add3A_918 = arith.addf %add3A_901, %mul3A_917 : vector<16xf32>
          scf.yield %add3A_912, %add3A_918 : vector<16xf32>, vector<16xf32>
        }
        %scan3A_581 = arith.constant 16 : i32
        %swap3A_582 = arith.constant 9 : i32
        %swap3A_583 = arith.index_cast %swap3A_582 : i32 to index
        %swap3A_584 = arith.constant 0 : index
        %swap3A_585 = tpu.vector_load %arg9[%swap3A_583, %swap3A_584] {strides = array<i32>} : memref<16x32xf32, #tpu.memory_space<vmem>>, vector<1x16xf32>,
        %swap3A_586 = vector.shape_cast %swap3A_585 : vector<1x16xf32> to vector<16xf32>
        %swap3A_587 = vector.shape_cast %scan3A_580#0 : vector<16xf32> to vector<1x16xf32>
        tpu.vector_store %arg9[%swap3A_583, %swap3A_584], %swap3A_587 {strides = array<i32>} : memref<16x32xf32, #tpu.memory_space<vmem>>, vector<1x16xf32>,
        %swap3A_588 = arith.constant 9 : i32
        %swap3A_589 = arith.index_cast %swap3A_588 : i32 to index
        %swap3A_590 = arith.constant 16 : index
        %swap3A_591 = tpu.vector_load %arg9[%swap3A_589, %swap3A_590] {strides = array<i32>} : memref<16x32xf32, #tpu.memory_space<vmem>>, vector<1x16xf32>,
        %swap3A_592 = vector.shape_cast %swap3A_591 : vector<1x16xf32> to vector<16xf32>
        %swap3A_593 = vector.shape_cast %scan3A_580#1 : vector<16xf32> to vector<1x16xf32>
        tpu.vector_store %arg9[%swap3A_589, %swap3A_590], %swap3A_593 {strides = array<i32>} : memref<16x32xf32, #tpu.memory_space<vmem>>, vector<1x16xf32>,
        %get3A_594 = arith.constant 4 : i32
        %get3A_595 = arith.index_cast %get3A_594 : i32 to index
        %get3A_596 = arith.constant 32 : index
        %get3A_597 = tpu.vector_load %arg7[%get3A_595, %get3A_596] {strides = array<i32>} : memref<8x128xf32, #tpu.memory_space<vmem>>, vector<1x16xf32>,
        %get3A_598 = vector.shape_cast %get3A_597 : vector<1x16xf32> to vector<16xf32>
        %get3A_599 = arith.constant 5 : i32
        %get3A_600 = arith.index_cast %get3A_599 : i32 to index
        %get3A_601 = arith.constant 32 : index
        %get3A_602 = tpu.vector_load %arg7[%get3A_600, %get3A_601] {strides = array<i32>} : memref<8x128xf32, #tpu.memory_space<vmem>>, vector<1x16xf32>,
        %get3A_603 = vector.shape_cast %get3A_602 : vector<1x16xf32> to vector<16xf32>
        %get3A_604 = arith.constant 6 : i32
        %get3A_605 = arith.index_cast %get3A_604 : i32 to index
        %get3A_606 = arith.constant 32 : index
        %get3A_607 = tpu.vector_load %arg7[%get3A_605, %get3A_606] {strides = array<i32>} : memref<8x128xf32, #tpu.memory_space<vmem>>, vector<1x16xf32>,
        %get3A_608 = vector.shape_cast %get3A_607 : vector<1x16xf32> to vector<16xf32>
        %get3A_609 = arith.constant 7 : i32
        %get3A_610 = arith.index_cast %get3A_609 : i32 to index
        %get3A_611 = arith.constant 32 : index
        %get3A_612 = tpu.vector_load %arg7[%get3A_610, %get3A_611] {strides = array<i32>} : memref<8x128xf32, #tpu.memory_space<vmem>>, vector<1x16xf32>,
        %get3A_613 = vector.shape_cast %get3A_612 : vector<1x16xf32> to vector<16xf32>
        %broadcast_in_dim3A_614 = arith.constant 0.000000e+00 : f32
        %broadcast_in_dim3A_615 = vector.broadcast %broadcast_in_dim3A_614 : f32 to vector<16xf32>
        %broadcast_in_dim3A_616 = arith.constant 0.000000e+00 : f32
        %broadcast_in_dim3A_617 = vector.broadcast %broadcast_in_dim3A_616 : f32 to vector<16xf32>
        %scan3A_618 = arith.constant 0 : i32
        %scan3A_619 = arith.constant 16 : i32
        %scan3A_620 = arith.addi %scan3A_618, %scan3A_619 : i32
        %scan3A_621 = arith.constant 1 : i32
        %scan3A_622:2 = scf.for %scan3A_848 = %scan3A_618 to %scan3A_620 step %scan3A_621 iter_args(%scan3A_849 = %broadcast_in_dim3A_615, %scan3A_850 = %broadcast_in_dim3A_617) -> (vector<16xf32>, vector<16xf32>)  : i32 {
          %broadcast_in_dim3A_851 = vector.broadcast %scan3A_848 : i32 to vector<16xi32>
          %add3A_852 = arith.constant 544 : i32
          %add3A_853 = arith.addi %add3A_852, %scan3A_848 : i32
          %broadcast_in_dim3A_854 = vector.shape_cast %broadcast_in_dim3A_851 : vector<16xi32> to vector<16x1xi32>
          %gather3A = vector.shape_cast %broadcast_in_dim3A_854 : vector<16x1xi32> to vector<16xi32>
          %gather3A_855 = tpu.dynamic_gather %get3A_598[%gather3A] in [0] : vector<16xf32>, vector<16xi32> -> vector<16xf32>
          %get3A_856 = arith.index_cast %add3A_853 : i32 to index
          %get3A_857 = arith.constant 0 : index
          %get3A_858 = tpu.vector_load %arg8[%get3A_856, %get3A_857] {strides = array<i32>} : memref<1024x32xf32, #tpu.memory_space<vmem>>, vector<1x16xf32>,
          %get3A_859 = vector.shape_cast %get3A_858 : vector<1x16xf32> to vector<16xf32>
          %mul3A_860 = arith.mulf %gather3A_855, %get3A_859 : vector<16xf32>
          %add3A_861 = arith.addf %scan3A_849, %mul3A_860 : vector<16xf32>
          %get3A_862 = arith.index_cast %add3A_853 : i32 to index
          %get3A_863 = arith.constant 16 : index
          %get3A_864 = tpu.vector_load %arg8[%get3A_862, %get3A_863] {strides = array<i32>} : memref<1024x32xf32, #tpu.memory_space<vmem>>, vector<1x16xf32>,
          %get3A_865 = vector.shape_cast %get3A_864 : vector<1x16xf32> to vector<16xf32>
          %mul3A_866 = arith.mulf %gather3A_855, %get3A_865 : vector<16xf32>
          %add3A_867 = arith.addf %scan3A_850, %mul3A_866 : vector<16xf32>
          %add3A_868 = arith.constant 672 : i32
          %add3A_869 = arith.addi %add3A_868, %scan3A_848 : i32
          %broadcast_in_dim3A_870 = vector.shape_cast %broadcast_in_dim3A_851 : vector<16xi32> to vector<16x1xi32>
          %gather3A_871 = vector.shape_cast %broadcast_in_dim3A_870 : vector<16x1xi32> to vector<16xi32>
          %gather3A_872 = tpu.dynamic_gather %get3A_603[%gather3A_871] in [0] : vector<16xf32>, vector<16xi32> -> vector<16xf32>
          %get3A_873 = arith.index_cast %add3A_869 : i32 to index
          %get3A_874 = arith.constant 0 : index
          %get3A_875 = tpu.vector_load %arg8[%get3A_873, %get3A_874] {strides = array<i32>} : memref<1024x32xf32, #tpu.memory_space<vmem>>, vector<1x16xf32>,
          %get3A_876 = vector.shape_cast %get3A_875 : vector<1x16xf32> to vector<16xf32>
          %mul3A_877 = arith.mulf %gather3A_872, %get3A_876 : vector<16xf32>
          %add3A_878 = arith.addf %add3A_861, %mul3A_877 : vector<16xf32>
          %get3A_879 = arith.index_cast %add3A_869 : i32 to index
          %get3A_880 = arith.constant 16 : index
          %get3A_881 = tpu.vector_load %arg8[%get3A_879, %get3A_880] {strides = array<i32>} : memref<1024x32xf32, #tpu.memory_space<vmem>>, vector<1x16xf32>,
          %get3A_882 = vector.shape_cast %get3A_881 : vector<1x16xf32> to vector<16xf32>
          %mul3A_883 = arith.mulf %gather3A_872, %get3A_882 : vector<16xf32>
          %add3A_884 = arith.addf %add3A_867, %mul3A_883 : vector<16xf32>
          %add3A_885 = arith.constant 800 : i32
          %add3A_886 = arith.addi %add3A_885, %scan3A_848 : i32
          %broadcast_in_dim3A_887 = vector.shape_cast %broadcast_in_dim3A_851 : vector<16xi32> to vector<16x1xi32>
          %gather3A_888 = vector.shape_cast %broadcast_in_dim3A_887 : vector<16x1xi32> to vector<16xi32>
          %gather3A_889 = tpu.dynamic_gather %get3A_608[%gather3A_888] in [0] : vector<16xf32>, vector<16xi32> -> vector<16xf32>
          %get3A_890 = arith.index_cast %add3A_886 : i32 to index
          %get3A_891 = arith.constant 0 : index
          %get3A_892 = tpu.vector_load %arg8[%get3A_890, %get3A_891] {strides = array<i32>} : memref<1024x32xf32, #tpu.memory_space<vmem>>, vector<1x16xf32>,
          %get3A_893 = vector.shape_cast %get3A_892 : vector<1x16xf32> to vector<16xf32>
          %mul3A_894 = arith.mulf %gather3A_889, %get3A_893 : vector<16xf32>
          %add3A_895 = arith.addf %add3A_878, %mul3A_894 : vector<16xf32>
          %get3A_896 = arith.index_cast %add3A_886 : i32 to index
          %get3A_897 = arith.constant 16 : index
          %get3A_898 = tpu.vector_load %arg8[%get3A_896, %get3A_897] {strides = array<i32>} : memref<1024x32xf32, #tpu.memory_space<vmem>>, vector<1x16xf32>,
          %get3A_899 = vector.shape_cast %get3A_898 : vector<1x16xf32> to vector<16xf32>
          %mul3A_900 = arith.mulf %gather3A_889, %get3A_899 : vector<16xf32>
          %add3A_901 = arith.addf %add3A_884, %mul3A_900 : vector<16xf32>
          %add3A_902 = arith.constant 928 : i32
          %add3A_903 = arith.addi %add3A_902, %scan3A_848 : i32
          %broadcast_in_dim3A_904 = vector.shape_cast %broadcast_in_dim3A_851 : vector<16xi32> to vector<16x1xi32>
          %gather3A_905 = vector.shape_cast %broadcast_in_dim3A_904 : vector<16x1xi32> to vector<16xi32>
          %gather3A_906 = tpu.dynamic_gather %get3A_613[%gather3A_905] in [0] : vector<16xf32>, vector<16xi32> -> vector<16xf32>
          %get3A_907 = arith.index_cast %add3A_903 : i32 to index
          %get3A_908 = arith.constant 0 : index
          %get3A_909 = tpu.vector_load %arg8[%get3A_907, %get3A_908] {strides = array<i32>} : memref<1024x32xf32, #tpu.memory_space<vmem>>, vector<1x16xf32>,
          %get3A_910 = vector.shape_cast %get3A_909 : vector<1x16xf32> to vector<16xf32>
          %mul3A_911 = arith.mulf %gather3A_906, %get3A_910 : vector<16xf32>
          %add3A_912 = arith.addf %add3A_895, %mul3A_911 : vector<16xf32>
          %get3A_913 = arith.index_cast %add3A_903 : i32 to index
          %get3A_914 = arith.constant 16 : index
          %get3A_915 = tpu.vector_load %arg8[%get3A_913, %get3A_914] {strides = array<i32>} : memref<1024x32xf32, #tpu.memory_space<vmem>>, vector<1x16xf32>,
          %get3A_916 = vector.shape_cast %get3A_915 : vector<1x16xf32> to vector<16xf32>
          %mul3A_917 = arith.mulf %gather3A_906, %get3A_916 : vector<16xf32>
          %add3A_918 = arith.addf %add3A_901, %mul3A_917 : vector<16xf32>
          scf.yield %add3A_912, %add3A_918 : vector<16xf32>, vector<16xf32>
        }
        %scan3A_623 = arith.constant 16 : i32
        %swap3A_624 = arith.constant 10 : i32
        %swap3A_625 = arith.index_cast %swap3A_624 : i32 to index
        %swap3A_626 = arith.constant 0 : index
        %swap3A_627 = tpu.vector_load %arg9[%swap3A_625, %swap3A_626] {strides = array<i32>} : memref<16x32xf32, #tpu.memory_space<vmem>>, vector<1x16xf32>,
        %swap3A_628 = vector.shape_cast %swap3A_627 : vector<1x16xf32> to vector<16xf32>
        %swap3A_629 = vector.shape_cast %scan3A_622#0 : vector<16xf32> to vector<1x16xf32>
        tpu.vector_store %arg9[%swap3A_625, %swap3A_626], %swap3A_629 {strides = array<i32>} : memref<16x32xf32, #tpu.memory_space<vmem>>, vector<1x16xf32>,
        %swap3A_630 = arith.constant 10 : i32
        %swap3A_631 = arith.index_cast %swap3A_630 : i32 to index
        %swap3A_632 = arith.constant 16 : index
        %swap3A_633 = tpu.vector_load %arg9[%swap3A_631, %swap3A_632] {strides = array<i32>} : memref<16x32xf32, #tpu.memory_space<vmem>>, vector<1x16xf32>,
        %swap3A_634 = vector.shape_cast %swap3A_633 : vector<1x16xf32> to vector<16xf32>
        %swap3A_635 = vector.shape_cast %scan3A_622#1 : vector<16xf32> to vector<1x16xf32>
        tpu.vector_store %arg9[%swap3A_631, %swap3A_632], %swap3A_635 {strides = array<i32>} : memref<16x32xf32, #tpu.memory_space<vmem>>, vector<1x16xf32>,
        %get3A_636 = arith.constant 4 : i32
        %get3A_637 = arith.index_cast %get3A_636 : i32 to index
        %get3A_638 = arith.constant 48 : index
        %get3A_639 = tpu.vector_load %arg7[%get3A_637, %get3A_638] {strides = array<i32>} : memref<8x128xf32, #tpu.memory_space<vmem>>, vector<1x16xf32>,
        %get3A_640 = vector.shape_cast %get3A_639 : vector<1x16xf32> to vector<16xf32>
        %get3A_641 = arith.constant 5 : i32
        %get3A_642 = arith.index_cast %get3A_641 : i32 to index
        %get3A_643 = arith.constant 48 : index
        %get3A_644 = tpu.vector_load %arg7[%get3A_642, %get3A_643] {strides = array<i32>} : memref<8x128xf32, #tpu.memory_space<vmem>>, vector<1x16xf32>,
        %get3A_645 = vector.shape_cast %get3A_644 : vector<1x16xf32> to vector<16xf32>
        %get3A_646 = arith.constant 6 : i32
        %get3A_647 = arith.index_cast %get3A_646 : i32 to index
        %get3A_648 = arith.constant 48 : index
        %get3A_649 = tpu.vector_load %arg7[%get3A_647, %get3A_648] {strides = array<i32>} : memref<8x128xf32, #tpu.memory_space<vmem>>, vector<1x16xf32>,
        %get3A_650 = vector.shape_cast %get3A_649 : vector<1x16xf32> to vector<16xf32>
        %get3A_651 = arith.constant 7 : i32
        %get3A_652 = arith.index_cast %get3A_651 : i32 to index
        %get3A_653 = arith.constant 48 : index
        %get3A_654 = tpu.vector_load %arg7[%get3A_652, %get3A_653] {strides = array<i32>} : memref<8x128xf32, #tpu.memory_space<vmem>>, vector<1x16xf32>,
        %get3A_655 = vector.shape_cast %get3A_654 : vector<1x16xf32> to vector<16xf32>
        %broadcast_in_dim3A_656 = arith.constant 0.000000e+00 : f32
        %broadcast_in_dim3A_657 = vector.broadcast %broadcast_in_dim3A_656 : f32 to vector<16xf32>
        %broadcast_in_dim3A_658 = arith.constant 0.000000e+00 : f32
        %broadcast_in_dim3A_659 = vector.broadcast %broadcast_in_dim3A_658 : f32 to vector<16xf32>
        %scan3A_660 = arith.constant 0 : i32
        %scan3A_661 = arith.constant 16 : i32
        %scan3A_662 = arith.addi %scan3A_660, %scan3A_661 : i32
        %scan3A_663 = arith.constant 1 : i32
        %scan3A_664:2 = scf.for %scan3A_848 = %scan3A_660 to %scan3A_662 step %scan3A_663 iter_args(%scan3A_849 = %broadcast_in_dim3A_657, %scan3A_850 = %broadcast_in_dim3A_659) -> (vector<16xf32>, vector<16xf32>)  : i32 {
          %broadcast_in_dim3A_851 = vector.broadcast %scan3A_848 : i32 to vector<16xi32>
          %add3A_852 = arith.constant 560 : i32
          %add3A_853 = arith.addi %add3A_852, %scan3A_848 : i32
          %broadcast_in_dim3A_854 = vector.shape_cast %broadcast_in_dim3A_851 : vector<16xi32> to vector<16x1xi32>
          %gather3A = vector.shape_cast %broadcast_in_dim3A_854 : vector<16x1xi32> to vector<16xi32>
          %gather3A_855 = tpu.dynamic_gather %get3A_640[%gather3A] in [0] : vector<16xf32>, vector<16xi32> -> vector<16xf32>
          %get3A_856 = arith.index_cast %add3A_853 : i32 to index
          %get3A_857 = arith.constant 0 : index
          %get3A_858 = tpu.vector_load %arg8[%get3A_856, %get3A_857] {strides = array<i32>} : memref<1024x32xf32, #tpu.memory_space<vmem>>, vector<1x16xf32>,
          %get3A_859 = vector.shape_cast %get3A_858 : vector<1x16xf32> to vector<16xf32>
          %mul3A_860 = arith.mulf %gather3A_855, %get3A_859 : vector<16xf32>
          %add3A_861 = arith.addf %scan3A_849, %mul3A_860 : vector<16xf32>
          %get3A_862 = arith.index_cast %add3A_853 : i32 to index
          %get3A_863 = arith.constant 16 : index
          %get3A_864 = tpu.vector_load %arg8[%get3A_862, %get3A_863] {strides = array<i32>} : memref<1024x32xf32, #tpu.memory_space<vmem>>, vector<1x16xf32>,
          %get3A_865 = vector.shape_cast %get3A_864 : vector<1x16xf32> to vector<16xf32>
          %mul3A_866 = arith.mulf %gather3A_855, %get3A_865 : vector<16xf32>
          %add3A_867 = arith.addf %scan3A_850, %mul3A_866 : vector<16xf32>
          %add3A_868 = arith.constant 688 : i32
          %add3A_869 = arith.addi %add3A_868, %scan3A_848 : i32
          %broadcast_in_dim3A_870 = vector.shape_cast %broadcast_in_dim3A_851 : vector<16xi32> to vector<16x1xi32>
          %gather3A_871 = vector.shape_cast %broadcast_in_dim3A_870 : vector<16x1xi32> to vector<16xi32>
          %gather3A_872 = tpu.dynamic_gather %get3A_645[%gather3A_871] in [0] : vector<16xf32>, vector<16xi32> -> vector<16xf32>
          %get3A_873 = arith.index_cast %add3A_869 : i32 to index
          %get3A_874 = arith.constant 0 : index
          %get3A_875 = tpu.vector_load %arg8[%get3A_873, %get3A_874] {strides = array<i32>} : memref<1024x32xf32, #tpu.memory_space<vmem>>, vector<1x16xf32>,
          %get3A_876 = vector.shape_cast %get3A_875 : vector<1x16xf32> to vector<16xf32>
          %mul3A_877 = arith.mulf %gather3A_872, %get3A_876 : vector<16xf32>
          %add3A_878 = arith.addf %add3A_861, %mul3A_877 : vector<16xf32>
          %get3A_879 = arith.index_cast %add3A_869 : i32 to index
          %get3A_880 = arith.constant 16 : index
          %get3A_881 = tpu.vector_load %arg8[%get3A_879, %get3A_880] {strides = array<i32>} : memref<1024x32xf32, #tpu.memory_space<vmem>>, vector<1x16xf32>,
          %get3A_882 = vector.shape_cast %get3A_881 : vector<1x16xf32> to vector<16xf32>
          %mul3A_883 = arith.mulf %gather3A_872, %get3A_882 : vector<16xf32>
          %add3A_884 = arith.addf %add3A_867, %mul3A_883 : vector<16xf32>
          %add3A_885 = arith.constant 816 : i32
          %add3A_886 = arith.addi %add3A_885, %scan3A_848 : i32
          %broadcast_in_dim3A_887 = vector.shape_cast %broadcast_in_dim3A_851 : vector<16xi32> to vector<16x1xi32>
          %gather3A_888 = vector.shape_cast %broadcast_in_dim3A_887 : vector<16x1xi32> to vector<16xi32>
          %gather3A_889 = tpu.dynamic_gather %get3A_650[%gather3A_888] in [0] : vector<16xf32>, vector<16xi32> -> vector<16xf32>
          %get3A_890 = arith.index_cast %add3A_886 : i32 to index
          %get3A_891 = arith.constant 0 : index
          %get3A_892 = tpu.vector_load %arg8[%get3A_890, %get3A_891] {strides = array<i32>} : memref<1024x32xf32, #tpu.memory_space<vmem>>, vector<1x16xf32>,
          %get3A_893 = vector.shape_cast %get3A_892 : vector<1x16xf32> to vector<16xf32>
          %mul3A_894 = arith.mulf %gather3A_889, %get3A_893 : vector<16xf32>
          %add3A_895 = arith.addf %add3A_878, %mul3A_894 : vector<16xf32>
          %get3A_896 = arith.index_cast %add3A_886 : i32 to index
          %get3A_897 = arith.constant 16 : index
          %get3A_898 = tpu.vector_load %arg8[%get3A_896, %get3A_897] {strides = array<i32>} : memref<1024x32xf32, #tpu.memory_space<vmem>>, vector<1x16xf32>,
          %get3A_899 = vector.shape_cast %get3A_898 : vector<1x16xf32> to vector<16xf32>
          %mul3A_900 = arith.mulf %gather3A_889, %get3A_899 : vector<16xf32>
          %add3A_901 = arith.addf %add3A_884, %mul3A_900 : vector<16xf32>
          %add3A_902 = arith.constant 944 : i32
          %add3A_903 = arith.addi %add3A_902, %scan3A_848 : i32
          %broadcast_in_dim3A_904 = vector.shape_cast %broadcast_in_dim3A_851 : vector<16xi32> to vector<16x1xi32>
          %gather3A_905 = vector.shape_cast %broadcast_in_dim3A_904 : vector<16x1xi32> to vector<16xi32>
          %gather3A_906 = tpu.dynamic_gather %get3A_655[%gather3A_905] in [0] : vector<16xf32>, vector<16xi32> -> vector<16xf32>
          %get3A_907 = arith.index_cast %add3A_903 : i32 to index
          %get3A_908 = arith.constant 0 : index
          %get3A_909 = tpu.vector_load %arg8[%get3A_907, %get3A_908] {strides = array<i32>} : memref<1024x32xf32, #tpu.memory_space<vmem>>, vector<1x16xf32>,
          %get3A_910 = vector.shape_cast %get3A_909 : vector<1x16xf32> to vector<16xf32>
          %mul3A_911 = arith.mulf %gather3A_906, %get3A_910 : vector<16xf32>
          %add3A_912 = arith.addf %add3A_895, %mul3A_911 : vector<16xf32>
          %get3A_913 = arith.index_cast %add3A_903 : i32 to index
          %get3A_914 = arith.constant 16 : index
          %get3A_915 = tpu.vector_load %arg8[%get3A_913, %get3A_914] {strides = array<i32>} : memref<1024x32xf32, #tpu.memory_space<vmem>>, vector<1x16xf32>,
          %get3A_916 = vector.shape_cast %get3A_915 : vector<1x16xf32> to vector<16xf32>
          %mul3A_917 = arith.mulf %gather3A_906, %get3A_916 : vector<16xf32>
          %add3A_918 = arith.addf %add3A_901, %mul3A_917 : vector<16xf32>
          scf.yield %add3A_912, %add3A_918 : vector<16xf32>, vector<16xf32>
        }
        %scan3A_665 = arith.constant 16 : i32
        %swap3A_666 = arith.constant 11 : i32
        %swap3A_667 = arith.index_cast %swap3A_666 : i32 to index
        %swap3A_668 = arith.constant 0 : index
        %swap3A_669 = tpu.vector_load %arg9[%swap3A_667, %swap3A_668] {strides = array<i32>} : memref<16x32xf32, #tpu.memory_space<vmem>>, vector<1x16xf32>,
        %swap3A_670 = vector.shape_cast %swap3A_669 : vector<1x16xf32> to vector<16xf32>
        %swap3A_671 = vector.shape_cast %scan3A_664#0 : vector<16xf32> to vector<1x16xf32>
        tpu.vector_store %arg9[%swap3A_667, %swap3A_668], %swap3A_671 {strides = array<i32>} : memref<16x32xf32, #tpu.memory_space<vmem>>, vector<1x16xf32>,
        %swap3A_672 = arith.constant 11 : i32
        %swap3A_673 = arith.index_cast %swap3A_672 : i32 to index
        %swap3A_674 = arith.constant 16 : index
        %swap3A_675 = tpu.vector_load %arg9[%swap3A_673, %swap3A_674] {strides = array<i32>} : memref<16x32xf32, #tpu.memory_space<vmem>>, vector<1x16xf32>,
        %swap3A_676 = vector.shape_cast %swap3A_675 : vector<1x16xf32> to vector<16xf32>
        %swap3A_677 = vector.shape_cast %scan3A_664#1 : vector<16xf32> to vector<1x16xf32>
        tpu.vector_store %arg9[%swap3A_673, %swap3A_674], %swap3A_677 {strides = array<i32>} : memref<16x32xf32, #tpu.memory_space<vmem>>, vector<1x16xf32>,
        %get3A_678 = arith.constant 4 : i32
        %get3A_679 = arith.index_cast %get3A_678 : i32 to index
        %get3A_680 = arith.constant 64 : index
        %get3A_681 = tpu.vector_load %arg7[%get3A_679, %get3A_680] {strides = array<i32>} : memref<8x128xf32, #tpu.memory_space<vmem>>, vector<1x16xf32>,
        %get3A_682 = vector.shape_cast %get3A_681 : vector<1x16xf32> to vector<16xf32>
        %get3A_683 = arith.constant 5 : i32
        %get3A_684 = arith.index_cast %get3A_683 : i32 to index
        %get3A_685 = arith.constant 64 : index
        %get3A_686 = tpu.vector_load %arg7[%get3A_684, %get3A_685] {strides = array<i32>} : memref<8x128xf32, #tpu.memory_space<vmem>>, vector<1x16xf32>,
        %get3A_687 = vector.shape_cast %get3A_686 : vector<1x16xf32> to vector<16xf32>
        %get3A_688 = arith.constant 6 : i32
        %get3A_689 = arith.index_cast %get3A_688 : i32 to index
        %get3A_690 = arith.constant 64 : index
        %get3A_691 = tpu.vector_load %arg7[%get3A_689, %get3A_690] {strides = array<i32>} : memref<8x128xf32, #tpu.memory_space<vmem>>, vector<1x16xf32>,
        %get3A_692 = vector.shape_cast %get3A_691 : vector<1x16xf32> to vector<16xf32>
        %get3A_693 = arith.constant 7 : i32
        %get3A_694 = arith.index_cast %get3A_693 : i32 to index
        %get3A_695 = arith.constant 64 : index
        %get3A_696 = tpu.vector_load %arg7[%get3A_694, %get3A_695] {strides = array<i32>} : memref<8x128xf32, #tpu.memory_space<vmem>>, vector<1x16xf32>,
        %get3A_697 = vector.shape_cast %get3A_696 : vector<1x16xf32> to vector<16xf32>
        %broadcast_in_dim3A_698 = arith.constant 0.000000e+00 : f32
        %broadcast_in_dim3A_699 = vector.broadcast %broadcast_in_dim3A_698 : f32 to vector<16xf32>
        %broadcast_in_dim3A_700 = arith.constant 0.000000e+00 : f32
        %broadcast_in_dim3A_701 = vector.broadcast %broadcast_in_dim3A_700 : f32 to vector<16xf32>
        %scan3A_702 = arith.constant 0 : i32
        %scan3A_703 = arith.constant 16 : i32
        %scan3A_704 = arith.addi %scan3A_702, %scan3A_703 : i32
        %scan3A_705 = arith.constant 1 : i32
        %scan3A_706:2 = scf.for %scan3A_848 = %scan3A_702 to %scan3A_704 step %scan3A_705 iter_args(%scan3A_849 = %broadcast_in_dim3A_699, %scan3A_850 = %broadcast_in_dim3A_701) -> (vector<16xf32>, vector<16xf32>)  : i32 {
          %broadcast_in_dim3A_851 = vector.broadcast %scan3A_848 : i32 to vector<16xi32>
          %add3A_852 = arith.constant 576 : i32
          %add3A_853 = arith.addi %add3A_852, %scan3A_848 : i32
          %broadcast_in_dim3A_854 = vector.shape_cast %broadcast_in_dim3A_851 : vector<16xi32> to vector<16x1xi32>
          %gather3A = vector.shape_cast %broadcast_in_dim3A_854 : vector<16x1xi32> to vector<16xi32>
          %gather3A_855 = tpu.dynamic_gather %get3A_682[%gather3A] in [0] : vector<16xf32>, vector<16xi32> -> vector<16xf32>
          %get3A_856 = arith.index_cast %add3A_853 : i32 to index
          %get3A_857 = arith.constant 0 : index
          %get3A_858 = tpu.vector_load %arg8[%get3A_856, %get3A_857] {strides = array<i32>} : memref<1024x32xf32, #tpu.memory_space<vmem>>, vector<1x16xf32>,
          %get3A_859 = vector.shape_cast %get3A_858 : vector<1x16xf32> to vector<16xf32>
          %mul3A_860 = arith.mulf %gather3A_855, %get3A_859 : vector<16xf32>
          %add3A_861 = arith.addf %scan3A_849, %mul3A_860 : vector<16xf32>
          %get3A_862 = arith.index_cast %add3A_853 : i32 to index
          %get3A_863 = arith.constant 16 : index
          %get3A_864 = tpu.vector_load %arg8[%get3A_862, %get3A_863] {strides = array<i32>} : memref<1024x32xf32, #tpu.memory_space<vmem>>, vector<1x16xf32>,
          %get3A_865 = vector.shape_cast %get3A_864 : vector<1x16xf32> to vector<16xf32>
          %mul3A_866 = arith.mulf %gather3A_855, %get3A_865 : vector<16xf32>
          %add3A_867 = arith.addf %scan3A_850, %mul3A_866 : vector<16xf32>
          %add3A_868 = arith.constant 704 : i32
          %add3A_869 = arith.addi %add3A_868, %scan3A_848 : i32
          %broadcast_in_dim3A_870 = vector.shape_cast %broadcast_in_dim3A_851 : vector<16xi32> to vector<16x1xi32>
          %gather3A_871 = vector.shape_cast %broadcast_in_dim3A_870 : vector<16x1xi32> to vector<16xi32>
          %gather3A_872 = tpu.dynamic_gather %get3A_687[%gather3A_871] in [0] : vector<16xf32>, vector<16xi32> -> vector<16xf32>
          %get3A_873 = arith.index_cast %add3A_869 : i32 to index
          %get3A_874 = arith.constant 0 : index
          %get3A_875 = tpu.vector_load %arg8[%get3A_873, %get3A_874] {strides = array<i32>} : memref<1024x32xf32, #tpu.memory_space<vmem>>, vector<1x16xf32>,
          %get3A_876 = vector.shape_cast %get3A_875 : vector<1x16xf32> to vector<16xf32>
          %mul3A_877 = arith.mulf %gather3A_872, %get3A_876 : vector<16xf32>
          %add3A_878 = arith.addf %add3A_861, %mul3A_877 : vector<16xf32>
          %get3A_879 = arith.index_cast %add3A_869 : i32 to index
          %get3A_880 = arith.constant 16 : index
          %get3A_881 = tpu.vector_load %arg8[%get3A_879, %get3A_880] {strides = array<i32>} : memref<1024x32xf32, #tpu.memory_space<vmem>>, vector<1x16xf32>,
          %get3A_882 = vector.shape_cast %get3A_881 : vector<1x16xf32> to vector<16xf32>
          %mul3A_883 = arith.mulf %gather3A_872, %get3A_882 : vector<16xf32>
          %add3A_884 = arith.addf %add3A_867, %mul3A_883 : vector<16xf32>
          %add3A_885 = arith.constant 832 : i32
          %add3A_886 = arith.addi %add3A_885, %scan3A_848 : i32
          %broadcast_in_dim3A_887 = vector.shape_cast %broadcast_in_dim3A_851 : vector<16xi32> to vector<16x1xi32>
          %gather3A_888 = vector.shape_cast %broadcast_in_dim3A_887 : vector<16x1xi32> to vector<16xi32>
          %gather3A_889 = tpu.dynamic_gather %get3A_692[%gather3A_888] in [0] : vector<16xf32>, vector<16xi32> -> vector<16xf32>
          %get3A_890 = arith.index_cast %add3A_886 : i32 to index
          %get3A_891 = arith.constant 0 : index
          %get3A_892 = tpu.vector_load %arg8[%get3A_890, %get3A_891] {strides = array<i32>} : memref<1024x32xf32, #tpu.memory_space<vmem>>, vector<1x16xf32>,
          %get3A_893 = vector.shape_cast %get3A_892 : vector<1x16xf32> to vector<16xf32>
          %mul3A_894 = arith.mulf %gather3A_889, %get3A_893 : vector<16xf32>
          %add3A_895 = arith.addf %add3A_878, %mul3A_894 : vector<16xf32>
          %get3A_896 = arith.index_cast %add3A_886 : i32 to index
          %get3A_897 = arith.constant 16 : index
          %get3A_898 = tpu.vector_load %arg8[%get3A_896, %get3A_897] {strides = array<i32>} : memref<1024x32xf32, #tpu.memory_space<vmem>>, vector<1x16xf32>,
          %get3A_899 = vector.shape_cast %get3A_898 : vector<1x16xf32> to vector<16xf32>
          %mul3A_900 = arith.mulf %gather3A_889, %get3A_899 : vector<16xf32>
          %add3A_901 = arith.addf %add3A_884, %mul3A_900 : vector<16xf32>
          %add3A_902 = arith.constant 960 : i32
          %add3A_903 = arith.addi %add3A_902, %scan3A_848 : i32
          %broadcast_in_dim3A_904 = vector.shape_cast %broadcast_in_dim3A_851 : vector<16xi32> to vector<16x1xi32>
          %gather3A_905 = vector.shape_cast %broadcast_in_dim3A_904 : vector<16x1xi32> to vector<16xi32>
          %gather3A_906 = tpu.dynamic_gather %get3A_697[%gather3A_905] in [0] : vector<16xf32>, vector<16xi32> -> vector<16xf32>
          %get3A_907 = arith.index_cast %add3A_903 : i32 to index
          %get3A_908 = arith.constant 0 : index
          %get3A_909 = tpu.vector_load %arg8[%get3A_907, %get3A_908] {strides = array<i32>} : memref<1024x32xf32, #tpu.memory_space<vmem>>, vector<1x16xf32>,
          %get3A_910 = vector.shape_cast %get3A_909 : vector<1x16xf32> to vector<16xf32>
          %mul3A_911 = arith.mulf %gather3A_906, %get3A_910 : vector<16xf32>
          %add3A_912 = arith.addf %add3A_895, %mul3A_911 : vector<16xf32>
          %get3A_913 = arith.index_cast %add3A_903 : i32 to index
          %get3A_914 = arith.constant 16 : index
          %get3A_915 = tpu.vector_load %arg8[%get3A_913, %get3A_914] {strides = array<i32>} : memref<1024x32xf32, #tpu.memory_space<vmem>>, vector<1x16xf32>,
          %get3A_916 = vector.shape_cast %get3A_915 : vector<1x16xf32> to vector<16xf32>
          %mul3A_917 = arith.mulf %gather3A_906, %get3A_916 : vector<16xf32>
          %add3A_918 = arith.addf %add3A_901, %mul3A_917 : vector<16xf32>
          scf.yield %add3A_912, %add3A_918 : vector<16xf32>, vector<16xf32>
        }
        %scan3A_707 = arith.constant 16 : i32
        %swap3A_708 = arith.constant 12 : i32
        %swap3A_709 = arith.index_cast %swap3A_708 : i32 to index
        %swap3A_710 = arith.constant 0 : index
        %swap3A_711 = tpu.vector_load %arg9[%swap3A_709, %swap3A_710] {strides = array<i32>} : memref<16x32xf32, #tpu.memory_space<vmem>>, vector<1x16xf32>,
        %swap3A_712 = vector.shape_cast %swap3A_711 : vector<1x16xf32> to vector<16xf32>
        %swap3A_713 = vector.shape_cast %scan3A_706#0 : vector<16xf32> to vector<1x16xf32>
        tpu.vector_store %arg9[%swap3A_709, %swap3A_710], %swap3A_713 {strides = array<i32>} : memref<16x32xf32, #tpu.memory_space<vmem>>, vector<1x16xf32>,
        %swap3A_714 = arith.constant 12 : i32
        %swap3A_715 = arith.index_cast %swap3A_714 : i32 to index
        %swap3A_716 = arith.constant 16 : index
        %swap3A_717 = tpu.vector_load %arg9[%swap3A_715, %swap3A_716] {strides = array<i32>} : memref<16x32xf32, #tpu.memory_space<vmem>>, vector<1x16xf32>,
        %swap3A_718 = vector.shape_cast %swap3A_717 : vector<1x16xf32> to vector<16xf32>
        %swap3A_719 = vector.shape_cast %scan3A_706#1 : vector<16xf32> to vector<1x16xf32>
        tpu.vector_store %arg9[%swap3A_715, %swap3A_716], %swap3A_719 {strides = array<i32>} : memref<16x32xf32, #tpu.memory_space<vmem>>, vector<1x16xf32>,
        %get3A_720 = arith.constant 4 : i32
        %get3A_721 = arith.index_cast %get3A_720 : i32 to index
        %get3A_722 = arith.constant 80 : index
        %get3A_723 = tpu.vector_load %arg7[%get3A_721, %get3A_722] {strides = array<i32>} : memref<8x128xf32, #tpu.memory_space<vmem>>, vector<1x16xf32>,
        %get3A_724 = vector.shape_cast %get3A_723 : vector<1x16xf32> to vector<16xf32>
        %get3A_725 = arith.constant 5 : i32
        %get3A_726 = arith.index_cast %get3A_725 : i32 to index
        %get3A_727 = arith.constant 80 : index
        %get3A_728 = tpu.vector_load %arg7[%get3A_726, %get3A_727] {strides = array<i32>} : memref<8x128xf32, #tpu.memory_space<vmem>>, vector<1x16xf32>,
        %get3A_729 = vector.shape_cast %get3A_728 : vector<1x16xf32> to vector<16xf32>
        %get3A_730 = arith.constant 6 : i32
        %get3A_731 = arith.index_cast %get3A_730 : i32 to index
        %get3A_732 = arith.constant 80 : index
        %get3A_733 = tpu.vector_load %arg7[%get3A_731, %get3A_732] {strides = array<i32>} : memref<8x128xf32, #tpu.memory_space<vmem>>, vector<1x16xf32>,
        %get3A_734 = vector.shape_cast %get3A_733 : vector<1x16xf32> to vector<16xf32>
        %get3A_735 = arith.constant 7 : i32
        %get3A_736 = arith.index_cast %get3A_735 : i32 to index
        %get3A_737 = arith.constant 80 : index
        %get3A_738 = tpu.vector_load %arg7[%get3A_736, %get3A_737] {strides = array<i32>} : memref<8x128xf32, #tpu.memory_space<vmem>>, vector<1x16xf32>,
        %get3A_739 = vector.shape_cast %get3A_738 : vector<1x16xf32> to vector<16xf32>
        %broadcast_in_dim3A_740 = arith.constant 0.000000e+00 : f32
        %broadcast_in_dim3A_741 = vector.broadcast %broadcast_in_dim3A_740 : f32 to vector<16xf32>
        %broadcast_in_dim3A_742 = arith.constant 0.000000e+00 : f32
        %broadcast_in_dim3A_743 = vector.broadcast %broadcast_in_dim3A_742 : f32 to vector<16xf32>
        %scan3A_744 = arith.constant 0 : i32
        %scan3A_745 = arith.constant 16 : i32
        %scan3A_746 = arith.addi %scan3A_744, %scan3A_745 : i32
        %scan3A_747 = arith.constant 1 : i32
        %scan3A_748:2 = scf.for %scan3A_848 = %scan3A_744 to %scan3A_746 step %scan3A_747 iter_args(%scan3A_849 = %broadcast_in_dim3A_741, %scan3A_850 = %broadcast_in_dim3A_743) -> (vector<16xf32>, vector<16xf32>)  : i32 {
          %broadcast_in_dim3A_851 = vector.broadcast %scan3A_848 : i32 to vector<16xi32>
          %add3A_852 = arith.constant 592 : i32
          %add3A_853 = arith.addi %add3A_852, %scan3A_848 : i32
          %broadcast_in_dim3A_854 = vector.shape_cast %broadcast_in_dim3A_851 : vector<16xi32> to vector<16x1xi32>
          %gather3A = vector.shape_cast %broadcast_in_dim3A_854 : vector<16x1xi32> to vector<16xi32>
          %gather3A_855 = tpu.dynamic_gather %get3A_724[%gather3A] in [0] : vector<16xf32>, vector<16xi32> -> vector<16xf32>
          %get3A_856 = arith.index_cast %add3A_853 : i32 to index
          %get3A_857 = arith.constant 0 : index
          %get3A_858 = tpu.vector_load %arg8[%get3A_856, %get3A_857] {strides = array<i32>} : memref<1024x32xf32, #tpu.memory_space<vmem>>, vector<1x16xf32>,
          %get3A_859 = vector.shape_cast %get3A_858 : vector<1x16xf32> to vector<16xf32>
          %mul3A_860 = arith.mulf %gather3A_855, %get3A_859 : vector<16xf32>
          %add3A_861 = arith.addf %scan3A_849, %mul3A_860 : vector<16xf32>
          %get3A_862 = arith.index_cast %add3A_853 : i32 to index
          %get3A_863 = arith.constant 16 : index
          %get3A_864 = tpu.vector_load %arg8[%get3A_862, %get3A_863] {strides = array<i32>} : memref<1024x32xf32, #tpu.memory_space<vmem>>, vector<1x16xf32>,
          %get3A_865 = vector.shape_cast %get3A_864 : vector<1x16xf32> to vector<16xf32>
          %mul3A_866 = arith.mulf %gather3A_855, %get3A_865 : vector<16xf32>
          %add3A_867 = arith.addf %scan3A_850, %mul3A_866 : vector<16xf32>
          %add3A_868 = arith.constant 720 : i32
          %add3A_869 = arith.addi %add3A_868, %scan3A_848 : i32
          %broadcast_in_dim3A_870 = vector.shape_cast %broadcast_in_dim3A_851 : vector<16xi32> to vector<16x1xi32>
          %gather3A_871 = vector.shape_cast %broadcast_in_dim3A_870 : vector<16x1xi32> to vector<16xi32>
          %gather3A_872 = tpu.dynamic_gather %get3A_729[%gather3A_871] in [0] : vector<16xf32>, vector<16xi32> -> vector<16xf32>
          %get3A_873 = arith.index_cast %add3A_869 : i32 to index
          %get3A_874 = arith.constant 0 : index
          %get3A_875 = tpu.vector_load %arg8[%get3A_873, %get3A_874] {strides = array<i32>} : memref<1024x32xf32, #tpu.memory_space<vmem>>, vector<1x16xf32>,
          %get3A_876 = vector.shape_cast %get3A_875 : vector<1x16xf32> to vector<16xf32>
          %mul3A_877 = arith.mulf %gather3A_872, %get3A_876 : vector<16xf32>
          %add3A_878 = arith.addf %add3A_861, %mul3A_877 : vector<16xf32>
          %get3A_879 = arith.index_cast %add3A_869 : i32 to index
          %get3A_880 = arith.constant 16 : index
          %get3A_881 = tpu.vector_load %arg8[%get3A_879, %get3A_880] {strides = array<i32>} : memref<1024x32xf32, #tpu.memory_space<vmem>>, vector<1x16xf32>,
          %get3A_882 = vector.shape_cast %get3A_881 : vector<1x16xf32> to vector<16xf32>
          %mul3A_883 = arith.mulf %gather3A_872, %get3A_882 : vector<16xf32>
          %add3A_884 = arith.addf %add3A_867, %mul3A_883 : vector<16xf32>
          %add3A_885 = arith.constant 848 : i32
          %add3A_886 = arith.addi %add3A_885, %scan3A_848 : i32
          %broadcast_in_dim3A_887 = vector.shape_cast %broadcast_in_dim3A_851 : vector<16xi32> to vector<16x1xi32>
          %gather3A_888 = vector.shape_cast %broadcast_in_dim3A_887 : vector<16x1xi32> to vector<16xi32>
          %gather3A_889 = tpu.dynamic_gather %get3A_734[%gather3A_888] in [0] : vector<16xf32>, vector<16xi32> -> vector<16xf32>
          %get3A_890 = arith.index_cast %add3A_886 : i32 to index
          %get3A_891 = arith.constant 0 : index
          %get3A_892 = tpu.vector_load %arg8[%get3A_890, %get3A_891] {strides = array<i32>} : memref<1024x32xf32, #tpu.memory_space<vmem>>, vector<1x16xf32>,
          %get3A_893 = vector.shape_cast %get3A_892 : vector<1x16xf32> to vector<16xf32>
          %mul3A_894 = arith.mulf %gather3A_889, %get3A_893 : vector<16xf32>
          %add3A_895 = arith.addf %add3A_878, %mul3A_894 : vector<16xf32>
          %get3A_896 = arith.index_cast %add3A_886 : i32 to index
          %get3A_897 = arith.constant 16 : index
          %get3A_898 = tpu.vector_load %arg8[%get3A_896, %get3A_897] {strides = array<i32>} : memref<1024x32xf32, #tpu.memory_space<vmem>>, vector<1x16xf32>,
          %get3A_899 = vector.shape_cast %get3A_898 : vector<1x16xf32> to vector<16xf32>
          %mul3A_900 = arith.mulf %gather3A_889, %get3A_899 : vector<16xf32>
          %add3A_901 = arith.addf %add3A_884, %mul3A_900 : vector<16xf32>
          %add3A_902 = arith.constant 976 : i32
          %add3A_903 = arith.addi %add3A_902, %scan3A_848 : i32
          %broadcast_in_dim3A_904 = vector.shape_cast %broadcast_in_dim3A_851 : vector<16xi32> to vector<16x1xi32>
          %gather3A_905 = vector.shape_cast %broadcast_in_dim3A_904 : vector<16x1xi32> to vector<16xi32>
          %gather3A_906 = tpu.dynamic_gather %get3A_739[%gather3A_905] in [0] : vector<16xf32>, vector<16xi32> -> vector<16xf32>
          %get3A_907 = arith.index_cast %add3A_903 : i32 to index
          %get3A_908 = arith.constant 0 : index
          %get3A_909 = tpu.vector_load %arg8[%get3A_907, %get3A_908] {strides = array<i32>} : memref<1024x32xf32, #tpu.memory_space<vmem>>, vector<1x16xf32>,
          %get3A_910 = vector.shape_cast %get3A_909 : vector<1x16xf32> to vector<16xf32>
          %mul3A_911 = arith.mulf %gather3A_906, %get3A_910 : vector<16xf32>
          %add3A_912 = arith.addf %add3A_895, %mul3A_911 : vector<16xf32>
          %get3A_913 = arith.index_cast %add3A_903 : i32 to index
          %get3A_914 = arith.constant 16 : index
          %get3A_915 = tpu.vector_load %arg8[%get3A_913, %get3A_914] {strides = array<i32>} : memref<1024x32xf32, #tpu.memory_space<vmem>>, vector<1x16xf32>,
          %get3A_916 = vector.shape_cast %get3A_915 : vector<1x16xf32> to vector<16xf32>
          %mul3A_917 = arith.mulf %gather3A_906, %get3A_916 : vector<16xf32>
          %add3A_918 = arith.addf %add3A_901, %mul3A_917 : vector<16xf32>
          scf.yield %add3A_912, %add3A_918 : vector<16xf32>, vector<16xf32>
        }
        %scan3A_749 = arith.constant 16 : i32
        %swap3A_750 = arith.constant 13 : i32
        %swap3A_751 = arith.index_cast %swap3A_750 : i32 to index
        %swap3A_752 = arith.constant 0 : index
        %swap3A_753 = tpu.vector_load %arg9[%swap3A_751, %swap3A_752] {strides = array<i32>} : memref<16x32xf32, #tpu.memory_space<vmem>>, vector<1x16xf32>,
        %swap3A_754 = vector.shape_cast %swap3A_753 : vector<1x16xf32> to vector<16xf32>
        %swap3A_755 = vector.shape_cast %scan3A_748#0 : vector<16xf32> to vector<1x16xf32>
        tpu.vector_store %arg9[%swap3A_751, %swap3A_752], %swap3A_755 {strides = array<i32>} : memref<16x32xf32, #tpu.memory_space<vmem>>, vector<1x16xf32>,
        %swap3A_756 = arith.constant 13 : i32
        %swap3A_757 = arith.index_cast %swap3A_756 : i32 to index
        %swap3A_758 = arith.constant 16 : index
        %swap3A_759 = tpu.vector_load %arg9[%swap3A_757, %swap3A_758] {strides = array<i32>} : memref<16x32xf32, #tpu.memory_space<vmem>>, vector<1x16xf32>,
        %swap3A_760 = vector.shape_cast %swap3A_759 : vector<1x16xf32> to vector<16xf32>
        %swap3A_761 = vector.shape_cast %scan3A_748#1 : vector<16xf32> to vector<1x16xf32>
        tpu.vector_store %arg9[%swap3A_757, %swap3A_758], %swap3A_761 {strides = array<i32>} : memref<16x32xf32, #tpu.memory_space<vmem>>, vector<1x16xf32>,
        %get3A_762 = arith.constant 4 : i32
        %get3A_763 = arith.index_cast %get3A_762 : i32 to index
        %get3A_764 = arith.constant 96 : index
        %get3A_765 = tpu.vector_load %arg7[%get3A_763, %get3A_764] {strides = array<i32>} : memref<8x128xf32, #tpu.memory_space<vmem>>, vector<1x16xf32>,
        %get3A_766 = vector.shape_cast %get3A_765 : vector<1x16xf32> to vector<16xf32>
        %get3A_767 = arith.constant 5 : i32
        %get3A_768 = arith.index_cast %get3A_767 : i32 to index
        %get3A_769 = arith.constant 96 : index
        %get3A_770 = tpu.vector_load %arg7[%get3A_768, %get3A_769] {strides = array<i32>} : memref<8x128xf32, #tpu.memory_space<vmem>>, vector<1x16xf32>,
        %get3A_771 = vector.shape_cast %get3A_770 : vector<1x16xf32> to vector<16xf32>
        %get3A_772 = arith.constant 6 : i32
        %get3A_773 = arith.index_cast %get3A_772 : i32 to index
        %get3A_774 = arith.constant 96 : index
        %get3A_775 = tpu.vector_load %arg7[%get3A_773, %get3A_774] {strides = array<i32>} : memref<8x128xf32, #tpu.memory_space<vmem>>, vector<1x16xf32>,
        %get3A_776 = vector.shape_cast %get3A_775 : vector<1x16xf32> to vector<16xf32>
        %get3A_777 = arith.constant 7 : i32
        %get3A_778 = arith.index_cast %get3A_777 : i32 to index
        %get3A_779 = arith.constant 96 : index
        %get3A_780 = tpu.vector_load %arg7[%get3A_778, %get3A_779] {strides = array<i32>} : memref<8x128xf32, #tpu.memory_space<vmem>>, vector<1x16xf32>,
        %get3A_781 = vector.shape_cast %get3A_780 : vector<1x16xf32> to vector<16xf32>
        %broadcast_in_dim3A_782 = arith.constant 0.000000e+00 : f32
        %broadcast_in_dim3A_783 = vector.broadcast %broadcast_in_dim3A_782 : f32 to vector<16xf32>
        %broadcast_in_dim3A_784 = arith.constant 0.000000e+00 : f32
        %broadcast_in_dim3A_785 = vector.broadcast %broadcast_in_dim3A_784 : f32 to vector<16xf32>
        %scan3A_786 = arith.constant 0 : i32
        %scan3A_787 = arith.constant 16 : i32
        %scan3A_788 = arith.addi %scan3A_786, %scan3A_787 : i32
        %scan3A_789 = arith.constant 1 : i32
        %scan3A_790:2 = scf.for %scan3A_848 = %scan3A_786 to %scan3A_788 step %scan3A_789 iter_args(%scan3A_849 = %broadcast_in_dim3A_783, %scan3A_850 = %broadcast_in_dim3A_785) -> (vector<16xf32>, vector<16xf32>)  : i32 {
          %broadcast_in_dim3A_851 = vector.broadcast %scan3A_848 : i32 to vector<16xi32>
          %add3A_852 = arith.constant 608 : i32
          %add3A_853 = arith.addi %add3A_852, %scan3A_848 : i32
          %broadcast_in_dim3A_854 = vector.shape_cast %broadcast_in_dim3A_851 : vector<16xi32> to vector<16x1xi32>
          %gather3A = vector.shape_cast %broadcast_in_dim3A_854 : vector<16x1xi32> to vector<16xi32>
          %gather3A_855 = tpu.dynamic_gather %get3A_766[%gather3A] in [0] : vector<16xf32>, vector<16xi32> -> vector<16xf32>
          %get3A_856 = arith.index_cast %add3A_853 : i32 to index
          %get3A_857 = arith.constant 0 : index
          %get3A_858 = tpu.vector_load %arg8[%get3A_856, %get3A_857] {strides = array<i32>} : memref<1024x32xf32, #tpu.memory_space<vmem>>, vector<1x16xf32>,
          %get3A_859 = vector.shape_cast %get3A_858 : vector<1x16xf32> to vector<16xf32>
          %mul3A_860 = arith.mulf %gather3A_855, %get3A_859 : vector<16xf32>
          %add3A_861 = arith.addf %scan3A_849, %mul3A_860 : vector<16xf32>
          %get3A_862 = arith.index_cast %add3A_853 : i32 to index
          %get3A_863 = arith.constant 16 : index
          %get3A_864 = tpu.vector_load %arg8[%get3A_862, %get3A_863] {strides = array<i32>} : memref<1024x32xf32, #tpu.memory_space<vmem>>, vector<1x16xf32>,
          %get3A_865 = vector.shape_cast %get3A_864 : vector<1x16xf32> to vector<16xf32>
          %mul3A_866 = arith.mulf %gather3A_855, %get3A_865 : vector<16xf32>
          %add3A_867 = arith.addf %scan3A_850, %mul3A_866 : vector<16xf32>
          %add3A_868 = arith.constant 736 : i32
          %add3A_869 = arith.addi %add3A_868, %scan3A_848 : i32
          %broadcast_in_dim3A_870 = vector.shape_cast %broadcast_in_dim3A_851 : vector<16xi32> to vector<16x1xi32>
          %gather3A_871 = vector.shape_cast %broadcast_in_dim3A_870 : vector<16x1xi32> to vector<16xi32>
          %gather3A_872 = tpu.dynamic_gather %get3A_771[%gather3A_871] in [0] : vector<16xf32>, vector<16xi32> -> vector<16xf32>
          %get3A_873 = arith.index_cast %add3A_869 : i32 to index
          %get3A_874 = arith.constant 0 : index
          %get3A_875 = tpu.vector_load %arg8[%get3A_873, %get3A_874] {strides = array<i32>} : memref<1024x32xf32, #tpu.memory_space<vmem>>, vector<1x16xf32>,
          %get3A_876 = vector.shape_cast %get3A_875 : vector<1x16xf32> to vector<16xf32>
          %mul3A_877 = arith.mulf %gather3A_872, %get3A_876 : vector<16xf32>
          %add3A_878 = arith.addf %add3A_861, %mul3A_877 : vector<16xf32>
          %get3A_879 = arith.index_cast %add3A_869 : i32 to index
          %get3A_880 = arith.constant 16 : index
          %get3A_881 = tpu.vector_load %arg8[%get3A_879, %get3A_880] {strides = array<i32>} : memref<1024x32xf32, #tpu.memory_space<vmem>>, vector<1x16xf32>,
          %get3A_882 = vector.shape_cast %get3A_881 : vector<1x16xf32> to vector<16xf32>
          %mul3A_883 = arith.mulf %gather3A_872, %get3A_882 : vector<16xf32>
          %add3A_884 = arith.addf %add3A_867, %mul3A_883 : vector<16xf32>
          %add3A_885 = arith.constant 864 : i32
          %add3A_886 = arith.addi %add3A_885, %scan3A_848 : i32
          %broadcast_in_dim3A_887 = vector.shape_cast %broadcast_in_dim3A_851 : vector<16xi32> to vector<16x1xi32>
          %gather3A_888 = vector.shape_cast %broadcast_in_dim3A_887 : vector<16x1xi32> to vector<16xi32>
          %gather3A_889 = tpu.dynamic_gather %get3A_776[%gather3A_888] in [0] : vector<16xf32>, vector<16xi32> -> vector<16xf32>
          %get3A_890 = arith.index_cast %add3A_886 : i32 to index
          %get3A_891 = arith.constant 0 : index
          %get3A_892 = tpu.vector_load %arg8[%get3A_890, %get3A_891] {strides = array<i32>} : memref<1024x32xf32, #tpu.memory_space<vmem>>, vector<1x16xf32>,
          %get3A_893 = vector.shape_cast %get3A_892 : vector<1x16xf32> to vector<16xf32>
          %mul3A_894 = arith.mulf %gather3A_889, %get3A_893 : vector<16xf32>
          %add3A_895 = arith.addf %add3A_878, %mul3A_894 : vector<16xf32>
          %get3A_896 = arith.index_cast %add3A_886 : i32 to index
          %get3A_897 = arith.constant 16 : index
          %get3A_898 = tpu.vector_load %arg8[%get3A_896, %get3A_897] {strides = array<i32>} : memref<1024x32xf32, #tpu.memory_space<vmem>>, vector<1x16xf32>,
          %get3A_899 = vector.shape_cast %get3A_898 : vector<1x16xf32> to vector<16xf32>
          %mul3A_900 = arith.mulf %gather3A_889, %get3A_899 : vector<16xf32>
          %add3A_901 = arith.addf %add3A_884, %mul3A_900 : vector<16xf32>
          %add3A_902 = arith.constant 992 : i32
          %add3A_903 = arith.addi %add3A_902, %scan3A_848 : i32
          %broadcast_in_dim3A_904 = vector.shape_cast %broadcast_in_dim3A_851 : vector<16xi32> to vector<16x1xi32>
          %gather3A_905 = vector.shape_cast %broadcast_in_dim3A_904 : vector<16x1xi32> to vector<16xi32>
          %gather3A_906 = tpu.dynamic_gather %get3A_781[%gather3A_905] in [0] : vector<16xf32>, vector<16xi32> -> vector<16xf32>
          %get3A_907 = arith.index_cast %add3A_903 : i32 to index
          %get3A_908 = arith.constant 0 : index
          %get3A_909 = tpu.vector_load %arg8[%get3A_907, %get3A_908] {strides = array<i32>} : memref<1024x32xf32, #tpu.memory_space<vmem>>, vector<1x16xf32>,
          %get3A_910 = vector.shape_cast %get3A_909 : vector<1x16xf32> to vector<16xf32>
          %mul3A_911 = arith.mulf %gather3A_906, %get3A_910 : vector<16xf32>
          %add3A_912 = arith.addf %add3A_895, %mul3A_911 : vector<16xf32>
          %get3A_913 = arith.index_cast %add3A_903 : i32 to index
          %get3A_914 = arith.constant 16 : index
          %get3A_915 = tpu.vector_load %arg8[%get3A_913, %get3A_914] {strides = array<i32>} : memref<1024x32xf32, #tpu.memory_space<vmem>>, vector<1x16xf32>,
          %get3A_916 = vector.shape_cast %get3A_915 : vector<1x16xf32> to vector<16xf32>
          %mul3A_917 = arith.mulf %gather3A_906, %get3A_916 : vector<16xf32>
          %add3A_918 = arith.addf %add3A_901, %mul3A_917 : vector<16xf32>
          scf.yield %add3A_912, %add3A_918 : vector<16xf32>, vector<16xf32>
        }
        %scan3A_791 = arith.constant 16 : i32
        %swap3A_792 = arith.constant 14 : i32
        %swap3A_793 = arith.index_cast %swap3A_792 : i32 to index
        %swap3A_794 = arith.constant 0 : index
        %swap3A_795 = tpu.vector_load %arg9[%swap3A_793, %swap3A_794] {strides = array<i32>} : memref<16x32xf32, #tpu.memory_space<vmem>>, vector<1x16xf32>,
        %swap3A_796 = vector.shape_cast %swap3A_795 : vector<1x16xf32> to vector<16xf32>
        %swap3A_797 = vector.shape_cast %scan3A_790#0 : vector<16xf32> to vector<1x16xf32>
        tpu.vector_store %arg9[%swap3A_793, %swap3A_794], %swap3A_797 {strides = array<i32>} : memref<16x32xf32, #tpu.memory_space<vmem>>, vector<1x16xf32>,
        %swap3A_798 = arith.constant 14 : i32
        %swap3A_799 = arith.index_cast %swap3A_798 : i32 to index
        %swap3A_800 = arith.constant 16 : index
        %swap3A_801 = tpu.vector_load %arg9[%swap3A_799, %swap3A_800] {strides = array<i32>} : memref<16x32xf32, #tpu.memory_space<vmem>>, vector<1x16xf32>,
        %swap3A_802 = vector.shape_cast %swap3A_801 : vector<1x16xf32> to vector<16xf32>
        %swap3A_803 = vector.shape_cast %scan3A_790#1 : vector<16xf32> to vector<1x16xf32>
        tpu.vector_store %arg9[%swap3A_799, %swap3A_800], %swap3A_803 {strides = array<i32>} : memref<16x32xf32, #tpu.memory_space<vmem>>, vector<1x16xf32>,
        %get3A_804 = arith.constant 4 : i32
        %get3A_805 = arith.index_cast %get3A_804 : i32 to index
        %get3A_806 = arith.constant 112 : index
        %get3A_807 = tpu.vector_load %arg7[%get3A_805, %get3A_806] {strides = array<i32>} : memref<8x128xf32, #tpu.memory_space<vmem>>, vector<1x16xf32>,
        %get3A_808 = vector.shape_cast %get3A_807 : vector<1x16xf32> to vector<16xf32>
        %get3A_809 = arith.constant 5 : i32
        %get3A_810 = arith.index_cast %get3A_809 : i32 to index
        %get3A_811 = arith.constant 112 : index
        %get3A_812 = tpu.vector_load %arg7[%get3A_810, %get3A_811] {strides = array<i32>} : memref<8x128xf32, #tpu.memory_space<vmem>>, vector<1x16xf32>,
        %get3A_813 = vector.shape_cast %get3A_812 : vector<1x16xf32> to vector<16xf32>
        %get3A_814 = arith.constant 6 : i32
        %get3A_815 = arith.index_cast %get3A_814 : i32 to index
        %get3A_816 = arith.constant 112 : index
        %get3A_817 = tpu.vector_load %arg7[%get3A_815, %get3A_816] {strides = array<i32>} : memref<8x128xf32, #tpu.memory_space<vmem>>, vector<1x16xf32>,
        %get3A_818 = vector.shape_cast %get3A_817 : vector<1x16xf32> to vector<16xf32>
        %get3A_819 = arith.constant 7 : i32
        %get3A_820 = arith.index_cast %get3A_819 : i32 to index
        %get3A_821 = arith.constant 112 : index
        %get3A_822 = tpu.vector_load %arg7[%get3A_820, %get3A_821] {strides = array<i32>} : memref<8x128xf32, #tpu.memory_space<vmem>>, vector<1x16xf32>,
        %get3A_823 = vector.shape_cast %get3A_822 : vector<1x16xf32> to vector<16xf32>
        %broadcast_in_dim3A_824 = arith.constant 0.000000e+00 : f32
        %broadcast_in_dim3A_825 = vector.broadcast %broadcast_in_dim3A_824 : f32 to vector<16xf32>
        %broadcast_in_dim3A_826 = arith.constant 0.000000e+00 : f32
        %broadcast_in_dim3A_827 = vector.broadcast %broadcast_in_dim3A_826 : f32 to vector<16xf32>
        %scan3A_828 = arith.constant 0 : i32
        %scan3A_829 = arith.constant 16 : i32
        %scan3A_830 = arith.addi %scan3A_828, %scan3A_829 : i32
        %scan3A_831 = arith.constant 1 : i32
        %scan3A_832:2 = scf.for %scan3A_848 = %scan3A_828 to %scan3A_830 step %scan3A_831 iter_args(%scan3A_849 = %broadcast_in_dim3A_825, %scan3A_850 = %broadcast_in_dim3A_827) -> (vector<16xf32>, vector<16xf32>)  : i32 {
          %broadcast_in_dim3A_851 = vector.broadcast %scan3A_848 : i32 to vector<16xi32>
          %add3A_852 = arith.constant 624 : i32
          %add3A_853 = arith.addi %add3A_852, %scan3A_848 : i32
          %broadcast_in_dim3A_854 = vector.shape_cast %broadcast_in_dim3A_851 : vector<16xi32> to vector<16x1xi32>
          %gather3A = vector.shape_cast %broadcast_in_dim3A_854 : vector<16x1xi32> to vector<16xi32>
          %gather3A_855 = tpu.dynamic_gather %get3A_808[%gather3A] in [0] : vector<16xf32>, vector<16xi32> -> vector<16xf32>
          %get3A_856 = arith.index_cast %add3A_853 : i32 to index
          %get3A_857 = arith.constant 0 : index
          %get3A_858 = tpu.vector_load %arg8[%get3A_856, %get3A_857] {strides = array<i32>} : memref<1024x32xf32, #tpu.memory_space<vmem>>, vector<1x16xf32>,
          %get3A_859 = vector.shape_cast %get3A_858 : vector<1x16xf32> to vector<16xf32>
          %mul3A_860 = arith.mulf %gather3A_855, %get3A_859 : vector<16xf32>
          %add3A_861 = arith.addf %scan3A_849, %mul3A_860 : vector<16xf32>
          %get3A_862 = arith.index_cast %add3A_853 : i32 to index
          %get3A_863 = arith.constant 16 : index
          %get3A_864 = tpu.vector_load %arg8[%get3A_862, %get3A_863] {strides = array<i32>} : memref<1024x32xf32, #tpu.memory_space<vmem>>, vector<1x16xf32>,
          %get3A_865 = vector.shape_cast %get3A_864 : vector<1x16xf32> to vector<16xf32>
          %mul3A_866 = arith.mulf %gather3A_855, %get3A_865 : vector<16xf32>
          %add3A_867 = arith.addf %scan3A_850, %mul3A_866 : vector<16xf32>
          %add3A_868 = arith.constant 752 : i32
          %add3A_869 = arith.addi %add3A_868, %scan3A_848 : i32
          %broadcast_in_dim3A_870 = vector.shape_cast %broadcast_in_dim3A_851 : vector<16xi32> to vector<16x1xi32>
          %gather3A_871 = vector.shape_cast %broadcast_in_dim3A_870 : vector<16x1xi32> to vector<16xi32>
          %gather3A_872 = tpu.dynamic_gather %get3A_813[%gather3A_871] in [0] : vector<16xf32>, vector<16xi32> -> vector<16xf32>
          %get3A_873 = arith.index_cast %add3A_869 : i32 to index
          %get3A_874 = arith.constant 0 : index
          %get3A_875 = tpu.vector_load %arg8[%get3A_873, %get3A_874] {strides = array<i32>} : memref<1024x32xf32, #tpu.memory_space<vmem>>, vector<1x16xf32>,
          %get3A_876 = vector.shape_cast %get3A_875 : vector<1x16xf32> to vector<16xf32>
          %mul3A_877 = arith.mulf %gather3A_872, %get3A_876 : vector<16xf32>
          %add3A_878 = arith.addf %add3A_861, %mul3A_877 : vector<16xf32>
          %get3A_879 = arith.index_cast %add3A_869 : i32 to index
          %get3A_880 = arith.constant 16 : index
          %get3A_881 = tpu.vector_load %arg8[%get3A_879, %get3A_880] {strides = array<i32>} : memref<1024x32xf32, #tpu.memory_space<vmem>>, vector<1x16xf32>,
          %get3A_882 = vector.shape_cast %get3A_881 : vector<1x16xf32> to vector<16xf32>
          %mul3A_883 = arith.mulf %gather3A_872, %get3A_882 : vector<16xf32>
          %add3A_884 = arith.addf %add3A_867, %mul3A_883 : vector<16xf32>
          %add3A_885 = arith.constant 880 : i32
          %add3A_886 = arith.addi %add3A_885, %scan3A_848 : i32
          %broadcast_in_dim3A_887 = vector.shape_cast %broadcast_in_dim3A_851 : vector<16xi32> to vector<16x1xi32>
          %gather3A_888 = vector.shape_cast %broadcast_in_dim3A_887 : vector<16x1xi32> to vector<16xi32>
          %gather3A_889 = tpu.dynamic_gather %get3A_818[%gather3A_888] in [0] : vector<16xf32>, vector<16xi32> -> vector<16xf32>
          %get3A_890 = arith.index_cast %add3A_886 : i32 to index
          %get3A_891 = arith.constant 0 : index
          %get3A_892 = tpu.vector_load %arg8[%get3A_890, %get3A_891] {strides = array<i32>} : memref<1024x32xf32, #tpu.memory_space<vmem>>, vector<1x16xf32>,
          %get3A_893 = vector.shape_cast %get3A_892 : vector<1x16xf32> to vector<16xf32>
          %mul3A_894 = arith.mulf %gather3A_889, %get3A_893 : vector<16xf32>
          %add3A_895 = arith.addf %add3A_878, %mul3A_894 : vector<16xf32>
          %get3A_896 = arith.index_cast %add3A_886 : i32 to index
          %get3A_897 = arith.constant 16 : index
          %get3A_898 = tpu.vector_load %arg8[%get3A_896, %get3A_897] {strides = array<i32>} : memref<1024x32xf32, #tpu.memory_space<vmem>>, vector<1x16xf32>,
          %get3A_899 = vector.shape_cast %get3A_898 : vector<1x16xf32> to vector<16xf32>
          %mul3A_900 = arith.mulf %gather3A_889, %get3A_899 : vector<16xf32>
          %add3A_901 = arith.addf %add3A_884, %mul3A_900 : vector<16xf32>
          %add3A_902 = arith.constant 1008 : i32
          %add3A_903 = arith.addi %add3A_902, %scan3A_848 : i32
          %broadcast_in_dim3A_904 = vector.shape_cast %broadcast_in_dim3A_851 : vector<16xi32> to vector<16x1xi32>
          %gather3A_905 = vector.shape_cast %broadcast_in_dim3A_904 : vector<16x1xi32> to vector<16xi32>
          %gather3A_906 = tpu.dynamic_gather %get3A_823[%gather3A_905] in [0] : vector<16xf32>, vector<16xi32> -> vector<16xf32>
          %get3A_907 = arith.index_cast %add3A_903 : i32 to index
          %get3A_908 = arith.constant 0 : index
          %get3A_909 = tpu.vector_load %arg8[%get3A_907, %get3A_908] {strides = array<i32>} : memref<1024x32xf32, #tpu.memory_space<vmem>>, vector<1x16xf32>,
          %get3A_910 = vector.shape_cast %get3A_909 : vector<1x16xf32> to vector<16xf32>
          %mul3A_911 = arith.mulf %gather3A_906, %get3A_910 : vector<16xf32>
          %add3A_912 = arith.addf %add3A_895, %mul3A_911 : vector<16xf32>
          %get3A_913 = arith.index_cast %add3A_903 : i32 to index
          %get3A_914 = arith.constant 16 : index
          %get3A_915 = tpu.vector_load %arg8[%get3A_913, %get3A_914] {strides = array<i32>} : memref<1024x32xf32, #tpu.memory_space<vmem>>, vector<1x16xf32>,
          %get3A_916 = vector.shape_cast %get3A_915 : vector<1x16xf32> to vector<16xf32>
          %mul3A_917 = arith.mulf %gather3A_906, %get3A_916 : vector<16xf32>
          %add3A_918 = arith.addf %add3A_901, %mul3A_917 : vector<16xf32>
          scf.yield %add3A_912, %add3A_918 : vector<16xf32>, vector<16xf32>
        }
        %scan3A_833 = arith.constant 16 : i32
        %swap3A_834 = arith.constant 15 : i32
        %swap3A_835 = arith.index_cast %swap3A_834 : i32 to index
        %swap3A_836 = arith.constant 0 : index
        %swap3A_837 = tpu.vector_load %arg9[%swap3A_835, %swap3A_836] {strides = array<i32>} : memref<16x32xf32, #tpu.memory_space<vmem>>, vector<1x16xf32>,
        %swap3A_838 = vector.shape_cast %swap3A_837 : vector<1x16xf32> to vector<16xf32>
        %swap3A_839 = vector.shape_cast %scan3A_832#0 : vector<16xf32> to vector<1x16xf32>
        tpu.vector_store %arg9[%swap3A_835, %swap3A_836], %swap3A_839 {strides = array<i32>} : memref<16x32xf32, #tpu.memory_space<vmem>>, vector<1x16xf32>,
        %swap3A_840 = arith.constant 15 : i32
        %swap3A_841 = arith.index_cast %swap3A_840 : i32 to index
        %swap3A_842 = arith.constant 16 : index
        %swap3A_843 = tpu.vector_load %arg9[%swap3A_841, %swap3A_842] {strides = array<i32>} : memref<16x32xf32, #tpu.memory_space<vmem>>, vector<1x16xf32>,
        %swap3A_844 = vector.shape_cast %swap3A_843 : vector<1x16xf32> to vector<16xf32>
        %swap3A_845 = vector.shape_cast %scan3A_832#1 : vector<16xf32> to vector<1x16xf32>
        tpu.vector_store %arg9[%swap3A_841, %swap3A_842], %swap3A_845 {strides = array<i32>} : memref<16x32xf32, #tpu.memory_space<vmem>>, vector<1x16xf32>,
        %mul3A_846 = arith.constant 8 : i32
        %mul3A_847 = arith.muli %mul3A_16, %mul3A_846 : i32
        "tpu.region"() ({
          %run_scoped3A = tpu.sem_alloc : memref<!tpu.dma_semaphore, #tpu.memory_space<semaphore_mem>>
          %dma_start3A_848 = arith.constant 0 : i32
          %dma_start3A_849 = tpu.memref_slice %arg5[%mul3A_847, %dma_start3A_848] : memref<28800x32xf32, #tpu.memory_space<hbm>> -> memref<16x32xf32, #tpu.memory_space<hbm>>
          %dma_start3A_850 = arith.constant 0 : i32
          %dma_start3A_851 = tpu.memref_slice %arg5[%mul3A_847, %dma_start3A_850] : memref<28800x32xf32, #tpu.memory_space<hbm>> -> memref<16x32xf32, #tpu.memory_space<hbm>>
          tpu.enqueue_dma source(%arg9 : memref<16x32xf32, #tpu.memory_space<vmem>>) target(%dma_start3A_851 : memref<16x32xf32, #tpu.memory_space<hbm>>) target_semaphore(%run_scoped3A : memref<!tpu.dma_semaphore, #tpu.memory_space<semaphore_mem>>)
          %dma_wait3A_852 = arith.constant 0 : i32
          %dma_wait3A_853 = tpu.memref_slice %arg5[%mul3A_847, %dma_wait3A_852] : memref<28800x32xf32, #tpu.memory_space<hbm>> -> memref<16x32xf32, #tpu.memory_space<hbm>>
          %dma_wait3A_854 = arith.constant 0 : i32
          %dma_wait3A_855 = tpu.memref_slice %arg5[%mul3A_847, %dma_wait3A_854] : memref<28800x32xf32, #tpu.memory_space<hbm>> -> memref<16x32xf32, #tpu.memory_space<hbm>>
          tpu.wait_dma2 semaphore(%run_scoped3A : memref<!tpu.dma_semaphore, #tpu.memory_space<semaphore_mem>>) src(%arg9 : memref<16x32xf32, #tpu.memory_space<vmem>>) dst(%dma_wait3A_855 : memref<16x32xf32, #tpu.memory_space<hbm>>)
          tpu.yield
        }) : () -> ()
      } else {
      }
      %scan3A_14 = arith.constant 0 : i32
      scf.yield %scan3A_14 : i32
    }
    %scan3A_6 = arith.constant 57 : i32
    return
  }
}

module attributes {stable_mosaic.version = 14 : i64} {
  func.func @_a1_body(%arg0: i32, %arg1: memref<1360x256xf32, #tpu.memory_space<vmem>>, %arg2: memref<256x256xf32, #tpu.memory_space<vmem>>, %arg3: memref<1x256xf32, #tpu.memory_space<vmem>>, %arg4: memref<1360x256xf32, #tpu.memory_space<vmem>>) attributes {dimension_semantics = [#tpu.dimension_semantics<arbitrary>], iteration_bounds = array<i64: 16>, scalar_prefetch = 0 : i64, scratch_operands = 0 : i64, tpu.core_type = #tpu.core_type<tc>, window_params = [{transform_indices = @transform_0, window_bounds = array<i64: 1360, 256>}, {pipeline_mode = #tpu.pipeline_mode<synchronous>, transform_indices = @transform_1, window_bounds = array<i64: 256, 256>}, {pipeline_mode = #tpu.pipeline_mode<synchronous>, transform_indices = @transform_2, window_bounds = array<i64: 1, 256>}, {transform_indices = @transform_3, window_bounds = array<i64: 1360, 256>}]} {
    %get3A = arith.constant 0 : index
    %get3A_0 = arith.constant 0 : index
    %get3A_1 = vector.load %arg1[%get3A, %get3A_0] : memref<1360x256xf32, #tpu.memory_space<vmem>>, vector<1360x256xf32>
    %get3A_2 = arith.constant 0 : index
    %get3A_3 = arith.constant 0 : index
    %get3A_4 = vector.load %arg2[%get3A_2, %get3A_3] : memref<256x256xf32, #tpu.memory_space<vmem>>, vector<256x256xf32>
    %dot_general3A = arith.constant dense<0.000000e+00> : vector<1360x256xf32>
    %dot_general3A_5 = tpu.matmul %get3A_1, %get3A_4, %dot_general3A {dimension_numbers = #tpu.dot_dimension_numbers<[1], [1], [0], [0], [0, 0, 1, 0], [], []>, transpose_lhs_hint = false} : vector<1360x256xf32>, vector<256x256xf32>, vector<1360x256xf32> -> vector<1360x256xf32>
    %get3A_6 = arith.constant 0 : index
    %get3A_7 = arith.constant 0 : index
    %get3A_8 = vector.load %arg3[%get3A_6, %get3A_7] : memref<1x256xf32, #tpu.memory_space<vmem>>, vector<1x256xf32>
    %add3A = vector.broadcast %get3A_8 : vector<1x256xf32> to vector<1360x256xf32>
    %add3A_9 = arith.addf %dot_general3A_5, %add3A : vector<1360x256xf32>
    %swap3A = arith.constant 0 : index
    %swap3A_10 = arith.constant 0 : index
    %swap3A_11 = vector.load %arg4[%swap3A, %swap3A_10] : memref<1360x256xf32, #tpu.memory_space<vmem>>, vector<1360x256xf32>
    tpu.vector_store %arg4[%swap3A, %swap3A_10], %add3A_9 {strides = array<i32>} : memref<1360x256xf32, #tpu.memory_space<vmem>>, vector<1360x256xf32>,
    return
  }
  func.func @transform_0(%arg0: i32) -> (i32, i32) {
    %c0_i32 = arith.constant 0 : i32
    %c0_i32_0 = arith.constant 0 : i32
    return %arg0, %c0_i32 : i32, i32
  }
  func.func @transform_1(%arg0: i32) -> (i32, i32) {
    %c0_i32 = arith.constant 0 : i32
    %c0_i32_0 = arith.constant 0 : i32
    %c0_i32_1 = arith.constant 0 : i32
    return %c0_i32, %c0_i32_0 : i32, i32
  }
  func.func @transform_2(%arg0: i32) -> (i32, i32) {
    %c0_i32 = arith.constant 0 : i32
    %c0_i32_0 = arith.constant 0 : i32
    %c0_i32_1 = arith.constant 0 : i32
    return %c0_i32, %c0_i32_0 : i32, i32
  }
  func.func @transform_3(%arg0: i32) -> (i32, i32) {
    %c0_i32 = arith.constant 0 : i32
    %c0_i32_0 = arith.constant 0 : i32
    return %arg0, %c0_i32 : i32, i32
  }
}

module attributes {stable_mosaic.version = 14 : i64} {
  func.func @_a2_body(%arg0: i32, %arg1: memref<1x900x256xf32, #tpu.memory_space<vmem>>, %arg2: memref<1x900x8xf32, #tpu.memory_space<vmem>>, %arg3: memref<128x256xf32, #tpu.memory_space<vmem>>, %arg4: memref<128x256xf32, #tpu.memory_space<vmem>>, %arg5: memref<1x128xf32, #tpu.memory_space<vmem>>, %arg6: memref<1x128xf32, #tpu.memory_space<vmem>>, %arg7: memref<128x256xf32, #tpu.memory_space<vmem>>, %arg8: memref<1x128xf32, #tpu.memory_space<vmem>>, %arg9: memref<1x900x4x128xi32, #tpu.memory_space<vmem>>, %arg10: memref<1x900x4x128xf32, #tpu.memory_space<vmem>>) attributes {dimension_semantics = [#tpu.dimension_semantics<arbitrary>], iteration_bounds = array<i64: 4>, scalar_prefetch = 0 : i64, scratch_operands = 0 : i64, tpu.core_type = #tpu.core_type<tc>, window_params = [{transform_indices = @transform_0, window_bounds = array<i64: 1, 900, 256>}, {transform_indices = @transform_1, window_bounds = array<i64: 1, 900, 8>}, {pipeline_mode = #tpu.pipeline_mode<synchronous>, transform_indices = @transform_2, window_bounds = array<i64: 128, 256>}, {pipeline_mode = #tpu.pipeline_mode<synchronous>, transform_indices = @transform_3, window_bounds = array<i64: 128, 256>}, {pipeline_mode = #tpu.pipeline_mode<synchronous>, transform_indices = @transform_4, window_bounds = array<i64: 1, 128>}, {pipeline_mode = #tpu.pipeline_mode<synchronous>, transform_indices = @transform_5, window_bounds = array<i64: 1, 128>}, {pipeline_mode = #tpu.pipeline_mode<synchronous>, transform_indices = @transform_6, window_bounds = array<i64: 128, 256>}, {pipeline_mode = #tpu.pipeline_mode<synchronous>, transform_indices = @transform_7, window_bounds = array<i64: 1, 128>}, {transform_indices = @transform_8, window_bounds = array<i64: 1, 900, 4, 128>}, {transform_indices = @transform_9, window_bounds = array<i64: 1, 900, 4, 128>}]} {
    %get3A = arith.constant 0 : index
    %get3A_0 = arith.constant 0 : index
    %get3A_1 = arith.constant 0 : index
    %get3A_2 = vector.load %arg1[%get3A, %get3A_0, %get3A_1] : memref<1x900x256xf32, #tpu.memory_space<vmem>>, vector<1x900x256xf32>
    %get3A_3 = vector.shape_cast %get3A_2 : vector<1x900x256xf32> to vector<900x256xf32>
    %get3A_4 = arith.constant 0 : index
    %get3A_5 = arith.constant 0 : index
    %get3A_6 = vector.load %arg3[%get3A_4, %get3A_5] : memref<128x256xf32, #tpu.memory_space<vmem>>, vector<128x256xf32>
    %dot_general3A = arith.constant dense<0.000000e+00> : vector<900x128xf32>
    %dot_general3A_7 = tpu.matmul %get3A_3, %get3A_6, %dot_general3A {dimension_numbers = #tpu.dot_dimension_numbers<[1], [1], [0], [0], [0, 0, 1, 0], [], []>, transpose_lhs_hint = false} : vector<900x256xf32>, vector<128x256xf32>, vector<900x128xf32> -> vector<900x128xf32>
    %get3A_8 = arith.constant 0 : index
    %get3A_9 = arith.constant 0 : index
    %get3A_10 = vector.load %arg5[%get3A_8, %get3A_9] : memref<1x128xf32, #tpu.memory_space<vmem>>, vector<1x128xf32>
    %add3A = vector.broadcast %get3A_10 : vector<1x128xf32> to vector<900x128xf32>
    %add3A_11 = arith.addf %dot_general3A_7, %add3A : vector<900x128xf32>
    %get3A_12 = arith.constant 0 : index
    %get3A_13 = arith.constant 0 : index
    %get3A_14 = vector.load %arg4[%get3A_12, %get3A_13] : memref<128x256xf32, #tpu.memory_space<vmem>>, vector<128x256xf32>
    %dot_general3A_15 = arith.constant dense<0.000000e+00> : vector<900x128xf32>
    %dot_general3A_16 = tpu.matmul %get3A_3, %get3A_14, %dot_general3A_15 {dimension_numbers = #tpu.dot_dimension_numbers<[1], [1], [0], [0], [0, 0, 1, 0], [], []>, transpose_lhs_hint = false} : vector<900x256xf32>, vector<128x256xf32>, vector<900x128xf32> -> vector<900x128xf32>
    %get3A_17 = arith.constant 0 : index
    %get3A_18 = arith.constant 0 : index
    %get3A_19 = vector.load %arg6[%get3A_17, %get3A_18] : memref<1x128xf32, #tpu.memory_space<vmem>>, vector<1x128xf32>
    %add3A_20 = vector.broadcast %get3A_19 : vector<1x128xf32> to vector<900x128xf32>
    %add3A_21 = arith.addf %dot_general3A_16, %add3A_20 : vector<900x128xf32>
    %get3A_22 = arith.constant 0 : index
    %get3A_23 = arith.constant 0 : index
    %get3A_24 = vector.load %arg7[%get3A_22, %get3A_23] : memref<128x256xf32, #tpu.memory_space<vmem>>, vector<128x256xf32>
    %dot_general3A_25 = arith.constant dense<0.000000e+00> : vector<900x128xf32>
    %dot_general3A_26 = tpu.matmul %get3A_3, %get3A_24, %dot_general3A_25 {dimension_numbers = #tpu.dot_dimension_numbers<[1], [1], [0], [0], [0, 0, 1, 0], [], []>, transpose_lhs_hint = false} : vector<900x256xf32>, vector<128x256xf32>, vector<900x128xf32> -> vector<900x128xf32>
    %get3A_27 = arith.constant 0 : index
    %get3A_28 = arith.constant 0 : index
    %get3A_29 = vector.load %arg8[%get3A_27, %get3A_28] : memref<1x128xf32, #tpu.memory_space<vmem>>, vector<1x128xf32>
    %add3A_30 = vector.broadcast %get3A_29 : vector<1x128xf32> to vector<900x128xf32>
    %add3A_31 = arith.addf %dot_general3A_26, %add3A_30 : vector<900x128xf32>
    %exp3A = math.exp %add3A_31 : vector<900x128xf32>
    %iota3A = tpu.iota {dimensions = array<i32: 0>} : vector<128x128xi32>
    %iota3A_32 = tpu.iota {dimensions = array<i32: 1>} : vector<128x128xi32>
    %shift_right_arithmetic3A = arith.constant 4 : i32
    %shift_right_arithmetic3A_33 = vector.broadcast %shift_right_arithmetic3A : i32 to vector<128x128xi32>
    %shift_right_arithmetic3A_34 = arith.shrsi %iota3A, %shift_right_arithmetic3A_33 : vector<128x128xi32>
    %shift_right_arithmetic3A_35 = arith.constant 4 : i32
    %shift_right_arithmetic3A_36 = vector.broadcast %shift_right_arithmetic3A_35 : i32 to vector<128x128xi32>
    %shift_right_arithmetic3A_37 = arith.shrsi %iota3A_32, %shift_right_arithmetic3A_36 : vector<128x128xi32>
    %eq3A = arith.cmpi eq, %shift_right_arithmetic3A_34, %shift_right_arithmetic3A_37 : vector<128x128xi32>
    %convert_element_type3A = arith.extui %eq3A : vector<128x128xi1> to vector<128x128xi32>
    %convert_element_type3A_38 = arith.sitofp %convert_element_type3A : vector<128x128xi32> to vector<128x128xf32>
    %dot_general3A_39 = arith.constant dense<0.000000e+00> : vector<900x128xf32>
    %dot_general3A_40 = tpu.matmul %exp3A, %convert_element_type3A_38, %dot_general3A_39 {dimension_numbers = #tpu.dot_dimension_numbers<[1], [0], [0], [1], [0, 0, 1, 1], [], []>, transpose_lhs_hint = false} : vector<900x128xf32>, vector<128x128xf32>, vector<900x128xf32> -> vector<900x128xf32>
    %div3A = arith.divf %exp3A, %dot_general3A_40 : vector<900x128xf32>
    %iota3A_41 = tpu.iota {dimensions = array<i32: 1>} : vector<900x128xi32>
    %shift_right_arithmetic3A_42 = arith.constant 4 : i32
    %shift_right_arithmetic3A_43 = vector.broadcast %shift_right_arithmetic3A_42 : i32 to vector<900x128xi32>
    %shift_right_arithmetic3A_44 = arith.shrsi %iota3A_41, %shift_right_arithmetic3A_43 : vector<900x128xi32>
    %shift_right_arithmetic3A_45 = arith.constant 2 : i32
    %shift_right_arithmetic3A_46 = vector.broadcast %shift_right_arithmetic3A_45 : i32 to vector<900x128xi32>
    %shift_right_arithmetic3A_47 = arith.shrsi %iota3A_41, %shift_right_arithmetic3A_46 : vector<900x128xi32>
    %and3A = arith.constant 3 : i32
    %and3A_48 = vector.broadcast %and3A : i32 to vector<900x128xi32>
    %and3A_49 = arith.andi %shift_right_arithmetic3A_47, %and3A_48 : vector<900x128xi32>
    %shift_right_arithmetic3A_50 = arith.constant 64 : i32
    %shift_right_arithmetic3A_51 = vector.broadcast %shift_right_arithmetic3A_50 : i32 to vector<900x128xi32>
    %shift_right_arithmetic3A_52 = arith.shrsi %shift_right_arithmetic3A_51, %and3A_49 : vector<900x128xi32>
    %convert_element_type3A_53 = arith.sitofp %shift_right_arithmetic3A_52 : vector<900x128xi32> to vector<900x128xf32>
    %eq3A_54 = arith.constant 0 : i32
    %eq3A_55 = vector.broadcast %eq3A_54 : i32 to vector<900x128xi32>
    %eq3A_56 = arith.cmpi eq, %and3A_49, %eq3A_55 : vector<900x128xi32>
    %eq3A_57 = arith.constant 1 : i32
    %eq3A_58 = vector.broadcast %eq3A_57 : i32 to vector<900x128xi32>
    %eq3A_59 = arith.cmpi eq, %and3A_49, %eq3A_58 : vector<900x128xi32>
    %eq3A_60 = arith.constant 2 : i32
    %eq3A_61 = vector.broadcast %eq3A_60 : i32 to vector<900x128xi32>
    %eq3A_62 = arith.cmpi eq, %and3A_49, %eq3A_61 : vector<900x128xi32>
    %jit3A = arith.constant 5120 : i32
    %jit3A_63 = arith.constant 5376 : i32
    %broadcast_in_dim3A = vector.broadcast %jit3A : i32 to vector<900x128xi32>
    %broadcast_in_dim3A_64 = vector.broadcast %jit3A_63 : i32 to vector<900x128xi32>
    %select_n3A = arith.select %eq3A_62, %broadcast_in_dim3A, %broadcast_in_dim3A_64 : vector<900x128xi1>, vector<900x128xi32>
    %jit3A_65 = arith.constant 4096 : i32
    %broadcast_in_dim3A_66 = vector.broadcast %jit3A_65 : i32 to vector<900x128xi32>
    %select_n3A_67 = arith.select %eq3A_59, %broadcast_in_dim3A_66, %select_n3A : vector<900x128xi1>, vector<900x128xi32>
    %jit3A_68 = arith.constant 0 : i32
    %broadcast_in_dim3A_69 = vector.broadcast %jit3A_68 : i32 to vector<900x128xi32>
    %select_n3A_70 = arith.select %eq3A_56, %broadcast_in_dim3A_69, %select_n3A_67 : vector<900x128xi1>, vector<900x128xi32>
    %get3A_71 = arith.constant 0 : index
    %get3A_72 = arith.constant 0 : index
    %get3A_73 = arith.constant 0 : index
    %get3A_74 = vector.load %arg2[%get3A_71, %get3A_72, %get3A_73] : memref<1x900x8xf32, #tpu.memory_space<vmem>>, vector<1x900x8xf32>
    %get3A_75 = vector.shape_cast %get3A_74 : vector<1x900x8xf32> to vector<900x8xf32>
    %broadcast_in_dim3A_76 = arith.constant 0.000000e+00 : f32
    %broadcast_in_dim3A_77 = vector.broadcast %broadcast_in_dim3A_76 : f32 to vector<900x128xf32>
    %eq3A_78 = arith.constant 0 : i32
    %eq3A_79 = vector.broadcast %eq3A_78 : i32 to vector<900x128xi32>
    %eq3A_80 = arith.cmpi eq, %and3A_49, %eq3A_79 : vector<900x128xi32>
    %slice3A = vector.extract_strided_slice %get3A_75 {offsets = [0, 0], sizes = [900, 1], strides = [1, 1]} : vector<900x8xf32> to vector<900x1xf32>
    %jit3A_81 = arith.constant 0.000000e+00 : f32
    %broadcast_in_dim3A_82 = vector.shape_cast %slice3A : vector<900x1xf32> to vector<900x1xf32>
    %broadcast_in_dim3A_83 = vector.broadcast %broadcast_in_dim3A_82 : vector<900x1xf32> to vector<900x128xf32>
    %broadcast_in_dim3A_84 = vector.broadcast %jit3A_81 : f32 to vector<900x128xf32>
    %select_n3A_85 = arith.select %eq3A_80, %broadcast_in_dim3A_83, %broadcast_in_dim3A_84 : vector<900x128xi1>, vector<900x128xf32>
    %add3A_86 = arith.addf %broadcast_in_dim3A_77, %select_n3A_85 : vector<900x128xf32>
    %eq3A_87 = arith.constant 0 : i32
    %eq3A_88 = vector.broadcast %eq3A_87 : i32 to vector<900x128xi32>
    %eq3A_89 = arith.cmpi eq, %and3A_49, %eq3A_88 : vector<900x128xi32>
    %slice3A_90 = vector.extract_strided_slice %get3A_75 {offsets = [0, 1], sizes = [900, 1], strides = [1, 1]} : vector<900x8xf32> to vector<900x1xf32>
    %jit3A_91 = arith.constant 0.000000e+00 : f32
    %broadcast_in_dim3A_92 = vector.shape_cast %slice3A_90 : vector<900x1xf32> to vector<900x1xf32>
    %broadcast_in_dim3A_93 = vector.broadcast %broadcast_in_dim3A_92 : vector<900x1xf32> to vector<900x128xf32>
    %broadcast_in_dim3A_94 = vector.broadcast %jit3A_91 : f32 to vector<900x128xf32>
    %select_n3A_95 = arith.select %eq3A_89, %broadcast_in_dim3A_93, %broadcast_in_dim3A_94 : vector<900x128xi1>, vector<900x128xf32>
    %add3A_96 = arith.addf %broadcast_in_dim3A_77, %select_n3A_95 : vector<900x128xf32>
    %eq3A_97 = arith.constant 1 : i32
    %eq3A_98 = vector.broadcast %eq3A_97 : i32 to vector<900x128xi32>
    %eq3A_99 = arith.cmpi eq, %and3A_49, %eq3A_98 : vector<900x128xi32>
    %slice3A_100 = vector.extract_strided_slice %get3A_75 {offsets = [0, 2], sizes = [900, 1], strides = [1, 1]} : vector<900x8xf32> to vector<900x1xf32>
    %jit3A_101 = arith.constant 0.000000e+00 : f32
    %broadcast_in_dim3A_102 = vector.shape_cast %slice3A_100 : vector<900x1xf32> to vector<900x1xf32>
    %broadcast_in_dim3A_103 = vector.broadcast %broadcast_in_dim3A_102 : vector<900x1xf32> to vector<900x128xf32>
    %broadcast_in_dim3A_104 = vector.broadcast %jit3A_101 : f32 to vector<900x128xf32>
    %select_n3A_105 = arith.select %eq3A_99, %broadcast_in_dim3A_103, %broadcast_in_dim3A_104 : vector<900x128xi1>, vector<900x128xf32>
    %add3A_106 = arith.addf %add3A_86, %select_n3A_105 : vector<900x128xf32>
    %eq3A_107 = arith.constant 1 : i32
    %eq3A_108 = vector.broadcast %eq3A_107 : i32 to vector<900x128xi32>
    %eq3A_109 = arith.cmpi eq, %and3A_49, %eq3A_108 : vector<900x128xi32>
    %slice3A_110 = vector.extract_strided_slice %get3A_75 {offsets = [0, 3], sizes = [900, 1], strides = [1, 1]} : vector<900x8xf32> to vector<900x1xf32>
    %jit3A_111 = arith.constant 0.000000e+00 : f32
    %broadcast_in_dim3A_112 = vector.shape_cast %slice3A_110 : vector<900x1xf32> to vector<900x1xf32>
    %broadcast_in_dim3A_113 = vector.broadcast %broadcast_in_dim3A_112 : vector<900x1xf32> to vector<900x128xf32>
    %broadcast_in_dim3A_114 = vector.broadcast %jit3A_111 : f32 to vector<900x128xf32>
    %select_n3A_115 = arith.select %eq3A_109, %broadcast_in_dim3A_113, %broadcast_in_dim3A_114 : vector<900x128xi1>, vector<900x128xf32>
    %add3A_116 = arith.addf %add3A_96, %select_n3A_115 : vector<900x128xf32>
    %eq3A_117 = arith.constant 2 : i32
    %eq3A_118 = vector.broadcast %eq3A_117 : i32 to vector<900x128xi32>
    %eq3A_119 = arith.cmpi eq, %and3A_49, %eq3A_118 : vector<900x128xi32>
    %slice3A_120 = vector.extract_strided_slice %get3A_75 {offsets = [0, 4], sizes = [900, 1], strides = [1, 1]} : vector<900x8xf32> to vector<900x1xf32>
    %jit3A_121 = arith.constant 0.000000e+00 : f32
    %broadcast_in_dim3A_122 = vector.shape_cast %slice3A_120 : vector<900x1xf32> to vector<900x1xf32>
    %broadcast_in_dim3A_123 = vector.broadcast %broadcast_in_dim3A_122 : vector<900x1xf32> to vector<900x128xf32>
    %broadcast_in_dim3A_124 = vector.broadcast %jit3A_121 : f32 to vector<900x128xf32>
    %select_n3A_125 = arith.select %eq3A_119, %broadcast_in_dim3A_123, %broadcast_in_dim3A_124 : vector<900x128xi1>, vector<900x128xf32>
    %add3A_126 = arith.addf %add3A_106, %select_n3A_125 : vector<900x128xf32>
    %eq3A_127 = arith.constant 2 : i32
    %eq3A_128 = vector.broadcast %eq3A_127 : i32 to vector<900x128xi32>
    %eq3A_129 = arith.cmpi eq, %and3A_49, %eq3A_128 : vector<900x128xi32>
    %slice3A_130 = vector.extract_strided_slice %get3A_75 {offsets = [0, 5], sizes = [900, 1], strides = [1, 1]} : vector<900x8xf32> to vector<900x1xf32>
    %jit3A_131 = arith.constant 0.000000e+00 : f32
    %broadcast_in_dim3A_132 = vector.shape_cast %slice3A_130 : vector<900x1xf32> to vector<900x1xf32>
    %broadcast_in_dim3A_133 = vector.broadcast %broadcast_in_dim3A_132 : vector<900x1xf32> to vector<900x128xf32>
    %broadcast_in_dim3A_134 = vector.broadcast %jit3A_131 : f32 to vector<900x128xf32>
    %select_n3A_135 = arith.select %eq3A_129, %broadcast_in_dim3A_133, %broadcast_in_dim3A_134 : vector<900x128xi1>, vector<900x128xf32>
    %add3A_136 = arith.addf %add3A_116, %select_n3A_135 : vector<900x128xf32>
    %eq3A_137 = arith.constant 3 : i32
    %eq3A_138 = vector.broadcast %eq3A_137 : i32 to vector<900x128xi32>
    %eq3A_139 = arith.cmpi eq, %and3A_49, %eq3A_138 : vector<900x128xi32>
    %slice3A_140 = vector.extract_strided_slice %get3A_75 {offsets = [0, 6], sizes = [900, 1], strides = [1, 1]} : vector<900x8xf32> to vector<900x1xf32>
    %jit3A_141 = arith.constant 0.000000e+00 : f32
    %broadcast_in_dim3A_142 = vector.shape_cast %slice3A_140 : vector<900x1xf32> to vector<900x1xf32>
    %broadcast_in_dim3A_143 = vector.broadcast %broadcast_in_dim3A_142 : vector<900x1xf32> to vector<900x128xf32>
    %broadcast_in_dim3A_144 = vector.broadcast %jit3A_141 : f32 to vector<900x128xf32>
    %select_n3A_145 = arith.select %eq3A_139, %broadcast_in_dim3A_143, %broadcast_in_dim3A_144 : vector<900x128xi1>, vector<900x128xf32>
    %add3A_146 = arith.addf %add3A_126, %select_n3A_145 : vector<900x128xf32>
    %eq3A_147 = arith.constant 3 : i32
    %eq3A_148 = vector.broadcast %eq3A_147 : i32 to vector<900x128xi32>
    %eq3A_149 = arith.cmpi eq, %and3A_49, %eq3A_148 : vector<900x128xi32>
    %slice3A_150 = vector.extract_strided_slice %get3A_75 {offsets = [0, 7], sizes = [900, 1], strides = [1, 1]} : vector<900x8xf32> to vector<900x1xf32>
    %jit3A_151 = arith.constant 0.000000e+00 : f32
    %broadcast_in_dim3A_152 = vector.shape_cast %slice3A_150 : vector<900x1xf32> to vector<900x1xf32>
    %broadcast_in_dim3A_153 = vector.broadcast %broadcast_in_dim3A_152 : vector<900x1xf32> to vector<900x128xf32>
    %broadcast_in_dim3A_154 = vector.broadcast %jit3A_151 : f32 to vector<900x128xf32>
    %select_n3A_155 = arith.select %eq3A_149, %broadcast_in_dim3A_153, %broadcast_in_dim3A_154 : vector<900x128xi1>, vector<900x128xf32>
    %add3A_156 = arith.addf %add3A_136, %select_n3A_155 : vector<900x128xf32>
    %mul3A = arith.mulf %add3A_146, %convert_element_type3A_53 : vector<900x128xf32>
    %add3A_157 = arith.addf %mul3A, %add3A_11 : vector<900x128xf32>
    %sub3A = arith.constant 5.000000e-01 : f32
    %sub3A_158 = vector.broadcast %sub3A : f32 to vector<900x128xf32>
    %sub3A_159 = arith.subf %add3A_157, %sub3A_158 : vector<900x128xf32>
    %mul3A_160 = arith.mulf %add3A_156, %convert_element_type3A_53 : vector<900x128xf32>
    %add3A_161 = arith.addf %mul3A_160, %add3A_21 : vector<900x128xf32>
    %sub3A_162 = arith.constant 5.000000e-01 : f32
    %sub3A_163 = vector.broadcast %sub3A_162 : f32 to vector<900x128xf32>
    %sub3A_164 = arith.subf %add3A_161, %sub3A_163 : vector<900x128xf32>
    %floor3A = math.floor %sub3A_159 : vector<900x128xf32>
    %sub3A_165 = arith.constant 2.000000e+00 : f32
    %sub3A_166 = vector.broadcast %sub3A_165 : f32 to vector<900x128xf32>
    %sub3A_167 = arith.subf %convert_element_type3A_53, %sub3A_166 : vector<900x128xf32>
    %jit3A_168 = arith.constant 0.000000e+00 : f32
    %max3A = vector.broadcast %jit3A_168 : f32 to vector<900x128xf32>
    %max3A_169 = arith.maximumf %max3A, %floor3A : vector<900x128xf32>
    %min3A = arith.minimumf %sub3A_167, %max3A_169 : vector<900x128xf32>
    %floor3A_170 = math.floor %sub3A_164 : vector<900x128xf32>
    %sub3A_171 = arith.constant 2.000000e+00 : f32
    %sub3A_172 = vector.broadcast %sub3A_171 : f32 to vector<900x128xf32>
    %sub3A_173 = arith.subf %convert_element_type3A_53, %sub3A_172 : vector<900x128xf32>
    %jit3A_174 = arith.constant 0.000000e+00 : f32
    %max3A_175 = vector.broadcast %jit3A_174 : f32 to vector<900x128xf32>
    %max3A_176 = arith.maximumf %max3A_175, %floor3A_170 : vector<900x128xf32>
    %min3A_177 = arith.minimumf %sub3A_173, %max3A_176 : vector<900x128xf32>
    %sub3A_178 = arith.subf %sub3A_159, %min3A : vector<900x128xf32>
    %abs3A = math.absf %sub3A_178 : vector<900x128xf32>
    %sub3A_179 = arith.constant 1.000000e+00 : f32
    %sub3A_180 = vector.broadcast %sub3A_179 : f32 to vector<900x128xf32>
    %sub3A_181 = arith.subf %sub3A_180, %abs3A : vector<900x128xf32>
    %max3A_182 = arith.constant 0.000000e+00 : f32
    %max3A_183 = vector.broadcast %max3A_182 : f32 to vector<900x128xf32>
    %max3A_184 = arith.maximumf %max3A_183, %sub3A_181 : vector<900x128xf32>
    %sub3A_185 = arith.subf %sub3A_159, %min3A : vector<900x128xf32>
    %sub3A_186 = arith.constant 1.000000e+00 : f32
    %sub3A_187 = vector.broadcast %sub3A_186 : f32 to vector<900x128xf32>
    %sub3A_188 = arith.subf %sub3A_185, %sub3A_187 : vector<900x128xf32>
    %abs3A_189 = math.absf %sub3A_188 : vector<900x128xf32>
    %sub3A_190 = arith.constant 1.000000e+00 : f32
    %sub3A_191 = vector.broadcast %sub3A_190 : f32 to vector<900x128xf32>
    %sub3A_192 = arith.subf %sub3A_191, %abs3A_189 : vector<900x128xf32>
    %max3A_193 = arith.constant 0.000000e+00 : f32
    %max3A_194 = vector.broadcast %max3A_193 : f32 to vector<900x128xf32>
    %max3A_195 = arith.maximumf %max3A_194, %sub3A_192 : vector<900x128xf32>
    %sub3A_196 = arith.subf %sub3A_164, %min3A_177 : vector<900x128xf32>
    %abs3A_197 = math.absf %sub3A_196 : vector<900x128xf32>
    %sub3A_198 = arith.constant 1.000000e+00 : f32
    %sub3A_199 = vector.broadcast %sub3A_198 : f32 to vector<900x128xf32>
    %sub3A_200 = arith.subf %sub3A_199, %abs3A_197 : vector<900x128xf32>
    %max3A_201 = arith.constant 0.000000e+00 : f32
    %max3A_202 = vector.broadcast %max3A_201 : f32 to vector<900x128xf32>
    %max3A_203 = arith.maximumf %max3A_202, %sub3A_200 : vector<900x128xf32>
    %sub3A_204 = arith.subf %sub3A_164, %min3A_177 : vector<900x128xf32>
    %sub3A_205 = arith.constant 1.000000e+00 : f32
    %sub3A_206 = vector.broadcast %sub3A_205 : f32 to vector<900x128xf32>
    %sub3A_207 = arith.subf %sub3A_204, %sub3A_206 : vector<900x128xf32>
    %abs3A_208 = math.absf %sub3A_207 : vector<900x128xf32>
    %sub3A_209 = arith.constant 1.000000e+00 : f32
    %sub3A_210 = vector.broadcast %sub3A_209 : f32 to vector<900x128xf32>
    %sub3A_211 = arith.subf %sub3A_210, %abs3A_208 : vector<900x128xf32>
    %max3A_212 = arith.constant 0.000000e+00 : f32
    %max3A_213 = vector.broadcast %max3A_212 : f32 to vector<900x128xf32>
    %max3A_214 = arith.maximumf %max3A_213, %sub3A_211 : vector<900x128xf32>
    %convert_element_type3A_215 = arith.fptosi %min3A : vector<900x128xf32> to vector<900x128xi32>
    %convert_element_type3A_216 = arith.fptosi %min3A_177 : vector<900x128xf32> to vector<900x128xi32>
    %mul3A_217 = arith.constant 43520 : i32
    %mul3A_218 = arith.muli %arg0, %mul3A_217 : i32
    %mul3A_219 = arith.muli %convert_element_type3A_216, %shift_right_arithmetic3A_52 : vector<900x128xi32>
    %add3A_220 = arith.addi %select_n3A_70, %mul3A_219 : vector<900x128xi32>
    %add3A_221 = arith.addi %add3A_220, %convert_element_type3A_215 : vector<900x128xi32>
    %mul3A_222 = arith.constant 8 : i32
    %mul3A_223 = vector.broadcast %mul3A_222 : i32 to vector<900x128xi32>
    %mul3A_224 = arith.muli %add3A_221, %mul3A_223 : vector<900x128xi32>
    %add3A_225 = vector.broadcast %mul3A_218 : i32 to vector<900x128xi32>
    %add3A_226 = arith.addi %add3A_225, %mul3A_224 : vector<900x128xi32>
    %add3A_227 = arith.addi %add3A_226, %shift_right_arithmetic3A_44 : vector<900x128xi32>
    %mul3A_228 = arith.constant 8 : i32
    %mul3A_229 = vector.broadcast %mul3A_228 : i32 to vector<900x128xi32>
    %mul3A_230 = arith.muli %shift_right_arithmetic3A_52, %mul3A_229 : vector<900x128xi32>
    %mul3A_231 = arith.constant 8 : i32
    %mul3A_232 = vector.broadcast %mul3A_231 : i32 to vector<900x128xi32>
    %mul3A_233 = arith.muli %shift_right_arithmetic3A_52, %mul3A_232 : vector<900x128xi32>
    %add3A_234 = arith.constant 8 : i32
    %add3A_235 = vector.broadcast %add3A_234 : i32 to vector<900x128xi32>
    %add3A_236 = arith.addi %mul3A_233, %add3A_235 : vector<900x128xi32>
    %add3A_237 = arith.constant 0 : i32
    %add3A_238 = vector.broadcast %add3A_237 : i32 to vector<900x128xi32>
    %add3A_239 = arith.addi %add3A_227, %add3A_238 : vector<900x128xi32>
    %swap3A = arith.constant 0 : index
    %swap3A_240 = arith.constant 0 : index
    %swap3A_241 = arith.constant 0 : index
    %swap3A_242 = arith.constant 0 : index
    %swap3A_243 = vector.load %arg9[%swap3A, %swap3A_240, %swap3A_241, %swap3A_242] : memref<1x900x4x128xi32, #tpu.memory_space<vmem>>, vector<1x900x1x128xi32>
    %swap3A_244 = vector.shape_cast %swap3A_243 : vector<1x900x1x128xi32> to vector<900x128xi32>
    %swap3A_245 = vector.shape_cast %add3A_239 : vector<900x128xi32> to vector<1x900x1x128xi32>
    tpu.vector_store %arg9[%swap3A, %swap3A_240, %swap3A_241, %swap3A_242], %swap3A_245 {strides = array<i32>} : memref<1x900x4x128xi32, #tpu.memory_space<vmem>>, vector<1x900x1x128xi32>,
    %mul3A_246 = arith.mulf %div3A, %max3A_203 : vector<900x128xf32>
    %mul3A_247 = arith.mulf %mul3A_246, %max3A_184 : vector<900x128xf32>
    %swap3A_248 = arith.constant 0 : index
    %swap3A_249 = arith.constant 0 : index
    %swap3A_250 = arith.constant 0 : index
    %swap3A_251 = arith.constant 0 : index
    %swap3A_252 = vector.load %arg10[%swap3A_248, %swap3A_249, %swap3A_250, %swap3A_251] : memref<1x900x4x128xf32, #tpu.memory_space<vmem>>, vector<1x900x1x128xf32>
    %swap3A_253 = vector.shape_cast %swap3A_252 : vector<1x900x1x128xf32> to vector<900x128xf32>
    %swap3A_254 = vector.shape_cast %mul3A_247 : vector<900x128xf32> to vector<1x900x1x128xf32>
    tpu.vector_store %arg10[%swap3A_248, %swap3A_249, %swap3A_250, %swap3A_251], %swap3A_254 {strides = array<i32>} : memref<1x900x4x128xf32, #tpu.memory_space<vmem>>, vector<1x900x1x128xf32>,
    %add3A_255 = arith.constant 8 : i32
    %add3A_256 = vector.broadcast %add3A_255 : i32 to vector<900x128xi32>
    %add3A_257 = arith.addi %add3A_227, %add3A_256 : vector<900x128xi32>
    %swap3A_258 = arith.constant 0 : index
    %swap3A_259 = arith.constant 0 : index
    %swap3A_260 = arith.constant 1 : index
    %swap3A_261 = arith.constant 0 : index
    %swap3A_262 = vector.load %arg9[%swap3A_258, %swap3A_259, %swap3A_260, %swap3A_261] : memref<1x900x4x128xi32, #tpu.memory_space<vmem>>, vector<1x900x1x128xi32>
    %swap3A_263 = vector.shape_cast %swap3A_262 : vector<1x900x1x128xi32> to vector<900x128xi32>
    %swap3A_264 = vector.shape_cast %add3A_257 : vector<900x128xi32> to vector<1x900x1x128xi32>
    tpu.vector_store %arg9[%swap3A_258, %swap3A_259, %swap3A_260, %swap3A_261], %swap3A_264 {strides = array<i32>} : memref<1x900x4x128xi32, #tpu.memory_space<vmem>>, vector<1x900x1x128xi32>,
    %mul3A_265 = arith.mulf %div3A, %max3A_203 : vector<900x128xf32>
    %mul3A_266 = arith.mulf %mul3A_265, %max3A_195 : vector<900x128xf32>
    %swap3A_267 = arith.constant 0 : index
    %swap3A_268 = arith.constant 0 : index
    %swap3A_269 = arith.constant 1 : index
    %swap3A_270 = arith.constant 0 : index
    %swap3A_271 = vector.load %arg10[%swap3A_267, %swap3A_268, %swap3A_269, %swap3A_270] : memref<1x900x4x128xf32, #tpu.memory_space<vmem>>, vector<1x900x1x128xf32>
    %swap3A_272 = vector.shape_cast %swap3A_271 : vector<1x900x1x128xf32> to vector<900x128xf32>
    %swap3A_273 = vector.shape_cast %mul3A_266 : vector<900x128xf32> to vector<1x900x1x128xf32>
    tpu.vector_store %arg10[%swap3A_267, %swap3A_268, %swap3A_269, %swap3A_270], %swap3A_273 {strides = array<i32>} : memref<1x900x4x128xf32, #tpu.memory_space<vmem>>, vector<1x900x1x128xf32>,
    %add3A_274 = arith.addi %add3A_227, %mul3A_230 : vector<900x128xi32>
    %swap3A_275 = arith.constant 0 : index
    %swap3A_276 = arith.constant 0 : index
    %swap3A_277 = arith.constant 2 : index
    %swap3A_278 = arith.constant 0 : index
    %swap3A_279 = vector.load %arg9[%swap3A_275, %swap3A_276, %swap3A_277, %swap3A_278] : memref<1x900x4x128xi32, #tpu.memory_space<vmem>>, vector<1x900x1x128xi32>
    %swap3A_280 = vector.shape_cast %swap3A_279 : vector<1x900x1x128xi32> to vector<900x128xi32>
    %swap3A_281 = vector.shape_cast %add3A_274 : vector<900x128xi32> to vector<1x900x1x128xi32>
    tpu.vector_store %arg9[%swap3A_275, %swap3A_276, %swap3A_277, %swap3A_278], %swap3A_281 {strides = array<i32>} : memref<1x900x4x128xi32, #tpu.memory_space<vmem>>, vector<1x900x1x128xi32>,
    %mul3A_282 = arith.mulf %div3A, %max3A_214 : vector<900x128xf32>
    %mul3A_283 = arith.mulf %mul3A_282, %max3A_184 : vector<900x128xf32>
    %swap3A_284 = arith.constant 0 : index
    %swap3A_285 = arith.constant 0 : index
    %swap3A_286 = arith.constant 2 : index
    %swap3A_287 = arith.constant 0 : index
    %swap3A_288 = vector.load %arg10[%swap3A_284, %swap3A_285, %swap3A_286, %swap3A_287] : memref<1x900x4x128xf32, #tpu.memory_space<vmem>>, vector<1x900x1x128xf32>
    %swap3A_289 = vector.shape_cast %swap3A_288 : vector<1x900x1x128xf32> to vector<900x128xf32>
    %swap3A_290 = vector.shape_cast %mul3A_283 : vector<900x128xf32> to vector<1x900x1x128xf32>
    tpu.vector_store %arg10[%swap3A_284, %swap3A_285, %swap3A_286, %swap3A_287], %swap3A_290 {strides = array<i32>} : memref<1x900x4x128xf32, #tpu.memory_space<vmem>>, vector<1x900x1x128xf32>,
    %add3A_291 = arith.addi %add3A_227, %add3A_236 : vector<900x128xi32>
    %swap3A_292 = arith.constant 0 : index
    %swap3A_293 = arith.constant 0 : index
    %swap3A_294 = arith.constant 3 : index
    %swap3A_295 = arith.constant 0 : index
    %swap3A_296 = vector.load %arg9[%swap3A_292, %swap3A_293, %swap3A_294, %swap3A_295] : memref<1x900x4x128xi32, #tpu.memory_space<vmem>>, vector<1x900x1x128xi32>
    %swap3A_297 = vector.shape_cast %swap3A_296 : vector<1x900x1x128xi32> to vector<900x128xi32>
    %swap3A_298 = vector.shape_cast %add3A_291 : vector<900x128xi32> to vector<1x900x1x128xi32>
    tpu.vector_store %arg9[%swap3A_292, %swap3A_293, %swap3A_294, %swap3A_295], %swap3A_298 {strides = array<i32>} : memref<1x900x4x128xi32, #tpu.memory_space<vmem>>, vector<1x900x1x128xi32>,
    %mul3A_299 = arith.mulf %div3A, %max3A_214 : vector<900x128xf32>
    %mul3A_300 = arith.mulf %mul3A_299, %max3A_195 : vector<900x128xf32>
    %swap3A_301 = arith.constant 0 : index
    %swap3A_302 = arith.constant 0 : index
    %swap3A_303 = arith.constant 3 : index
    %swap3A_304 = arith.constant 0 : index
    %swap3A_305 = vector.load %arg10[%swap3A_301, %swap3A_302, %swap3A_303, %swap3A_304] : memref<1x900x4x128xf32, #tpu.memory_space<vmem>>, vector<1x900x1x128xf32>
    %swap3A_306 = vector.shape_cast %swap3A_305 : vector<1x900x1x128xf32> to vector<900x128xf32>
    %swap3A_307 = vector.shape_cast %mul3A_300 : vector<900x128xf32> to vector<1x900x1x128xf32>
    tpu.vector_store %arg10[%swap3A_301, %swap3A_302, %swap3A_303, %swap3A_304], %swap3A_307 {strides = array<i32>} : memref<1x900x4x128xf32, #tpu.memory_space<vmem>>, vector<1x900x1x128xf32>,
    return
  }
  func.func @transform_0(%arg0: i32) -> (i32, i32, i32) {
    %c0_i32 = arith.constant 0 : i32
    %c0_i32_0 = arith.constant 0 : i32
    %c0_i32_1 = arith.constant 0 : i32
    return %arg0, %c0_i32, %c0_i32_0 : i32, i32, i32
  }
  func.func @transform_1(%arg0: i32) -> (i32, i32, i32) {
    %c0_i32 = arith.constant 0 : i32
    %c0_i32_0 = arith.constant 0 : i32
    %c0_i32_1 = arith.constant 0 : i32
    return %arg0, %c0_i32, %c0_i32_0 : i32, i32, i32
  }
  func.func @transform_2(%arg0: i32) -> (i32, i32) {
    %c0_i32 = arith.constant 0 : i32
    %c0_i32_0 = arith.constant 0 : i32
    %c0_i32_1 = arith.constant 0 : i32
    return %c0_i32, %c0_i32_0 : i32, i32
  }
  func.func @transform_3(%arg0: i32) -> (i32, i32) {
    %c0_i32 = arith.constant 0 : i32
    %c0_i32_0 = arith.constant 0 : i32
    %c0_i32_1 = arith.constant 0 : i32
    return %c0_i32, %c0_i32_0 : i32, i32
  }
  func.func @transform_4(%arg0: i32) -> (i32, i32) {
    %c0_i32 = arith.constant 0 : i32
    %c0_i32_0 = arith.constant 0 : i32
    %c0_i32_1 = arith.constant 0 : i32
    return %c0_i32, %c0_i32_0 : i32, i32
  }
  func.func @transform_5(%arg0: i32) -> (i32, i32) {
    %c0_i32 = arith.constant 0 : i32
    %c0_i32_0 = arith.constant 0 : i32
    %c0_i32_1 = arith.constant 0 : i32
    return %c0_i32, %c0_i32_0 : i32, i32
  }
  func.func @transform_6(%arg0: i32) -> (i32, i32) {
    %c0_i32 = arith.constant 0 : i32
    %c0_i32_0 = arith.constant 0 : i32
    %c0_i32_1 = arith.constant 0 : i32
    return %c0_i32, %c0_i32_0 : i32, i32
  }
  func.func @transform_7(%arg0: i32) -> (i32, i32) {
    %c0_i32 = arith.constant 0 : i32
    %c0_i32_0 = arith.constant 0 : i32
    %c0_i32_1 = arith.constant 0 : i32
    return %c0_i32, %c0_i32_0 : i32, i32
  }
  func.func @transform_8(%arg0: i32) -> (i32, i32, i32, i32) {
    %c0_i32 = arith.constant 0 : i32
    %c0_i32_0 = arith.constant 0 : i32
    %c0_i32_1 = arith.constant 0 : i32
    %c0_i32_2 = arith.constant 0 : i32
    return %arg0, %c0_i32, %c0_i32_0, %c0_i32_1 : i32, i32, i32, i32
  }
  func.func @transform_9(%arg0: i32) -> (i32, i32, i32, i32) {
    %c0_i32 = arith.constant 0 : i32
    %c0_i32_0 = arith.constant 0 : i32
    %c0_i32_1 = arith.constant 0 : i32
    %c0_i32_2 = arith.constant 0 : i32
    return %arg0, %c0_i32, %c0_i32_0, %c0_i32_1 : i32, i32, i32, i32
  }
}

module attributes {stable_mosaic.version = 14 : i64} {
  func.func @_a1_body(%arg0: i32, %arg1: memref<720x256xf32, #tpu.memory_space<vmem>>, %arg2: memref<256x256xf32, #tpu.memory_space<vmem>>, %arg3: memref<1x256xf32, #tpu.memory_space<vmem>>, %arg4: memref<720x256xf32, #tpu.memory_space<vmem>>) attributes {dimension_semantics = [#tpu.dimension_semantics<arbitrary>], iteration_bounds = array<i64: 5>, scalar_prefetch = 0 : i64, scratch_operands = 0 : i64, tpu.core_type = #tpu.core_type<tc>, window_params = [{transform_indices = @transform_0, window_bounds = array<i64: 720, 256>}, {pipeline_mode = #tpu.pipeline_mode<synchronous>, transform_indices = @transform_1, window_bounds = array<i64: 256, 256>}, {pipeline_mode = #tpu.pipeline_mode<synchronous>, transform_indices = @transform_2, window_bounds = array<i64: 1, 256>}, {transform_indices = @transform_3, window_bounds = array<i64: 720, 256>}]} {
    %get3A = arith.constant 0 : index
    %get3A_0 = arith.constant 0 : index
    %get3A_1 = vector.load %arg1[%get3A, %get3A_0] : memref<720x256xf32, #tpu.memory_space<vmem>>, vector<720x256xf32>
    %get3A_2 = arith.constant 0 : index
    %get3A_3 = arith.constant 0 : index
    %get3A_4 = vector.load %arg2[%get3A_2, %get3A_3] : memref<256x256xf32, #tpu.memory_space<vmem>>, vector<256x256xf32>
    %dot_general3A = arith.constant dense<0.000000e+00> : vector<720x256xf32>
    %dot_general3A_5 = tpu.matmul %get3A_1, %get3A_4, %dot_general3A {dimension_numbers = #tpu.dot_dimension_numbers<[1], [1], [0], [0], [0, 0, 1, 0], [], []>, transpose_lhs_hint = false} : vector<720x256xf32>, vector<256x256xf32>, vector<720x256xf32> -> vector<720x256xf32>
    %get3A_6 = arith.constant 0 : index
    %get3A_7 = arith.constant 0 : index
    %get3A_8 = vector.load %arg3[%get3A_6, %get3A_7] : memref<1x256xf32, #tpu.memory_space<vmem>>, vector<1x256xf32>
    %add3A = vector.broadcast %get3A_8 : vector<1x256xf32> to vector<720x256xf32>
    %add3A_9 = arith.addf %dot_general3A_5, %add3A : vector<720x256xf32>
    %swap3A = arith.constant 0 : index
    %swap3A_10 = arith.constant 0 : index
    %swap3A_11 = vector.load %arg4[%swap3A, %swap3A_10] : memref<720x256xf32, #tpu.memory_space<vmem>>, vector<720x256xf32>
    tpu.vector_store %arg4[%swap3A, %swap3A_10], %add3A_9 {strides = array<i32>} : memref<720x256xf32, #tpu.memory_space<vmem>>, vector<720x256xf32>,
    return
  }
  func.func @transform_0(%arg0: i32) -> (i32, i32) {
    %c0_i32 = arith.constant 0 : i32
    %c0_i32_0 = arith.constant 0 : i32
    return %arg0, %c0_i32 : i32, i32
  }
  func.func @transform_1(%arg0: i32) -> (i32, i32) {
    %c0_i32 = arith.constant 0 : i32
    %c0_i32_0 = arith.constant 0 : i32
    %c0_i32_1 = arith.constant 0 : i32
    return %c0_i32, %c0_i32_0 : i32, i32
  }
  func.func @transform_2(%arg0: i32) -> (i32, i32) {
    %c0_i32 = arith.constant 0 : i32
    %c0_i32_0 = arith.constant 0 : i32
    %c0_i32_1 = arith.constant 0 : i32
    return %c0_i32, %c0_i32_0 : i32, i32
  }
  func.func @transform_3(%arg0: i32) -> (i32, i32) {
    %c0_i32 = arith.constant 0 : i32
    %c0_i32_0 = arith.constant 0 : i32
    return %arg0, %c0_i32 : i32, i32
  }
}

</mosaic_0001>

<sc_bundles>
// kernel: kernel.6.cloned.1.call-start
scs
__scs_entry_jumppad:
0x0: {  	(pc) =	sbr.rel $0x88, $3  }
0x1: {  	(tag) =	ssettag $0x0;
	lr =	simm.s32 $0x1  }
0x2: {  	[smem:$0x3F96] =	sst lr;
	_ =	strace $0xD0000000  }
0x3: {  	_ = 	snop  }
0x4: {  	_ = 	snop  }
0x5: {  	_ = 	snop  }
0x6: {  	_ = 	snop  }
0x7: {  	_ = 	snop  }
__scs_overlays_trampoline_lowered:
0x8: {  	[smem:$0x3FA5] =	sst s0  }
0x9: {  	[smem:$0x3FA6] =	sst s1  }
0xa: {  	[smem:$0x3FA7] =	sst s2  }
0xb: {  	[smem:$0x3FA8] =	sst s3  }
0xc: {  	[smem:$0x3FA9] =	sst s4  }
0xd: {  	[smem:$0x3FAA] =	sst s5  }
0xe: {  	[smem:$0x3FAB] =	sst s6  }
0xf: {  	[smem:$0x3FAC] =	sst s7  }
0x10: {  	[smem:$0x3FAD] =	sst s8  }
0x11: {  	[smem:$0x3FAE] =	sst s9;
	s0 =	simm.s32 @!p0 $0x0  }
0x12: {  	s1 =	sld [smem:$0x3F94];
	s0 =	simm.s32 @p0 $0x1  }
0x13: {  	[smem:$0x3FAF] =	sst s0;
	s0 =	simm.s32 @!p1 $0x0  }
0x14: {  	s2 =	sld [smem:$0x3F93];
	s0 =	simm.s32 @p1 $0x1  }
0x15: {  	[smem:$0x3FB0] =	sst s0;
	s0 =	simm.s32 @!p2 $0x0  }
0x16: {  	s3 =	sld [smem:$0x3FDB];
	s0 =	simm.s32 @p2 $0x1  }
0x17: {  	s4 =	simm.s32 $0x1BF5;
	[smem:$0x3FB2] =	sst s0  }
0x18: {  	s0 =	sld [smem:$0x3F95];
	_ =	swait.ge [sflag:s4], $0x0  }
0x19: {  	s7 =	sld [smem:$0x3F96]  }
0x1a: {  	s8 =	sadd.s32 $0xFFFFE003, lr  }
0x1b: {  	s9 =	sadd.s32 $0xFFFFFEF7, lr;
	s5 =	simm.s32 $0xFFFFFFFF;
	p2 =	slt.u32 s8, $0xFFFFF086  }
0x1c: {  	p1 =	slt.u32 s9, $0xF7A;
	s5 =	simm.s32 @!p2 $0x0  }
0x1d: {  	s5 =	simm.s32 @p1 $0x1;
	p0 =	seq.s32 s7, s2  }
0x1e: {  	s7 =	smul.u32 @!p0 $0xF7A, s2;
	p2 =	seq.s32 @!p0 s5, $0x0  }
0x1f: {  	s9 =	smul.u32 $0xF7A, s1;
	s8 =	simm.s32 @!p0 $0x1BF5;
	p2 =	por !p2, p0  }
0x20: {  	[sflag:s8] =	ssyncset.s32 @!p0 $0xFFFFF086;
	s6 =	sadd.s32 @!p0 s3, s7;
	s7 =	simm.s32 @!p0 $0x108  }
0x21: {  	s3 =	sadd.s32 s3, s9;
	s6 =	sadd.s32 @!p0 $0x88, s6;
	s7 =	simm.s32 @p2 $0x1082  }
0x22: {  	[simem:s7], [sflag:s8] =	dma.local @!p0 [hbm:s6], $0xF7A  }
0x23: {  	s9 =	sor.u32 $0xD0000000, s2;
	s6 =	simm.s32 $0x108;
	_ =	swait.ge @!p0 [sflag:s8], $0x0  }
0x24: {  	s3 =	sadd.s32 $0x88, s3;
	s6 =	simm.s32 @!p1 $0x1082;
	[sflag:s4] =	ssyncset.s32 $0xFFFFF086  }
0x25: {  	[simem:s6], [sflag:s4] =	dma.local [hbm:s3], $0xF7A  }
0x26: {  	[smem:$0x3F96] =	sst s1;
	(tag) =	ssettag s2;
	_ =	strace s9  }
0x27: {  	s1 =	sld [smem:$0x3FA6]  }
0x28: {  	s2 =	sld [smem:$0x3FA7]  }
0x29: {  	s4 =	sld [smem:$0x3FA9]  }
0x2a: {  	p0 =	seq.s32 s5, $0x0;
	s5 =	sld [smem:$0x3FAA]  }
0x2b: {  	s6 =	sld [smem:$0x3FAB]  }
0x2c: {  	s7 =	sld [smem:$0x3FAC]  }
0x2d: {  	s3 =	simm.s32 $0x108;
	s8 =	sld [smem:$0x3FAD]  }
0x2e: {  	s3 =	simm.s32 @!p0 $0x1082;
	s9 =	sld [smem:$0x3FAE]  }
0x2f: {  	lr =	sadd.s32 s0, s3;
	s0 =	sld [smem:$0x3FA5]  }
0x30: {  	s3 =	sld [smem:$0x3FA8]  }
0x31: {  	[smem:$0x3FB1] =	sst s10  }
0x32: {  	s10 =	sld [smem:$0x3FAF];
	_ =	sdelay $0x3  }
0x33: {  	p0 =	seq.s32 s10, $0x1;
	s10 =	sld [smem:$0x3FB1];
	_ =	sdelay $0x3  }
0x34: {  	[smem:$0x3FB1] =	sst s10  }
0x35: {  	s10 =	sld [smem:$0x3FB0];
	_ =	sdelay $0x3  }
0x36: {  	p1 =	seq.s32 s10, $0x1;
	s10 =	sld [smem:$0x3FB1];
	_ =	sdelay $0x3  }
0x37: {  	[smem:$0x3FB1] =	sst s10  }
0x38: {  	s10 =	sld [smem:$0x3FB2]  }
0x39: {  	_ = 	snop;
	(pc) =	sbr.ind lr, $3  }
0x3a: {  	_ = 	snop  }
0x3b: {  	_ = 	snop  }
0x3c: {  	p2 =	seq.s32 s10, $0x1;
	s10 =	sld [smem:$0x3FB1]  }
0x3d: {  	_ =	shalt  }
0x3e: {  	_ =	shalt  }
0x3f: {  	_ =	shalt  }
0x40: {  	_ =	shalt  }
0x41: {  	_ =	shalt  }
0x42: {  	_ =	shalt  }
0x43: {  	_ =	shalt  }
0x44: {  	_ =	shalt  }
0x45: {  	_ =	shalt  }
0x46: {  	_ =	shalt  }
0x47: {  	_ =	shalt  }
0x48: {  	_ =	shalt  }
0x49: {  	_ =	shalt  }
0x4a: {  	_ =	shalt  }
0x4b: {  	_ =	shalt  }
0x4c: {  	_ =	shalt  }
0x4d: {  	_ =	shalt  }
0x4e: {  	_ =	shalt  }
0x4f: {  	_ =	shalt  }
0x50: {  	_ =	shalt  }
0x51: {  	_ =	shalt  }
0x52: {  	_ =	shalt  }
0x53: {  	_ =	shalt  }
0x54: {  	_ =	shalt  }
0x55: {  	_ =	shalt  }
0x56: {  	_ =	shalt  }
0x57: {  	_ =	shalt  }
0x58: {  	_ =	shalt  }
0x59: {  	_ =	shalt  }
0x5a: {  	_ =	shalt  }
0x5b: {  	_ =	shalt  }
0x5c: {  	_ =	shalt  }
0x5d: {  	_ =	shalt  }
0x5e: {  	_ =	shalt  }
0x5f: {  	_ =	shalt  }
0x60: {  	_ =	shalt  }
0x61: {  	_ =	shalt  }
0x62: {  	_ =	shalt  }
0x63: {  	_ =	shalt  }
0x64: {  	_ =	shalt  }
0x65: {  	_ =	shalt  }
0x66: {  	_ =	shalt  }
0x67: {  	_ =	shalt  }
0x68: {  	_ =	shalt  }
0x69: {  	_ =	shalt  }
0x6a: {  	_ =	shalt  }
0x6b: {  	_ =	shalt  }
0x6c: {  	_ =	shalt  }
0x6d: {  	_ =	shalt  }
0x6e: {  	_ =	shalt  }
0x6f: {  	_ =	shalt  }
0x70: {  	_ =	shalt  }
0x71: {  	_ =	shalt  }
0x72: {  	_ =	shalt  }
0x73: {  	_ =	shalt  }
0x74: {  	_ =	shalt  }
0x75: {  	_ =	shalt  }
0x76: {  	_ =	shalt  }
0x77: {  	_ =	shalt  }
0x78: {  	_ =	shalt  }
0x79: {  	_ =	shalt  }
0x7a: {  	_ =	shalt  }
0x7b: {  	_ =	shalt  }
0x7c: {  	_ =	shalt  }
0x7d: {  	_ =	shalt  }
0x7e: {  	_ =	shalt  }
0x7f: {  	_ =	shalt  }
0x80: {  	_ =	shalt  }
0x81: {  	_ =	shalt  }
0x82: {  	_ =	shalt  }
0x83: {  	_ =	shalt  }
0x84: {  	_ =	shalt  }
0x85: {  	_ =	shalt  }
0x86: {  	_ =	shalt  }
0x87: {  	_ =	shalt  }
.Lfunc_end0:
.L_simem_size_0:
called_computation_lowered:
.L_overlay_start_0:
0x88: {  	s2 =	sld [smem:$0x3FD9]  }
0x89: {  	s3 =	sld [smem:$0x3FFE];
	_ =	sdelay $0x1  }
0x8a: {  	s1 =	srdreg.scid  }
0x8b: {  	s0 =	sand.u32 $0x1, s1  }
0x8c: {  	s17 =	sshll.u32 s0, $0xA;
	s2 =	sadd.s32 s3, s2  }
0x8d: {  	s2 =	sadd.s32 s2, s17  }
0x8e: {  	[smem:$0x3FBD] =	sst s2  }
0x8f: {  	_ = 	snop  }
0x90: {  	s2 =	sld [smem:$0x3FD0];
	(tm) =	ssettm $0x1  }
0x91: {  	s18 =	sld [smem:$0x3FFB];
	_ =	sdelay $0x3  }
0x92: {  	_ =	strace s18  }
0x93: {  	s3 =	sld [smem:$0x3FFC];
	_ =	sdelay $0x3  }
0x94: {  	_ =	strace s3  }
0x95: {  	s3 =	sld [smem:$0x3FFD];
	_ =	sdelay $0x3  }
0x96: {  	_ =	strace s3  }
0x97: {  	_ =	strace $0x8FFFFFFF  }
0x98: {  	s19 =	sld [smem:$0x3FDB];
	_ =	sdelay $0x1  }
0x99: {  	s4 =	simm.s32 $_scs_section_size  }
0x9a: {  	s5 =	simm.s32 $_size__tile_overlayer_lowered;
	s6 =	simm.s32 $_tile_overlayer_lowered  }
0x9b: {  	s22 =	simm.s32 $0x1BFF;
	s21 =	sshll.u32 s6, $0x1;
	s3 =	sadd.s32 s4, s19  }
0x9c: {  	s7 =	simm.s32 $0x0;
	s20 =	sshll.u32 s5, $0x1;
	s5 =	sadd.s32 s21, s3  }
0x9d: {  	[timem:s7], [sflag:s22] =	dma.local [hbm:s5], s20  }
0x9e: {  	_ =	swait.ge [sflag:s22], s20  }
0x9f: {  	s4 =	ssub.s32 $0x0, s20;
	[sflag:s22] =	ssyncset.done $0x0  }
0xa0: {  	[sflag:s22] =	ssyncadd.s32 s4;
	_ =	sdelay $0x1  }
0xa1: {  	s23 =	simm.s32 $0x1B8B  }
0xa2: {  	_ =	swait.ge [sflag:s23], $0x1  }
0xa3: {  	[sflag:s23] =	ssyncset.done $0x0  }
0xa4: {  	s25 =	simm.s32 $0x1B8E;
	s24 =	sld [smem:$0x3FFE];
	[sflag:s23] =	ssyncadd.s32 $0xFFFFFFFF  }
0xa5: {  	s26 =	simm.s32 $execute0_lowered;
	[smem:$0x3FD2] =	sst s25  }
0xa6: {  	s5 =	sshll.u32 s26, $0x1;
	_ =	strace $0x80000046;
	[dreg:$0x1] =	wrdreg $0xFFFFFFFF  }
0xa7: {  	s28 =	simm.s32 $_size_execute0_lowered;
	s3 =	sadd.s32 s3, s5;
	[dreg:$0x0] =	wrdreg $0x0  }
0xa8: {  	s5 =	sshll.u32 s28, $0x1;
	[dreg:$0x2] =	wrdreg s3  }
0xa9: {  	[dreg:$0x3] =	wrdreg s5  }
0xaa: {  	[dreg:$0x4] =	wrdreg $0xC0  }
0xab: {  	_ =	task [dreg:s7], $0x5FFFF  }
0xac: {  	[dreg:$0x1] =	wrdreg $0xFFFFFFFF  }
0xad: {  	[dreg:$0x0] =	wrdreg $0x60  }
0xae: {  	[dreg:$0x2] =	wrdreg s24  }
0xaf: {  	[dreg:$0x3] =	wrdreg s2  }
0xb0: {  	[dreg:$0x4] =	wrdreg $0x9  }
0xb1: {  	_ =	task.clear_ibuf [dreg:s7], $0x5FFFF;
	_ =	strace $0x90000046  }
0xb2: {  	s29 =	simm.s32 $0x9;
	_ =	strace $0x80000048  }
0xb3: {  	_ =	swait.ge [sflag:s29], $0x1  }
0xb4: {  	[sflag:s29] =	ssyncadd.s32 $0xFFFFFFFF  }
0xb5: {  	_ =	strace $0x90000048  }
0xb6: {  	_ =	sfence  }
0xb7: {  	s30 =	sld [smem:$0x0];
	_ =	sdelay $0x2  }
0xb8: {  	s31 =	sshll.u32 s1, $0xD;
	s1 =	sshrl.u32 s1, $0x2  }
0xb9: {  	s3 =	sand.u32 $0x4000, s31;
	s1 =	sadd.s32 s1, s30  }
0xba: {  	s0 =	sor.u32 s3, s0;
	s1 =	sshll.u32 s1, $0x11  }
0xbb: {  	s0 =	sor.u32 s1, s0  }
0xbc: {  	s0 =	sadd.s32 $0x8F2B, s0  }
0xbd: {  	[sflag:s0] =	ssyncadd.remote.s32 $0x1  }
0xbe: {  	_ =	sfence.sel $0xFFFF  }
0xbf: {  	[dreg:$0x0] =	wrdreg $0xFFFFFFFF;
	(pc) =	sbr.abs _section_cstart, $3  }
0xc0: {  	[dreg:$0x1] =	wrdreg $0xFFFFFFFF  }
0xc1: {  	_ =	task.clear_ibuf [dreg:s7], $0x2FFFF;
	_ =	strace $0x9FFFFFFF  }
0xc2: {  	(tm) =	ssettm $0x7FFFFFFF  }
0xc3: {  	_ =	shalt  }
tec
execute0_lowered:
.L_overlay_start_1:
0x0: {  	(tag) =	ssettag $0x1  }
0x1: {  	s0 =	rddreg [dreg:$0x0]  }
0x2: {  	s1 =	rddreg [dreg:$0x1];
	s3 =	simm.s32 $0x0;
	s2 =	srdreg.scid  }
0x3: {  	s5 =	stileid.u32;
	s9 =	simm.s32 $0x3;
	s10 =	simm.s32 $0x400  }
0x4: {  	s11 =	simm.s32 $0x80;
	s12 =	simm.s32 $0x800;
	s13 =	simm.s32 $0x1800  }
0x5: {  	s14 =	simm.s32 $0x100;
	s15 =	simm.s32 $0x180;
	s16 =	simm.s32 $0x3800  }
0x6: {  	s17 =	simm.s32 $0x200;
	s18 =	simm.s32 $0x4800;
	s19 =	simm.s32 $0x280  }
0x7: {  	s20 =	simm.s32 $0x5800;
	s21 =	simm.s32 $0x300;
	s22 =	simm.s32 $0x6800  }
0x8: {  	s23 =	simm.s32 $0x380;
	s24 =	simm.s32 $0x7800;
	s25 =	simm.s32 $0x1  }
0x9: {  	s26 =	simm.s32 $0x8800;
	s28 =	simm.s32 $0x2;
	s2 =	sand.u32 $0x1, s2  }
.Ltmp0:
0xa: {  	s29 =	simm.s32 $0x0;
	s7 =	ssub.s32 $0x2, s2;
	(pc) =	sbr.rel .LBB2_1-.Ltmp0, $4  }
0xb: {  	[smem:$0x7FF] =	sst s3;
	s4 =	sadd.s32 $0xC00, s0;
	s8 =	sshrl.u32 s7, $0x1  }
0xc: {  	s6 =	sshll.u32 s5, $0x1;
	s5 =	sadd.s32 $0xAAC00, s0;
	s31 =	ssub.s32 s7, s8  }
0xd: {  	s2 =	sor.u32 s2, s6;
	s6 =	sadd.s32 $0xE3000, s0;
	s0 =	smax.u32 s31, $0x1  }
0xe: {  	_ =	strace $0x80000047;
	s7 =	smul.u32 $0x39, s2;
	[dreg:$0x3] =	wrdreg s0  }
.LBB2_37:
0xf: {  	s29 =	sadd.s32 $0x1, s29;
	s0 =	rddreg [dreg:$0x3]  }
0x10: {  	p0 =	sne.s32 s29, s0  }
.Ltmp1:
0x11: {  	_ = 	snop;
	(pc) =	sbr.rel @!p0 .LBB2_38-.Ltmp1, $1  }
0x12: {  	_ =	sdelay $0x3  }
.LBB2_1:
.Ltmp2:
0x13: {  	(pc) =	sbr.rel .LBB2_2-.Ltmp2, $2  }
0x14: {  	_ =	sdelay $0x2  }
0x15: {  	s30 =	simm.s32 $0x0  }
.LBB2_36:
0x16: {  	s30 =	sadd.s32 $0x1, s30  }
0x17: {  	p0 =	sne.s32 s30, $0x39  }
.Ltmp3:
0x18: {  	_ = 	snop;
	(pc) =	sbr.rel @!p0 .LBB2_37-.Ltmp3, $1  }
0x19: {  	_ =	sdelay $0x3  }
.LBB2_2:
0x1a: {  	s31 =	sadd.s32 s7, s30  }
0x1b: {  	p0 =	sgt.u32 s31, $0x707  }
.Ltmp4:
0x1c: {  	_ = 	snop;
	(pc) =	sbr.rel @p0 .LBB2_36-.Ltmp4, $1  }
0x1d: {  	_ =	sdelay $0x3  }
0x1e: {  	s0 =	sshll.u32 s31, $0x7  }
0x1f: {  	s8 =	simm.s32 $0x0;
	s2 =	sadd.s32 s5, s0  }
0x20: {  	[tilespmem:s8], [sflag:$0x3] =	stream.linear.gather [hbm4b:s2+s8], $0x400, $0x38;
	[tilespmem:$0x8A00] =	vst v63  }
0x21: {  	_ =	swait.ge [sflag:s9], $0x400  }
0x22: {  	[sflag:s9] =	ssyncset.done $0x0  }
0x23: {  	s0 =	sadd.s32 s6, s0;
	[sflag:s9] =	ssyncadd.s32 $0xFFFFFC00  }
0x24: {  	[tilespmem:s10], [sflag:$0x3] =	stream.linear.gather [hbm4b:s0+s8], $0x400, $0x38;
	[tilespmem:$0x8A00] =	vst v63  }
0x25: {  	_ =	swait.ge [sflag:s9], $0x400  }
0x26: {  	[sflag:s9] =	ssyncset.done $0x0  }
0x27: {  	[sflag:s9] =	ssyncadd.s32 $0xFFFFFC00  }
0x28: {  	[tilespmem:s12], [sflag:$0x1] =	stream.indirect.gather [hbm4b:s4+s11], $0x20, s8, s11, $0xb8;
	[tilespmem:$0x8A00] =	vst v63  }
0x29: {  	_ = 	snop  }
0x2a: {  	[tilespmem:s13], [sflag:$0x1] =	stream.indirect.gather [hbm4b:s4+s11], $0x20, s11, s11, $0xb8;
	[tilespmem:$0x8A00] =	vst v63  }
0x2b: {  	s2 =	simm.s32 $0x2800  }
0x2c: {  	[tilespmem:s2], [sflag:$0x1] =	stream.indirect.gather [hbm4b:s4+s11], $0x20, s14, s11, $0xb8;
	[tilespmem:$0x8A00] =	vst v63  }
0x2d: {  	_ = 	snop  }
0x2e: {  	[tilespmem:s16], [sflag:$0x1] =	stream.indirect.gather [hbm4b:s4+s11], $0x20, s15, s11, $0xb8;
	[tilespmem:$0x8A00] =	vst v63  }
0x2f: {  	_ = 	snop  }
0x30: {  	[tilespmem:s18], [sflag:$0x1] =	stream.indirect.gather [hbm4b:s4+s11], $0x20, s17, s11, $0xb8;
	[tilespmem:$0x8A00] =	vst v63  }
0x31: {  	_ = 	snop  }
0x32: {  	[tilespmem:s20], [sflag:$0x1] =	stream.indirect.gather [hbm4b:s4+s11], $0x20, s19, s11, $0xb8;
	[tilespmem:$0x8A00] =	vst v63  }
0x33: {  	_ = 	snop  }
0x34: {  	[tilespmem:s22], [sflag:$0x1] =	stream.indirect.gather [hbm4b:s4+s11], $0x20, s21, s11, $0xb8;
	[tilespmem:$0x8A00] =	vst v63  }
0x35: {  	_ = 	snop  }
0x36: {  	[tilespmem:s24], [sflag:$0x1] =	stream.indirect.gather [hbm4b:s4+s11], $0x20, s23, s11, $0xb8;
	[tilespmem:$0x8A00] =	vst v63  }
0x37: {  	_ =	swait.ge [sflag:s25], $0x1000  }
0x38: {  	[sflag:s25] =	ssyncset.done $0x0  }
0x39: {  	[sflag:s25] =	ssyncadd.s32 $0xFFFFF000  }
0x3a: {  	_ =	swait.ge [sflag:s25], $0x1000  }
0x3b: {  	[sflag:s25] =	ssyncset.done $0x0  }
0x3c: {  	[sflag:s25] =	ssyncadd.s32 $0xFFFFF000  }
0x3d: {  	_ =	swait.ge [sflag:s25], $0x1000  }
0x3e: {  	[sflag:s25] =	ssyncset.done $0x0  }
0x3f: {  	[sflag:s25] =	ssyncadd.s32 $0xFFFFF000  }
0x40: {  	_ =	swait.ge [sflag:s25], $0x1000  }
0x41: {  	[sflag:s25] =	ssyncset.done $0x0  }
0x42: {  	[sflag:s25] =	ssyncadd.s32 $0xFFFFF000  }
0x43: {  	_ =	swait.ge [sflag:s25], $0x1000  }
0x44: {  	[sflag:s25] =	ssyncset.done $0x0  }
0x45: {  	[sflag:s25] =	ssyncadd.s32 $0xFFFFF000  }
0x46: {  	_ =	swait.ge [sflag:s25], $0x1000  }
0x47: {  	[sflag:s25] =	ssyncset.done $0x0  }
0x48: {  	[sflag:s25] =	ssyncadd.s32 $0xFFFFF000  }
0x49: {  	_ =	swait.ge [sflag:s25], $0x1000  }
0x4a: {  	[sflag:s25] =	ssyncset.done $0x0  }
0x4b: {  	[sflag:s25] =	ssyncadd.s32 $0xFFFFF000  }
0x4c: {  	_ =	swait.ge [sflag:s25], $0x1000  }
0x4d: {  	[sflag:s25] =	ssyncset.done $0x0  }
0x4e: {  	[sflag:s25] =	ssyncadd.s32 $0xFFFFF000  }
0x4f: {  	v0 =	vld [tilespmem:$0x400]  }
0x50: {  	v1 =	vld [tilespmem:$0x480]  }
0x51: {  	v2 =	vld [tilespmem:$0x500]  }
0x52: {  	v3 =	vld [tilespmem:$0x580]  }
0x53: {  	v10 =	vld [tilespmem:s2+$0x10]  }
0x54: {  	v11 =	vld [tilespmem:s2+$0x1000]  }
0x55: {  	v4 =	vmov s8;
	v5 =	vld [tilespmem:s2+$0xFFFFE010]  }
0x56: {  	v4 =	vand.u32 $0xF, v4;
	v6 =	vld [tilespmem:s2+$0xFFFFE000]  }
0x57: {  	v4 =	vbroadcast v4, $0x0;
	v7 =	vld [tilespmem:s2+$0x1010]  }
0x58: {  	v9 =	vld [tilespmem:s2+$0xFFFFF000]  }
0x59: {  	v13 =	vld [tilespmem:s2+$0xFFFFF010];
	v8 =	vperm.xlane v0, v4  }
0x5a: {  	v15 =	vld [tilespmem:s2+$0x0];
	s2 =	simm.s32 $0x2820;
	v14 =	vperm.xlane v1, v4;
	v16 =	vperm.xlane v3, v4  }
0x5b: {  	v17 =	vperm.xlane v2, v4;
	v4 =	vld [tilespmem:s2+$0x10];
	v12 =	vmul.f32 v6, v8  }
0x5c: {  	v18 =	vimm.f32 $0.0e+00;
	s8 =	simm.s32 $0x1;
	v19 =	vmul.f32 v5, v8;
	v5 =	vld [tilespmem:s2+$0x1000];
	v6 =	vmul.f32 v7, v16  }
0x5d: {  	v7 =	vmov s8;
	v8 =	vld [tilespmem:s2+$0xFFFFE010];
	v9 =	vmul.f32 v9, v14;
	v20 =	vadd.f32 v12, v18  }
0x5e: {  	v13 =	vmul.f32 v13, v14;
	v7 =	vand.u32 $0xF, v7;
	v12 =	vld [tilespmem:s2+$0xFFFFE000];
	v18 =	vadd.f32 v19, v18  }
0x5f: {  	v15 =	vmul.f32 v15, v17;
	v19 =	vbroadcast v7, $0x0;
	v7 =	vld [tilespmem:s2+$0x1010];
	v20 =	vadd.f32 v9, v20  }
0x60: {  	v22 =	vmul.f32 v10, v17;
	v16 =	vmul.f32 v11, v16;
	v9 =	vld [tilespmem:s2+$0xFFFFF000];
	v21 =	vadd.f32 v13, v18  }
0x61: {  	v14 =	vld [tilespmem:s2+$0xFFFFF010];
	v17 =	vperm.xlane v0, v19;
	v13 =	vperm.xlane v1, v19;
	v18 =	vadd.f32 v15, v20  }
0x62: {  	s0 =	simm.s32 $0x2;
	v11 =	vperm.xlane v2, v19;
	v10 =	vperm.xlane v3, v19;
	v15 =	vld [tilespmem:s2+$0x0];
	s2 =	simm.s32 $0x2840;
	v19 =	vadd.f32 v22, v21  }
.LBB2_4:
0x63: {  	v20 =	vld [tilespmem:s2+$0x10];
	p0 =	sne.s32 s0, $0xF;
	v12 =	vmul.f32 v12, v17;
	v17 =	vmul.f32 v8, v17;
	v16 =	vadd.f32 v16, v18;
	s8 =	smov.u32 s0;
	s0 =	sadd.s32 $0x1, s0  }
0x64: {  	v21 =	vld [tilespmem:s2+$0x1000];
	v18 =	vadd.f32 v6, v19;
	v6 =	vmul.f32 v7, v10  }
0x65: {  	v7 =	vmov s8;
	v8 =	vld [tilespmem:s2+$0xFFFFE010];
	v16 =	vadd.f32 v12, v16;
	v9 =	vmul.f32 v9, v13  }
.Ltmp5:
0x66: {  	v7 =	vand.u32 $0xF, v7;
	v12 =	vld [tilespmem:s2+$0xFFFFE000];
	v17 =	vadd.f32 v17, v18;
	v13 =	vmul.f32 v14, v13;
	(pc) =	sbr.rel @p0 .LBB2_4-.Ltmp5, $4  }
0x67: {  	v19 =	vbroadcast v7, $0x0;
	v7 =	vld [tilespmem:s2+$0x1010];
	v18 =	vadd.f32 v9, v16;
	v15 =	vmul.f32 v15, v11  }
0x68: {  	v23 =	vmul.f32 v4, v11;
	v16 =	vmul.f32 v5, v10;
	v9 =	vld [tilespmem:s2+$0xFFFFF000];
	v22 =	vadd.f32 v13, v17;
	v4 =	vmovc v20  }
0x69: {  	v17 =	vperm.xlane v0, v19;
	v13 =	vperm.xlane v1, v19;
	v14 =	vld [tilespmem:s2+$0xFFFFF010];
	v18 =	vadd.f32 v15, v18;
	v5 =	vmovc v21  }
0x6a: {  	v11 =	vperm.xlane v2, v19;
	v10 =	vperm.xlane v3, v19;
	v15 =	vld [tilespmem:s2+$0x0];
	s2 =	sadd.s32 $0x20, s2;
	v19 =	vadd.f32 v23, v22  }
0x6b: {  	v0 =	vmul.f32 v12, v17;
	v1 =	vadd.f32 v16, v18  }
0x6c: {  	v2 =	vmul.f32 v8, v17;
	v3 =	vadd.f32 v6, v19  }
0x6d: {  	v0 =	vadd.f32 v0, v1;
	v1 =	vmul.f32 v9, v13  }
0x6e: {  	v2 =	vadd.f32 v2, v3;
	v3 =	vmul.f32 v14, v13  }
0x6f: {  	v0 =	vadd.f32 v1, v0;
	v1 =	vmul.f32 v15, v11  }
0x70: {  	v2 =	vadd.f32 v3, v2;
	v3 =	vmul.f32 v4, v11  }
0x71: {  	v4 =	vmul.f32 v5, v10;
	v0 =	vadd.f32 v1, v0  }
0x72: {  	v1 =	vmul.f32 v7, v10;
	v2 =	vadd.f32 v3, v2  }
0x73: {  	v3 =	vadd.f32 v4, v0;
	v0 =	vld [tilespmem:$0x410]  }
0x74: {  	v4 =	vadd.f32 v1, v2;
	v1 =	vld [tilespmem:$0x490]  }
0x75: {  	v2 =	vld [tilespmem:$0x510];
	[tilespmem:$0x8800] =	vst v3  }
0x76: {  	s0 =	simm.s32 $0x2A00;
	v3 =	vld [tilespmem:$0x590];
	[tilespmem:$0x8810] =	vst v4  }
0x77: {  	v10 =	vld [tilespmem:s0+$0x10]  }
0x78: {  	s2 =	simm.s32 $0x0;
	v11 =	vld [tilespmem:s0+$0x1000]  }
0x79: {  	v4 =	vmov s2;
	v5 =	vld [tilespmem:s0+$0xFFFFE010]  }
0x7a: {  	v4 =	vand.u32 $0xF, v4;
	v6 =	vld [tilespmem:s0+$0xFFFFE000]  }
0x7b: {  	v7 =	vld [tilespmem:s0+$0x1010];
	v4 =	vbroadcast v4, $0x0  }
0x7c: {  	v9 =	vld [tilespmem:s0+$0xFFFFF000]  }
0x7d: {  	v13 =	vld [tilespmem:s0+$0xFFFFF010];
	v8 =	vperm.xlane v0, v4  }
0x7e: {  	s2 =	simm.s32 $0x2A20;
	v15 =	vld [tilespmem:s0+$0x0];
	v14 =	vperm.xlane v1, v4;
	v16 =	vperm.xlane v3, v4  }
0x7f: {  	v17 =	vperm.xlane v2, v4;
	v4 =	vld [tilespmem:s2+$0x10];
	v12 =	vmul.f32 v6, v8  }
0x80: {  	v18 =	vimm.f32 $0.0e+00;
	s8 =	simm.s32 $0x1;
	v19 =	vmul.f32 v5, v8;
	v5 =	vld [tilespmem:s2+$0x1000];
	v6 =	vmul.f32 v7, v16  }
0x81: {  	v7 =	vmov s8;
	v8 =	vld [tilespmem:s2+$0xFFFFE010];
	v9 =	vmul.f32 v9, v14;
	v20 =	vadd.f32 v12, v18  }
0x82: {  	v13 =	vmul.f32 v13, v14;
	v7 =	vand.u32 $0xF, v7;
	v12 =	vld [tilespmem:s2+$0xFFFFE000];
	v18 =	vadd.f32 v19, v18  }
0x83: {  	v15 =	vmul.f32 v15, v17;
	v19 =	vbroadcast v7, $0x0;
	v7 =	vld [tilespmem:s2+$0x1010];
	v20 =	vadd.f32 v9, v20  }
0x84: {  	v22 =	vmul.f32 v10, v17;
	v16 =	vmul.f32 v11, v16;
	v9 =	vld [tilespmem:s2+$0xFFFFF000];
	v21 =	vadd.f32 v13, v18  }
0x85: {  	v14 =	vld [tilespmem:s2+$0xFFFFF010];
	v17 =	vperm.xlane v0, v19;
	v13 =	vperm.xlane v1, v19;
	v18 =	vadd.f32 v15, v20  }
0x86: {  	s0 =	simm.s32 $0x2;
	v11 =	vperm.xlane v2, v19;
	v10 =	vperm.xlane v3, v19;
	v15 =	vld [tilespmem:s2+$0x0];
	s2 =	simm.s32 $0x2A40;
	v19 =	vadd.f32 v22, v21  }
.LBB2_6:
0x87: {  	v20 =	vld [tilespmem:s2+$0x10];
	p0 =	sne.s32 s0, $0xF;
	v12 =	vmul.f32 v12, v17;
	v17 =	vmul.f32 v8, v17;
	v16 =	vadd.f32 v16, v18;
	s8 =	smov.u32 s0;
	s0 =	sadd.s32 $0x1, s0  }
0x88: {  	v21 =	vld [tilespmem:s2+$0x1000];
	v18 =	vadd.f32 v6, v19;
	v6 =	vmul.f32 v7, v10  }
0x89: {  	v7 =	vmov s8;
	v8 =	vld [tilespmem:s2+$0xFFFFE010];
	v16 =	vadd.f32 v12, v16;
	v9 =	vmul.f32 v9, v13  }
.Ltmp6:
0x8a: {  	v7 =	vand.u32 $0xF, v7;
	v12 =	vld [tilespmem:s2+$0xFFFFE000];
	v17 =	vadd.f32 v17, v18;
	v13 =	vmul.f32 v14, v13;
	(pc) =	sbr.rel @p0 .LBB2_6-.Ltmp6, $4  }
0x8b: {  	v19 =	vbroadcast v7, $0x0;
	v7 =	vld [tilespmem:s2+$0x1010];
	v18 =	vadd.f32 v9, v16;
	v15 =	vmul.f32 v15, v11  }
0x8c: {  	v23 =	vmul.f32 v4, v11;
	v16 =	vmul.f32 v5, v10;
	v9 =	vld [tilespmem:s2+$0xFFFFF000];
	v22 =	vadd.f32 v13, v17;
	v4 =	vmovc v20  }
0x8d: {  	v17 =	vperm.xlane v0, v19;
	v13 =	vperm.xlane v1, v19;
	v14 =	vld [tilespmem:s2+$0xFFFFF010];
	v18 =	vadd.f32 v15, v18;
	v5 =	vmovc v21  }
0x8e: {  	v11 =	vperm.xlane v2, v19;
	v10 =	vperm.xlane v3, v19;
	v15 =	vld [tilespmem:s2+$0x0];
	s2 =	sadd.s32 $0x20, s2;
	v19 =	vadd.f32 v23, v22  }
0x8f: {  	v0 =	vmul.f32 v12, v17;
	v1 =	vadd.f32 v16, v18  }
0x90: {  	v2 =	vmul.f32 v8, v17;
	v3 =	vadd.f32 v6, v19  }
0x91: {  	v0 =	vadd.f32 v0, v1;
	v1 =	vmul.f32 v9, v13  }
0x92: {  	v2 =	vadd.f32 v2, v3;
	v3 =	vmul.f32 v14, v13  }
0x93: {  	v0 =	vadd.f32 v1, v0;
	v1 =	vmul.f32 v15, v11  }
0x94: {  	v2 =	vadd.f32 v3, v2;
	v3 =	vmul.f32 v4, v11  }
0x95: {  	v4 =	vmul.f32 v5, v10;
	v0 =	vadd.f32 v1, v0  }
0x96: {  	v1 =	vmul.f32 v7, v10;
	v2 =	vadd.f32 v3, v2  }
0x97: {  	v3 =	vadd.f32 v4, v0;
	v0 =	vld [tilespmem:$0x420]  }
0x98: {  	v4 =	vadd.f32 v1, v2;
	v1 =	vld [tilespmem:$0x4A0]  }
0x99: {  	v2 =	vld [tilespmem:$0x520];
	[tilespmem:$0x8820] =	vst v3  }
0x9a: {  	s0 =	simm.s32 $0x2C00;
	v3 =	vld [tilespmem:$0x5A0];
	[tilespmem:$0x8830] =	vst v4  }
0x9b: {  	v10 =	vld [tilespmem:s0+$0x10]  }
0x9c: {  	s2 =	simm.s32 $0x0;
	v11 =	vld [tilespmem:s0+$0x1000]  }
0x9d: {  	v4 =	vmov s2;
	v5 =	vld [tilespmem:s0+$0xFFFFE010]  }
0x9e: {  	v4 =	vand.u32 $0xF, v4;
	v6 =	vld [tilespmem:s0+$0xFFFFE000]  }
0x9f: {  	v7 =	vld [tilespmem:s0+$0x1010];
	v4 =	vbroadcast v4, $0x0  }
0xa0: {  	v9 =	vld [tilespmem:s0+$0xFFFFF000]  }
0xa1: {  	v13 =	vld [tilespmem:s0+$0xFFFFF010];
	v8 =	vperm.xlane v0, v4  }
0xa2: {  	s2 =	simm.s32 $0x2C20;
	v15 =	vld [tilespmem:s0+$0x0];
	v14 =	vperm.xlane v1, v4;
	v16 =	vperm.xlane v3, v4  }
0xa3: {  	v17 =	vperm.xlane v2, v4;
	v4 =	vld [tilespmem:s2+$0x10];
	v12 =	vmul.f32 v6, v8  }
0xa4: {  	v18 =	vimm.f32 $0.0e+00;
	s8 =	simm.s32 $0x1;
	v19 =	vmul.f32 v5, v8;
	v5 =	vld [tilespmem:s2+$0x1000];
	v6 =	vmul.f32 v7, v16  }
0xa5: {  	v7 =	vmov s8;
	v8 =	vld [tilespmem:s2+$0xFFFFE010];
	v9 =	vmul.f32 v9, v14;
	v20 =	vadd.f32 v12, v18  }
0xa6: {  	v13 =	vmul.f32 v13, v14;
	v7 =	vand.u32 $0xF, v7;
	v12 =	vld [tilespmem:s2+$0xFFFFE000];
	v18 =	vadd.f32 v19, v18  }
0xa7: {  	v15 =	vmul.f32 v15, v17;
	v19 =	vbroadcast v7, $0x0;
	v7 =	vld [tilespmem:s2+$0x1010];
	v20 =	vadd.f32 v9, v20  }
0xa8: {  	v22 =	vmul.f32 v10, v17;
	v16 =	vmul.f32 v11, v16;
	v9 =	vld [tilespmem:s2+$0xFFFFF000];
	v21 =	vadd.f32 v13, v18  }
0xa9: {  	v14 =	vld [tilespmem:s2+$0xFFFFF010];
	v17 =	vperm.xlane v0, v19;
	v13 =	vperm.xlane v1, v19;
	v18 =	vadd.f32 v15, v20  }
0xaa: {  	s0 =	simm.s32 $0x2;
	v11 =	vperm.xlane v2, v19;
	v10 =	vperm.xlane v3, v19;
	v15 =	vld [tilespmem:s2+$0x0];
	s2 =	simm.s32 $0x2C40;
	v19 =	vadd.f32 v22, v21  }
.LBB2_8:
0xab: {  	v20 =	vld [tilespmem:s2+$0x10];
	p0 =	sne.s32 s0, $0xF;
	v12 =	vmul.f32 v12, v17;
	v17 =	vmul.f32 v8, v17;
	v16 =	vadd.f32 v16, v18;
	s8 =	smov.u32 s0;
	s0 =	sadd.s32 $0x1, s0  }
0xac: {  	v21 =	vld [tilespmem:s2+$0x1000];
	v18 =	vadd.f32 v6, v19;
	v6 =	vmul.f32 v7, v10  }
0xad: {  	v7 =	vmov s8;
	v8 =	vld [tilespmem:s2+$0xFFFFE010];
	v16 =	vadd.f32 v12, v16;
	v9 =	vmul.f32 v9, v13  }
.Ltmp7:
0xae: {  	v7 =	vand.u32 $0xF, v7;
	v12 =	vld [tilespmem:s2+$0xFFFFE000];
	v17 =	vadd.f32 v17, v18;
	v13 =	vmul.f32 v14, v13;
	(pc) =	sbr.rel @p0 .LBB2_8-.Ltmp7, $4  }
0xaf: {  	v19 =	vbroadcast v7, $0x0;
	v7 =	vld [tilespmem:s2+$0x1010];
	v18 =	vadd.f32 v9, v16;
	v15 =	vmul.f32 v15, v11  }
0xb0: {  	v23 =	vmul.f32 v4, v11;
	v16 =	vmul.f32 v5, v10;
	v9 =	vld [tilespmem:s2+$0xFFFFF000];
	v22 =	vadd.f32 v13, v17;
	v4 =	vmovc v20  }
0xb1: {  	v17 =	vperm.xlane v0, v19;
	v13 =	vperm.xlane v1, v19;
	v14 =	vld [tilespmem:s2+$0xFFFFF010];
	v18 =	vadd.f32 v15, v18;
	v5 =	vmovc v21  }
0xb2: {  	v11 =	vperm.xlane v2, v19;
	v10 =	vperm.xlane v3, v19;
	v15 =	vld [tilespmem:s2+$0x0];
	s2 =	sadd.s32 $0x20, s2;
	v19 =	vadd.f32 v23, v22  }
0xb3: {  	v0 =	vmul.f32 v12, v17;
	v1 =	vadd.f32 v16, v18  }
0xb4: {  	v2 =	vmul.f32 v8, v17;
	v3 =	vadd.f32 v6, v19  }
0xb5: {  	v0 =	vadd.f32 v0, v1;
	v1 =	vmul.f32 v9, v13  }
0xb6: {  	v2 =	vadd.f32 v2, v3;
	v3 =	vmul.f32 v14, v13  }
0xb7: {  	v0 =	vadd.f32 v1, v0;
	v1 =	vmul.f32 v15, v11  }
0xb8: {  	v2 =	vadd.f32 v3, v2;
	v3 =	vmul.f32 v4, v11  }
0xb9: {  	v4 =	vmul.f32 v5, v10;
	v0 =	vadd.f32 v1, v0  }
0xba: {  	v1 =	vmul.f32 v7, v10;
	v2 =	vadd.f32 v3, v2  }
0xbb: {  	v3 =	vadd.f32 v4, v0;
	v0 =	vld [tilespmem:$0x430]  }
0xbc: {  	v4 =	vadd.f32 v1, v2;
	v1 =	vld [tilespmem:$0x4B0]  }
0xbd: {  	v2 =	vld [tilespmem:$0x530];
	[tilespmem:$0x8840] =	vst v3  }
0xbe: {  	s0 =	simm.s32 $0x2E00;
	v3 =	vld [tilespmem:$0x5B0];
	[tilespmem:$0x8850] =	vst v4  }
0xbf: {  	v10 =	vld [tilespmem:s0+$0x10]  }
0xc0: {  	s2 =	simm.s32 $0x0;
	v11 =	vld [tilespmem:s0+$0x1000]  }
0xc1: {  	v4 =	vmov s2;
	v5 =	vld [tilespmem:s0+$0xFFFFE010]  }
0xc2: {  	v4 =	vand.u32 $0xF, v4;
	v6 =	vld [tilespmem:s0+$0xFFFFE000]  }
0xc3: {  	v7 =	vld [tilespmem:s0+$0x1010];
	v4 =	vbroadcast v4, $0x0  }
0xc4: {  	v9 =	vld [tilespmem:s0+$0xFFFFF000]  }
0xc5: {  	v13 =	vld [tilespmem:s0+$0xFFFFF010];
	v8 =	vperm.xlane v0, v4  }
0xc6: {  	s2 =	simm.s32 $0x2E20;
	v15 =	vld [tilespmem:s0+$0x0];
	v14 =	vperm.xlane v1, v4;
	v16 =	vperm.xlane v3, v4  }
0xc7: {  	v17 =	vperm.xlane v2, v4;
	v4 =	vld [tilespmem:s2+$0x10];
	v12 =	vmul.f32 v6, v8  }
0xc8: {  	v18 =	vimm.f32 $0.0e+00;
	s8 =	simm.s32 $0x1;
	v19 =	vmul.f32 v5, v8;
	v5 =	vld [tilespmem:s2+$0x1000];
	v6 =	vmul.f32 v7, v16  }
0xc9: {  	v7 =	vmov s8;
	v8 =	vld [tilespmem:s2+$0xFFFFE010];
	v9 =	vmul.f32 v9, v14;
	v20 =	vadd.f32 v12, v18  }
0xca: {  	v13 =	vmul.f32 v13, v14;
	v7 =	vand.u32 $0xF, v7;
	v12 =	vld [tilespmem:s2+$0xFFFFE000];
	v18 =	vadd.f32 v19, v18  }
0xcb: {  	v15 =	vmul.f32 v15, v17;
	v19 =	vbroadcast v7, $0x0;
	v7 =	vld [tilespmem:s2+$0x1010];
	v20 =	vadd.f32 v9, v20  }
0xcc: {  	v22 =	vmul.f32 v10, v17;
	v16 =	vmul.f32 v11, v16;
	v9 =	vld [tilespmem:s2+$0xFFFFF000];
	v21 =	vadd.f32 v13, v18  }
0xcd: {  	v14 =	vld [tilespmem:s2+$0xFFFFF010];
	v17 =	vperm.xlane v0, v19;
	v13 =	vperm.xlane v1, v19;
	v18 =	vadd.f32 v15, v20  }
0xce: {  	s0 =	simm.s32 $0x2;
	v11 =	vperm.xlane v2, v19;
	v10 =	vperm.xlane v3, v19;
	v15 =	vld [tilespmem:s2+$0x0];
	s2 =	simm.s32 $0x2E40;
	v19 =	vadd.f32 v22, v21  }
.LBB2_10:
0xcf: {  	v20 =	vld [tilespmem:s2+$0x10];
	p0 =	sne.s32 s0, $0xF;
	v12 =	vmul.f32 v12, v17;
	v17 =	vmul.f32 v8, v17;
	v16 =	vadd.f32 v16, v18;
	s8 =	smov.u32 s0;
	s0 =	sadd.s32 $0x1, s0  }
0xd0: {  	v21 =	vld [tilespmem:s2+$0x1000];
	v18 =	vadd.f32 v6, v19;
	v6 =	vmul.f32 v7, v10  }
0xd1: {  	v7 =	vmov s8;
	v8 =	vld [tilespmem:s2+$0xFFFFE010];
	v16 =	vadd.f32 v12, v16;
	v9 =	vmul.f32 v9, v13  }
.Ltmp8:
0xd2: {  	v7 =	vand.u32 $0xF, v7;
	v12 =	vld [tilespmem:s2+$0xFFFFE000];
	v17 =	vadd.f32 v17, v18;
	v13 =	vmul.f32 v14, v13;
	(pc) =	sbr.rel @p0 .LBB2_10-.Ltmp8, $4  }
0xd3: {  	v19 =	vbroadcast v7, $0x0;
	v7 =	vld [tilespmem:s2+$0x1010];
	v18 =	vadd.f32 v9, v16;
	v15 =	vmul.f32 v15, v11  }
0xd4: {  	v23 =	vmul.f32 v4, v11;
	v16 =	vmul.f32 v5, v10;
	v9 =	vld [tilespmem:s2+$0xFFFFF000];
	v22 =	vadd.f32 v13, v17;
	v4 =	vmovc v20  }
0xd5: {  	v17 =	vperm.xlane v0, v19;
	v13 =	vperm.xlane v1, v19;
	v14 =	vld [tilespmem:s2+$0xFFFFF010];
	v18 =	vadd.f32 v15, v18;
	v5 =	vmovc v21  }
0xd6: {  	v11 =	vperm.xlane v2, v19;
	v10 =	vperm.xlane v3, v19;
	v15 =	vld [tilespmem:s2+$0x0];
	s2 =	sadd.s32 $0x20, s2;
	v19 =	vadd.f32 v23, v22  }
0xd7: {  	v0 =	vmul.f32 v12, v17;
	v1 =	vadd.f32 v16, v18  }
0xd8: {  	v2 =	vmul.f32 v8, v17;
	v3 =	vadd.f32 v6, v19  }
0xd9: {  	v0 =	vadd.f32 v0, v1;
	v1 =	vmul.f32 v9, v13  }
0xda: {  	v2 =	vadd.f32 v2, v3;
	v3 =	vmul.f32 v14, v13  }
0xdb: {  	v0 =	vadd.f32 v1, v0;
	v1 =	vmul.f32 v15, v11  }
0xdc: {  	v2 =	vadd.f32 v3, v2;
	v3 =	vmul.f32 v4, v11  }
0xdd: {  	v4 =	vmul.f32 v5, v10;
	v0 =	vadd.f32 v1, v0  }
0xde: {  	v1 =	vmul.f32 v7, v10;
	v2 =	vadd.f32 v3, v2  }
0xdf: {  	v3 =	vadd.f32 v4, v0;
	v0 =	vld [tilespmem:$0x440]  }
0xe0: {  	v4 =	vadd.f32 v1, v2;
	v1 =	vld [tilespmem:$0x4C0]  }
0xe1: {  	v2 =	vld [tilespmem:$0x540];
	[tilespmem:$0x8860] =	vst v3  }
0xe2: {  	s0 =	simm.s32 $0x3000;
	v3 =	vld [tilespmem:$0x5C0];
	[tilespmem:$0x8870] =	vst v4  }
0xe3: {  	v10 =	vld [tilespmem:s0+$0x10]  }
0xe4: {  	s2 =	simm.s32 $0x0;
	v11 =	vld [tilespmem:s0+$0x1000]  }
0xe5: {  	v4 =	vmov s2;
	v5 =	vld [tilespmem:s0+$0xFFFFE010]  }
0xe6: {  	v4 =	vand.u32 $0xF, v4;
	v6 =	vld [tilespmem:s0+$0xFFFFE000]  }
0xe7: {  	v7 =	vld [tilespmem:s0+$0x1010];
	v4 =	vbroadcast v4, $0x0  }
0xe8: {  	v9 =	vld [tilespmem:s0+$0xFFFFF000]  }
0xe9: {  	v13 =	vld [tilespmem:s0+$0xFFFFF010];
	v8 =	vperm.xlane v0, v4  }
0xea: {  	s2 =	simm.s32 $0x3020;
	v15 =	vld [tilespmem:s0+$0x0];
	v14 =	vperm.xlane v1, v4;
	v16 =	vperm.xlane v3, v4  }
0xeb: {  	v17 =	vperm.xlane v2, v4;
	v4 =	vld [tilespmem:s2+$0x10];
	v12 =	vmul.f32 v6, v8  }
0xec: {  	v18 =	vimm.f32 $0.0e+00;
	s8 =	simm.s32 $0x1;
	v19 =	vmul.f32 v5, v8;
	v5 =	vld [tilespmem:s2+$0x1000];
	v6 =	vmul.f32 v7, v16  }
0xed: {  	v7 =	vmov s8;
	v8 =	vld [tilespmem:s2+$0xFFFFE010];
	v9 =	vmul.f32 v9, v14;
	v20 =	vadd.f32 v12, v18  }
0xee: {  	v13 =	vmul.f32 v13, v14;
	v7 =	vand.u32 $0xF, v7;
	v12 =	vld [tilespmem:s2+$0xFFFFE000];
	v18 =	vadd.f32 v19, v18  }
0xef: {  	v15 =	vmul.f32 v15, v17;
	v19 =	vbroadcast v7, $0x0;
	v7 =	vld [tilespmem:s2+$0x1010];
	v20 =	vadd.f32 v9, v20  }
0xf0: {  	v22 =	vmul.f32 v10, v17;
	v16 =	vmul.f32 v11, v16;
	v9 =	vld [tilespmem:s2+$0xFFFFF000];
	v21 =	vadd.f32 v13, v18  }
0xf1: {  	v14 =	vld [tilespmem:s2+$0xFFFFF010];
	v17 =	vperm.xlane v0, v19;
	v13 =	vperm.xlane v1, v19;
	v18 =	vadd.f32 v15, v20  }
0xf2: {  	s0 =	simm.s32 $0x2;
	v11 =	vperm.xlane v2, v19;
	v10 =	vperm.xlane v3, v19;
	v15 =	vld [tilespmem:s2+$0x0];
	s2 =	simm.s32 $0x3040;
	v19 =	vadd.f32 v22, v21  }
.LBB2_12:
0xf3: {  	v20 =	vld [tilespmem:s2+$0x10];
	p0 =	sne.s32 s0, $0xF;
	v12 =	vmul.f32 v12, v17;
	v17 =	vmul.f32 v8, v17;
	v16 =	vadd.f32 v16, v18;
	s8 =	smov.u32 s0;
	s0 =	sadd.s32 $0x1, s0  }
0xf4: {  	v21 =	vld [tilespmem:s2+$0x1000];
	v18 =	vadd.f32 v6, v19;
	v6 =	vmul.f32 v7, v10  }
0xf5: {  	v7 =	vmov s8;
	v8 =	vld [tilespmem:s2+$0xFFFFE010];
	v16 =	vadd.f32 v12, v16;
	v9 =	vmul.f32 v9, v13  }
.Ltmp9:
0xf6: {  	v7 =	vand.u32 $0xF, v7;
	v12 =	vld [tilespmem:s2+$0xFFFFE000];
	v17 =	vadd.f32 v17, v18;
	v13 =	vmul.f32 v14, v13;
	(pc) =	sbr.rel @p0 .LBB2_12-.Ltmp9, $4  }
0xf7: {  	v19 =	vbroadcast v7, $0x0;
	v7 =	vld [tilespmem:s2+$0x1010];
	v18 =	vadd.f32 v9, v16;
	v15 =	vmul.f32 v15, v11  }
0xf8: {  	v23 =	vmul.f32 v4, v11;
	v16 =	vmul.f32 v5, v10;
	v9 =	vld [tilespmem:s2+$0xFFFFF000];
	v22 =	vadd.f32 v13, v17;
	v4 =	vmovc v20  }
0xf9: {  	v17 =	vperm.xlane v0, v19;
	v13 =	vperm.xlane v1, v19;
	v14 =	vld [tilespmem:s2+$0xFFFFF010];
	v18 =	vadd.f32 v15, v18;
	v5 =	vmovc v21  }
0xfa: {  	v11 =	vperm.xlane v2, v19;
	v10 =	vperm.xlane v3, v19;
	v15 =	vld [tilespmem:s2+$0x0];
	s2 =	sadd.s32 $0x20, s2;
	v19 =	vadd.f32 v23, v22  }
0xfb: {  	v0 =	vmul.f32 v12, v17;
	v1 =	vadd.f32 v16, v18  }
0xfc: {  	v2 =	vmul.f32 v8, v17;
	v3 =	vadd.f32 v6, v19  }
0xfd: {  	v0 =	vadd.f32 v0, v1;
	v1 =	vmul.f32 v9, v13  }
0xfe: {  	v2 =	vadd.f32 v2, v3;
	v3 =	vmul.f32 v14, v13  }
0xff: {  	v0 =	vadd.f32 v1, v0;
	v1 =	vmul.f32 v15, v11  }
0x100: {  	v2 =	vadd.f32 v3, v2;
	v3 =	vmul.f32 v4, v11  }
0x101: {  	v4 =	vmul.f32 v5, v10;
	v0 =	vadd.f32 v1, v0  }
0x102: {  	v1 =	vmul.f32 v7, v10;
	v2 =	vadd.f32 v3, v2  }
0x103: {  	v3 =	vadd.f32 v4, v0;
	v0 =	vld [tilespmem:$0x450]  }
0x104: {  	v4 =	vadd.f32 v1, v2;
	v1 =	vld [tilespmem:$0x4D0]  }
0x105: {  	v2 =	vld [tilespmem:$0x550];
	[tilespmem:$0x8880] =	vst v3  }
0x106: {  	s0 =	simm.s32 $0x3200;
	v3 =	vld [tilespmem:$0x5D0];
	[tilespmem:$0x8890] =	vst v4  }
0x107: {  	v10 =	vld [tilespmem:s0+$0x10]  }
0x108: {  	s2 =	simm.s32 $0x0;
	v11 =	vld [tilespmem:s0+$0x1000]  }
0x109: {  	v4 =	vmov s2;
	v5 =	vld [tilespmem:s0+$0xFFFFE010]  }
0x10a: {  	v4 =	vand.u32 $0xF, v4;
	v6 =	vld [tilespmem:s0+$0xFFFFE000]  }
0x10b: {  	v7 =	vld [tilespmem:s0+$0x1010];
	v4 =	vbroadcast v4, $0x0  }
0x10c: {  	v9 =	vld [tilespmem:s0+$0xFFFFF000]  }
0x10d: {  	v13 =	vld [tilespmem:s0+$0xFFFFF010];
	v8 =	vperm.xlane v0, v4  }
0x10e: {  	s2 =	simm.s32 $0x3220;
	v15 =	vld [tilespmem:s0+$0x0];
	v14 =	vperm.xlane v1, v4;
	v16 =	vperm.xlane v3, v4  }
0x10f: {  	v17 =	vperm.xlane v2, v4;
	v4 =	vld [tilespmem:s2+$0x10];
	v12 =	vmul.f32 v6, v8  }
0x110: {  	v18 =	vimm.f32 $0.0e+00;
	s8 =	simm.s32 $0x1;
	v19 =	vmul.f32 v5, v8;
	v5 =	vld [tilespmem:s2+$0x1000];
	v6 =	vmul.f32 v7, v16  }
0x111: {  	v7 =	vmov s8;
	v8 =	vld [tilespmem:s2+$0xFFFFE010];
	v9 =	vmul.f32 v9, v14;
	v20 =	vadd.f32 v12, v18  }
0x112: {  	v13 =	vmul.f32 v13, v14;
	v7 =	vand.u32 $0xF, v7;
	v12 =	vld [tilespmem:s2+$0xFFFFE000];
	v18 =	vadd.f32 v19, v18  }
0x113: {  	v15 =	vmul.f32 v15, v17;
	v19 =	vbroadcast v7, $0x0;
	v7 =	vld [tilespmem:s2+$0x1010];
	v20 =	vadd.f32 v9, v20  }
0x114: {  	v22 =	vmul.f32 v10, v17;
	v16 =	vmul.f32 v11, v16;
	v9 =	vld [tilespmem:s2+$0xFFFFF000];
	v21 =	vadd.f32 v13, v18  }
0x115: {  	v14 =	vld [tilespmem:s2+$0xFFFFF010];
	v17 =	vperm.xlane v0, v19;
	v13 =	vperm.xlane v1, v19;
	v18 =	vadd.f32 v15, v20  }
0x116: {  	s0 =	simm.s32 $0x2;
	v11 =	vperm.xlane v2, v19;
	v10 =	vperm.xlane v3, v19;
	v15 =	vld [tilespmem:s2+$0x0];
	s2 =	simm.s32 $0x3240;
	v19 =	vadd.f32 v22, v21  }
.LBB2_14:
0x117: {  	v20 =	vld [tilespmem:s2+$0x10];
	p0 =	sne.s32 s0, $0xF;
	v12 =	vmul.f32 v12, v17;
	v17 =	vmul.f32 v8, v17;
	v16 =	vadd.f32 v16, v18;
	s8 =	smov.u32 s0;
	s0 =	sadd.s32 $0x1, s0  }
0x118: {  	v21 =	vld [tilespmem:s2+$0x1000];
	v18 =	vadd.f32 v6, v19;
	v6 =	vmul.f32 v7, v10  }
0x119: {  	v7 =	vmov s8;
	v8 =	vld [tilespmem:s2+$0xFFFFE010];
	v16 =	vadd.f32 v12, v16;
	v9 =	vmul.f32 v9, v13  }
.Ltmp10:
0x11a: {  	v7 =	vand.u32 $0xF, v7;
	v12 =	vld [tilespmem:s2+$0xFFFFE000];
	v17 =	vadd.f32 v17, v18;
	v13 =	vmul.f32 v14, v13;
	(pc) =	sbr.rel @p0 .LBB2_14-.Ltmp10, $4  }
0x11b: {  	v19 =	vbroadcast v7, $0x0;
	v7 =	vld [tilespmem:s2+$0x1010];
	v18 =	vadd.f32 v9, v16;
	v15 =	vmul.f32 v15, v11  }
0x11c: {  	v23 =	vmul.f32 v4, v11;
	v16 =	vmul.f32 v5, v10;
	v9 =	vld [tilespmem:s2+$0xFFFFF000];
	v22 =	vadd.f32 v13, v17;
	v4 =	vmovc v20  }
0x11d: {  	v17 =	vperm.xlane v0, v19;
	v13 =	vperm.xlane v1, v19;
	v14 =	vld [tilespmem:s2+$0xFFFFF010];
	v18 =	vadd.f32 v15, v18;
	v5 =	vmovc v21  }
0x11e: {  	v11 =	vperm.xlane v2, v19;
	v10 =	vperm.xlane v3, v19;
	v15 =	vld [tilespmem:s2+$0x0];
	s2 =	sadd.s32 $0x20, s2;
	v19 =	vadd.f32 v23, v22  }
0x11f: {  	v0 =	vmul.f32 v12, v17;
	v1 =	vadd.f32 v16, v18  }
0x120: {  	v2 =	vmul.f32 v8, v17;
	v3 =	vadd.f32 v6, v19  }
0x121: {  	v0 =	vadd.f32 v0, v1;
	v1 =	vmul.f32 v9, v13  }
0x122: {  	v2 =	vadd.f32 v2, v3;
	v3 =	vmul.f32 v14, v13  }
0x123: {  	v0 =	vadd.f32 v1, v0;
	v1 =	vmul.f32 v15, v11  }
0x124: {  	v2 =	vadd.f32 v3, v2;
	v3 =	vmul.f32 v4, v11  }
0x125: {  	v4 =	vmul.f32 v5, v10;
	v0 =	vadd.f32 v1, v0  }
0x126: {  	v1 =	vmul.f32 v7, v10;
	v2 =	vadd.f32 v3, v2  }
0x127: {  	v3 =	vadd.f32 v4, v0;
	v0 =	vld [tilespmem:$0x460]  }
0x128: {  	v4 =	vadd.f32 v1, v2;
	v1 =	vld [tilespmem:$0x4E0]  }
0x129: {  	v2 =	vld [tilespmem:$0x560];
	[tilespmem:$0x88A0] =	vst v3  }
0x12a: {  	s0 =	simm.s32 $0x3400;
	v3 =	vld [tilespmem:$0x5E0];
	[tilespmem:$0x88B0] =	vst v4  }
0x12b: {  	v10 =	vld [tilespmem:s0+$0x10]  }
0x12c: {  	s2 =	simm.s32 $0x0;
	v11 =	vld [tilespmem:s0+$0x1000]  }
0x12d: {  	v4 =	vmov s2;
	v5 =	vld [tilespmem:s0+$0xFFFFE010]  }
0x12e: {  	v4 =	vand.u32 $0xF, v4;
	v6 =	vld [tilespmem:s0+$0xFFFFE000]  }
0x12f: {  	v7 =	vld [tilespmem:s0+$0x1010];
	v4 =	vbroadcast v4, $0x0  }
0x130: {  	v9 =	vld [tilespmem:s0+$0xFFFFF000]  }
0x131: {  	v13 =	vld [tilespmem:s0+$0xFFFFF010];
	v8 =	vperm.xlane v0, v4  }
0x132: {  	s2 =	simm.s32 $0x3420;
	v15 =	vld [tilespmem:s0+$0x0];
	v14 =	vperm.xlane v1, v4;
	v16 =	vperm.xlane v3, v4  }
0x133: {  	v17 =	vperm.xlane v2, v4;
	v4 =	vld [tilespmem:s2+$0x10];
	v12 =	vmul.f32 v6, v8  }
0x134: {  	v18 =	vimm.f32 $0.0e+00;
	s8 =	simm.s32 $0x1;
	v19 =	vmul.f32 v5, v8;
	v5 =	vld [tilespmem:s2+$0x1000];
	v6 =	vmul.f32 v7, v16  }
0x135: {  	v7 =	vmov s8;
	v8 =	vld [tilespmem:s2+$0xFFFFE010];
	v9 =	vmul.f32 v9, v14;
	v20 =	vadd.f32 v12, v18  }
0x136: {  	v13 =	vmul.f32 v13, v14;
	v7 =	vand.u32 $0xF, v7;
	v12 =	vld [tilespmem:s2+$0xFFFFE000];
	v18 =	vadd.f32 v19, v18  }
0x137: {  	v15 =	vmul.f32 v15, v17;
	v19 =	vbroadcast v7, $0x0;
	v7 =	vld [tilespmem:s2+$0x1010];
	v20 =	vadd.f32 v9, v20  }
0x138: {  	v22 =	vmul.f32 v10, v17;
	v16 =	vmul.f32 v11, v16;
	v9 =	vld [tilespmem:s2+$0xFFFFF000];
	v21 =	vadd.f32 v13, v18  }
0x139: {  	v14 =	vld [tilespmem:s2+$0xFFFFF010];
	v17 =	vperm.xlane v0, v19;
	v13 =	vperm.xlane v1, v19;
	v18 =	vadd.f32 v15, v20  }
0x13a: {  	s0 =	simm.s32 $0x2;
	v11 =	vperm.xlane v2, v19;
	v10 =	vperm.xlane v3, v19;
	v15 =	vld [tilespmem:s2+$0x0];
	s2 =	simm.s32 $0x3440;
	v19 =	vadd.f32 v22, v21  }
.LBB2_16:
0x13b: {  	v20 =	vld [tilespmem:s2+$0x10];
	p0 =	sne.s32 s0, $0xF;
	v12 =	vmul.f32 v12, v17;
	v17 =	vmul.f32 v8, v17;
	v16 =	vadd.f32 v16, v18;
	s8 =	smov.u32 s0;
	s0 =	sadd.s32 $0x1, s0  }
0x13c: {  	v21 =	vld [tilespmem:s2+$0x1000];
	v18 =	vadd.f32 v6, v19;
	v6 =	vmul.f32 v7, v10  }
0x13d: {  	v7 =	vmov s8;
	v8 =	vld [tilespmem:s2+$0xFFFFE010];
	v16 =	vadd.f32 v12, v16;
	v9 =	vmul.f32 v9, v13  }
.Ltmp11:
0x13e: {  	v7 =	vand.u32 $0xF, v7;
	v12 =	vld [tilespmem:s2+$0xFFFFE000];
	v17 =	vadd.f32 v17, v18;
	v13 =	vmul.f32 v14, v13;
	(pc) =	sbr.rel @p0 .LBB2_16-.Ltmp11, $4  }
0x13f: {  	v19 =	vbroadcast v7, $0x0;
	v7 =	vld [tilespmem:s2+$0x1010];
	v18 =	vadd.f32 v9, v16;
	v15 =	vmul.f32 v15, v11  }
0x140: {  	v23 =	vmul.f32 v4, v11;
	v16 =	vmul.f32 v5, v10;
	v9 =	vld [tilespmem:s2+$0xFFFFF000];
	v22 =	vadd.f32 v13, v17;
	v4 =	vmovc v20  }
0x141: {  	v17 =	vperm.xlane v0, v19;
	v13 =	vperm.xlane v1, v19;
	v14 =	vld [tilespmem:s2+$0xFFFFF010];
	v18 =	vadd.f32 v15, v18;
	v5 =	vmovc v21  }
0x142: {  	v11 =	vperm.xlane v2, v19;
	v10 =	vperm.xlane v3, v19;
	v15 =	vld [tilespmem:s2+$0x0];
	s2 =	sadd.s32 $0x20, s2;
	v19 =	vadd.f32 v23, v22  }
0x143: {  	v0 =	vmul.f32 v12, v17;
	v1 =	vadd.f32 v16, v18  }
0x144: {  	v2 =	vmul.f32 v8, v17;
	v3 =	vadd.f32 v6, v19  }
0x145: {  	v0 =	vadd.f32 v0, v1;
	v1 =	vmul.f32 v9, v13  }
0x146: {  	v2 =	vadd.f32 v2, v3;
	v3 =	vmul.f32 v14, v13  }
0x147: {  	v0 =	vadd.f32 v1, v0;
	v1 =	vmul.f32 v15, v11  }
0x148: {  	v2 =	vadd.f32 v3, v2;
	v3 =	vmul.f32 v4, v11  }
0x149: {  	v4 =	vmul.f32 v5, v10;
	v0 =	vadd.f32 v1, v0  }
0x14a: {  	v1 =	vmul.f32 v7, v10;
	v2 =	vadd.f32 v3, v2  }
0x14b: {  	v3 =	vadd.f32 v4, v0;
	v0 =	vld [tilespmem:$0x470]  }
0x14c: {  	v4 =	vadd.f32 v1, v2;
	v1 =	vld [tilespmem:$0x4F0]  }
0x14d: {  	v2 =	vld [tilespmem:$0x570];
	[tilespmem:$0x88C0] =	vst v3  }
0x14e: {  	s0 =	simm.s32 $0x3600;
	v3 =	vld [tilespmem:$0x5F0];
	[tilespmem:$0x88D0] =	vst v4  }
0x14f: {  	v10 =	vld [tilespmem:s0+$0x10]  }
0x150: {  	s2 =	simm.s32 $0x0;
	v11 =	vld [tilespmem:s0+$0x1000]  }
0x151: {  	v4 =	vmov s2;
	v5 =	vld [tilespmem:s0+$0xFFFFE010]  }
0x152: {  	v4 =	vand.u32 $0xF, v4;
	v6 =	vld [tilespmem:s0+$0xFFFFE000]  }
0x153: {  	v7 =	vld [tilespmem:s0+$0x1010];
	v4 =	vbroadcast v4, $0x0  }
0x154: {  	v9 =	vld [tilespmem:s0+$0xFFFFF000]  }
0x155: {  	v13 =	vld [tilespmem:s0+$0xFFFFF010];
	v8 =	vperm.xlane v0, v4  }
0x156: {  	s2 =	simm.s32 $0x3620;
	v15 =	vld [tilespmem:s0+$0x0];
	v14 =	vperm.xlane v1, v4;
	v16 =	vperm.xlane v3, v4  }
0x157: {  	v17 =	vperm.xlane v2, v4;
	v4 =	vld [tilespmem:s2+$0x10];
	v12 =	vmul.f32 v6, v8  }
0x158: {  	v18 =	vimm.f32 $0.0e+00;
	s8 =	simm.s32 $0x1;
	v19 =	vmul.f32 v5, v8;
	v5 =	vld [tilespmem:s2+$0x1000];
	v6 =	vmul.f32 v7, v16  }
0x159: {  	v7 =	vmov s8;
	v8 =	vld [tilespmem:s2+$0xFFFFE010];
	v9 =	vmul.f32 v9, v14;
	v20 =	vadd.f32 v12, v18  }
0x15a: {  	v13 =	vmul.f32 v13, v14;
	v7 =	vand.u32 $0xF, v7;
	v12 =	vld [tilespmem:s2+$0xFFFFE000];
	v18 =	vadd.f32 v19, v18  }
0x15b: {  	v15 =	vmul.f32 v15, v17;
	v19 =	vbroadcast v7, $0x0;
	v7 =	vld [tilespmem:s2+$0x1010];
	v20 =	vadd.f32 v9, v20  }
0x15c: {  	v22 =	vmul.f32 v10, v17;
	v16 =	vmul.f32 v11, v16;
	v9 =	vld [tilespmem:s2+$0xFFFFF000];
	v21 =	vadd.f32 v13, v18  }
0x15d: {  	v14 =	vld [tilespmem:s2+$0xFFFFF010];
	v17 =	vperm.xlane v0, v19;
	v13 =	vperm.xlane v1, v19;
	v18 =	vadd.f32 v15, v20  }
0x15e: {  	s0 =	simm.s32 $0x2;
	v11 =	vperm.xlane v2, v19;
	v10 =	vperm.xlane v3, v19;
	v15 =	vld [tilespmem:s2+$0x0];
	s2 =	simm.s32 $0x3640;
	v19 =	vadd.f32 v22, v21  }
.LBB2_18:
0x15f: {  	v20 =	vld [tilespmem:s2+$0x10];
	p0 =	sne.s32 s0, $0xF;
	v12 =	vmul.f32 v12, v17;
	v17 =	vmul.f32 v8, v17;
	v16 =	vadd.f32 v16, v18;
	s8 =	smov.u32 s0;
	s0 =	sadd.s32 $0x1, s0  }
0x160: {  	v21 =	vld [tilespmem:s2+$0x1000];
	v18 =	vadd.f32 v6, v19;
	v6 =	vmul.f32 v7, v10  }
0x161: {  	v7 =	vmov s8;
	v8 =	vld [tilespmem:s2+$0xFFFFE010];
	v16 =	vadd.f32 v12, v16;
	v9 =	vmul.f32 v9, v13  }
.Ltmp12:
0x162: {  	v7 =	vand.u32 $0xF, v7;
	v12 =	vld [tilespmem:s2+$0xFFFFE000];
	v17 =	vadd.f32 v17, v18;
	v13 =	vmul.f32 v14, v13;
	(pc) =	sbr.rel @p0 .LBB2_18-.Ltmp12, $4  }
0x163: {  	v19 =	vbroadcast v7, $0x0;
	v7 =	vld [tilespmem:s2+$0x1010];
	v18 =	vadd.f32 v9, v16;
	v15 =	vmul.f32 v15, v11  }
0x164: {  	v23 =	vmul.f32 v4, v11;
	v16 =	vmul.f32 v5, v10;
	v9 =	vld [tilespmem:s2+$0xFFFFF000];
	v22 =	vadd.f32 v13, v17;
	v4 =	vmovc v20  }
0x165: {  	v17 =	vperm.xlane v0, v19;
	v13 =	vperm.xlane v1, v19;
	v14 =	vld [tilespmem:s2+$0xFFFFF010];
	v18 =	vadd.f32 v15, v18;
	v5 =	vmovc v21  }
0x166: {  	v11 =	vperm.xlane v2, v19;
	v10 =	vperm.xlane v3, v19;
	v15 =	vld [tilespmem:s2+$0x0];
	s2 =	sadd.s32 $0x20, s2;
	v19 =	vadd.f32 v23, v22  }
0x167: {  	v0 =	vmul.f32 v12, v17;
	v1 =	vadd.f32 v16, v18  }
0x168: {  	v2 =	vmul.f32 v8, v17;
	v3 =	vadd.f32 v6, v19  }
0x169: {  	v0 =	vadd.f32 v0, v1;
	v1 =	vmul.f32 v9, v13  }
0x16a: {  	v2 =	vadd.f32 v2, v3;
	v3 =	vmul.f32 v14, v13  }
0x16b: {  	v0 =	vadd.f32 v1, v0;
	v1 =	vmul.f32 v15, v11  }
0x16c: {  	v2 =	vadd.f32 v3, v2;
	v3 =	vmul.f32 v4, v11  }
0x16d: {  	v4 =	vmul.f32 v5, v10;
	v0 =	vadd.f32 v1, v0  }
0x16e: {  	v1 =	vmul.f32 v7, v10;
	v2 =	vadd.f32 v3, v2  }
0x16f: {  	v3 =	vadd.f32 v4, v0;
	v0 =	vld [tilespmem:$0x600]  }
0x170: {  	v4 =	vadd.f32 v1, v2;
	v1 =	vld [tilespmem:$0x680]  }
0x171: {  	v2 =	vld [tilespmem:$0x700];
	[tilespmem:$0x88E0] =	vst v3  }
0x172: {  	s2 =	simm.s32 $0x0;
	v3 =	vld [tilespmem:$0x780];
	[tilespmem:$0x88F0] =	vst v4  }
0x173: {  	s0 =	simm.s32 $0x0;
	v4 =	vld [tilespmem:s2+$0x4800]  }
0x174: {  	v5 =	vmov s0;
	v8 =	vld [tilespmem:s2+$0x6810]  }
0x175: {  	v5 =	vand.u32 $0xF, v5;
	v6 =	vld [tilespmem:s2+$0x4810]  }
0x176: {  	v5 =	vbroadcast v5, $0x0;
	v7 =	vld [tilespmem:s2+$0x7810]  }
0x177: {  	v9 =	vld [tilespmem:s2+$0x5800]  }
0x178: {  	v12 =	vld [tilespmem:s2+$0x5810];
	v10 =	vperm.xlane v0, v5  }
0x179: {  	v14 =	vld [tilespmem:s2+$0x6800];
	v13 =	vperm.xlane v1, v5;
	v15 =	vperm.xlane v3, v5  }
0x17a: {  	s0 =	simm.s32 $0x20;
	v17 =	vld [tilespmem:s2+$0x7800];
	v16 =	vperm.xlane v2, v5;
	v11 =	vmul.f32 v4, v10  }
0x17b: {  	v18 =	vimm.f32 $0.0e+00;
	s2 =	simm.s32 $0x1;
	v5 =	vld [tilespmem:s0+$0x6810];
	v10 =	vmul.f32 v6, v10;
	v4 =	vmul.f32 v7, v15  }
0x17c: {  	v6 =	vld [tilespmem:s0+$0x4800];
	v7 =	vmov s2;
	v9 =	vmul.f32 v9, v13;
	v19 =	vadd.f32 v11, v18  }
0x17d: {  	v12 =	vmul.f32 v12, v13;
	v7 =	vand.u32 $0xF, v7;
	v11 =	vld [tilespmem:s0+$0x4810];
	v18 =	vadd.f32 v10, v18  }
0x17e: {  	v14 =	vmul.f32 v14, v16;
	v20 =	vbroadcast v7, $0x0;
	v7 =	vld [tilespmem:s0+$0x7810];
	v9 =	vadd.f32 v9, v19  }
0x17f: {  	v15 =	vmul.f32 v17, v15;
	v10 =	vld [tilespmem:s0+$0x5800];
	v18 =	vadd.f32 v12, v18;
	v19 =	vmul.f32 v8, v16  }
0x180: {  	v13 =	vld [tilespmem:s0+$0x5810];
	v16 =	vperm.xlane v0, v20;
	v12 =	vperm.xlane v1, v20;
	v17 =	vadd.f32 v14, v9  }
0x181: {  	s8 =	simm.s32 $0x100;
	v8 =	vperm.xlane v3, v20;
	v9 =	vperm.xlane v2, v20;
	v14 =	vld [tilespmem:s0+$0x6800];
	v18 =	vadd.f32 v19, v18  }
.LBB2_20:
0x182: {  	p0 =	sne.s32 s8, $0x780;
	v19 =	vmul.f32 v6, v16;
	v16 =	vmul.f32 v11, v16;
	v20 =	vld [tilespmem:s0+$0x7800];
	s0 =	sshra.s32 s8, $0x2;
	s8 =	sadd.s32 $0x80, s8;
	v11 =	vadd.f32 v15, v17  }
0x183: {  	s2 =	sadd.s32 $0x1, s2;
	v6 =	vld [tilespmem:s0+$0x4800];
	v15 =	vadd.f32 v4, v18;
	v4 =	vmul.f32 v7, v8  }
0x184: {  	v7 =	vmov s2;
	v21 =	vld [tilespmem:s0+$0x6810];
	v17 =	vadd.f32 v19, v11;
	v10 =	vmul.f32 v10, v12  }
.Ltmp13:
0x185: {  	v7 =	vand.u32 $0xF, v7;
	v11 =	vld [tilespmem:s0+$0x4810];
	v15 =	vadd.f32 v16, v15;
	v12 =	vmul.f32 v13, v12;
	(pc) =	sbr.rel @p0 .LBB2_20-.Ltmp13, $4  }
0x186: {  	v18 =	vbroadcast v7, $0x0;
	v7 =	vld [tilespmem:s0+$0x7810];
	v17 =	vadd.f32 v10, v17;
	v14 =	vmul.f32 v14, v9  }
0x187: {  	v22 =	vmul.f32 v5, v9;
	v10 =	vld [tilespmem:s0+$0x5800];
	v19 =	vadd.f32 v12, v15;
	v15 =	vmul.f32 v20, v8  }
0x188: {  	v16 =	vperm.xlane v0, v18;
	v12 =	vperm.xlane v1, v18;
	v13 =	vld [tilespmem:s0+$0x5810];
	v17 =	vadd.f32 v14, v17  }
0x189: {  	v9 =	vperm.xlane v2, v18;
	v8 =	vperm.xlane v3, v18;
	v14 =	vld [tilespmem:s0+$0x6800];
	v18 =	vadd.f32 v22, v19;
	v5 =	vmovc v21  }
0x18a: {  	v0 =	vmul.f32 v6, v16;
	v1 =	vadd.f32 v15, v17  }
0x18b: {  	v2 =	vmul.f32 v11, v16;
	v3 =	vld [tilespmem:s0+$0x7800];
	v4 =	vadd.f32 v4, v18  }
0x18c: {  	v0 =	vadd.f32 v0, v1;
	v1 =	vmul.f32 v10, v12  }
0x18d: {  	v2 =	vadd.f32 v2, v4;
	v4 =	vmul.f32 v13, v12  }
0x18e: {  	v0 =	vadd.f32 v1, v0;
	v1 =	vmul.f32 v14, v9  }
0x18f: {  	v2 =	vadd.f32 v4, v2;
	v4 =	vmul.f32 v5, v9  }
0x190: {  	v3 =	vmul.f32 v3, v8;
	v0 =	vadd.f32 v1, v0  }
0x191: {  	v1 =	vmul.f32 v7, v8;
	v2 =	vadd.f32 v4, v2  }
0x192: {  	v3 =	vadd.f32 v3, v0;
	v0 =	vld [tilespmem:$0x610]  }
0x193: {  	v4 =	vadd.f32 v1, v2;
	v1 =	vld [tilespmem:$0x690]  }
0x194: {  	v2 =	vld [tilespmem:$0x710];
	[tilespmem:$0x8900] =	vst v3  }
0x195: {  	s2 =	simm.s32 $0x0;
	v3 =	vld [tilespmem:$0x790];
	[tilespmem:$0x8910] =	vst v4  }
0x196: {  	s8 =	simm.s32 $0x0;
	v4 =	vld [tilespmem:s2+$0x4A00]  }
0x197: {  	v5 =	vmov s8;
	v8 =	vld [tilespmem:s2+$0x6A10]  }
0x198: {  	v5 =	vand.u32 $0xF, v5;
	v6 =	vld [tilespmem:s2+$0x4A10]  }
0x199: {  	v5 =	vbroadcast v5, $0x0;
	v7 =	vld [tilespmem:s2+$0x7A10]  }
0x19a: {  	v9 =	vld [tilespmem:s2+$0x5A00]  }
0x19b: {  	v12 =	vld [tilespmem:s2+$0x5A10];
	v10 =	vperm.xlane v0, v5  }
0x19c: {  	v14 =	vld [tilespmem:s2+$0x6A00];
	v13 =	vperm.xlane v1, v5;
	v15 =	vperm.xlane v3, v5  }
0x19d: {  	s0 =	simm.s32 $0x20;
	v17 =	vld [tilespmem:s2+$0x7A00];
	v16 =	vperm.xlane v2, v5;
	v11 =	vmul.f32 v4, v10  }
0x19e: {  	v18 =	vimm.f32 $0.0e+00;
	s2 =	simm.s32 $0x1;
	v5 =	vld [tilespmem:s0+$0x6A10];
	v10 =	vmul.f32 v6, v10;
	v4 =	vmul.f32 v7, v15  }
0x19f: {  	v6 =	vld [tilespmem:s0+$0x4A00];
	v7 =	vmov s2;
	v9 =	vmul.f32 v9, v13;
	v19 =	vadd.f32 v11, v18  }
0x1a0: {  	v12 =	vmul.f32 v12, v13;
	v7 =	vand.u32 $0xF, v7;
	v11 =	vld [tilespmem:s0+$0x4A10];
	v18 =	vadd.f32 v10, v18  }
0x1a1: {  	v14 =	vmul.f32 v14, v16;
	v20 =	vbroadcast v7, $0x0;
	v7 =	vld [tilespmem:s0+$0x7A10];
	v9 =	vadd.f32 v9, v19  }
0x1a2: {  	v15 =	vmul.f32 v17, v15;
	v10 =	vld [tilespmem:s0+$0x5A00];
	v18 =	vadd.f32 v12, v18;
	v19 =	vmul.f32 v8, v16  }
0x1a3: {  	v13 =	vld [tilespmem:s0+$0x5A10];
	v16 =	vperm.xlane v0, v20;
	v12 =	vperm.xlane v1, v20;
	v17 =	vadd.f32 v14, v9  }
0x1a4: {  	s8 =	simm.s32 $0x100;
	v8 =	vperm.xlane v3, v20;
	v9 =	vperm.xlane v2, v20;
	v14 =	vld [tilespmem:s0+$0x6A00];
	v18 =	vadd.f32 v19, v18  }
.LBB2_22:
0x1a5: {  	p0 =	sne.s32 s8, $0x780;
	v19 =	vmul.f32 v6, v16;
	v16 =	vmul.f32 v11, v16;
	v20 =	vld [tilespmem:s0+$0x7A00];
	s0 =	sshra.s32 s8, $0x2;
	s8 =	sadd.s32 $0x80, s8;
	v11 =	vadd.f32 v15, v17  }
0x1a6: {  	s2 =	sadd.s32 $0x1, s2;
	v6 =	vld [tilespmem:s0+$0x4A00];
	v15 =	vadd.f32 v4, v18;
	v4 =	vmul.f32 v7, v8  }
0x1a7: {  	v7 =	vmov s2;
	v21 =	vld [tilespmem:s0+$0x6A10];
	v17 =	vadd.f32 v19, v11;
	v10 =	vmul.f32 v10, v12  }
.Ltmp14:
0x1a8: {  	v7 =	vand.u32 $0xF, v7;
	v11 =	vld [tilespmem:s0+$0x4A10];
	v15 =	vadd.f32 v16, v15;
	v12 =	vmul.f32 v13, v12;
	(pc) =	sbr.rel @p0 .LBB2_22-.Ltmp14, $4  }
0x1a9: {  	v18 =	vbroadcast v7, $0x0;
	v7 =	vld [tilespmem:s0+$0x7A10];
	v17 =	vadd.f32 v10, v17;
	v14 =	vmul.f32 v14, v9  }
0x1aa: {  	v22 =	vmul.f32 v5, v9;
	v10 =	vld [tilespmem:s0+$0x5A00];
	v19 =	vadd.f32 v12, v15;
	v15 =	vmul.f32 v20, v8  }
0x1ab: {  	v16 =	vperm.xlane v0, v18;
	v12 =	vperm.xlane v1, v18;
	v13 =	vld [tilespmem:s0+$0x5A10];
	v17 =	vadd.f32 v14, v17  }
0x1ac: {  	v9 =	vperm.xlane v2, v18;
	v8 =	vperm.xlane v3, v18;
	v14 =	vld [tilespmem:s0+$0x6A00];
	v18 =	vadd.f32 v22, v19;
	v5 =	vmovc v21  }
0x1ad: {  	v0 =	vmul.f32 v6, v16;
	v1 =	vadd.f32 v15, v17  }
0x1ae: {  	v2 =	vmul.f32 v11, v16;
	v3 =	vld [tilespmem:s0+$0x7A00];
	v4 =	vadd.f32 v4, v18  }
0x1af: {  	v0 =	vadd.f32 v0, v1;
	v1 =	vmul.f32 v10, v12  }
0x1b0: {  	v2 =	vadd.f32 v2, v4;
	v4 =	vmul.f32 v13, v12  }
0x1b1: {  	v0 =	vadd.f32 v1, v0;
	v1 =	vmul.f32 v14, v9  }
0x1b2: {  	v2 =	vadd.f32 v4, v2;
	v4 =	vmul.f32 v5, v9  }
0x1b3: {  	v3 =	vmul.f32 v3, v8;
	v0 =	vadd.f32 v1, v0  }
0x1b4: {  	v1 =	vmul.f32 v7, v8;
	v2 =	vadd.f32 v4, v2  }
0x1b5: {  	v3 =	vadd.f32 v3, v0;
	v0 =	vld [tilespmem:$0x620]  }
0x1b6: {  	v4 =	vadd.f32 v1, v2;
	v1 =	vld [tilespmem:$0x6A0]  }
0x1b7: {  	v2 =	vld [tilespmem:$0x720];
	[tilespmem:$0x8920] =	vst v3  }
0x1b8: {  	s2 =	simm.s32 $0x0;
	v3 =	vld [tilespmem:$0x7A0];
	[tilespmem:$0x8930] =	vst v4  }
0x1b9: {  	s8 =	simm.s32 $0x0;
	v4 =	vld [tilespmem:s2+$0x4C00]  }
0x1ba: {  	v5 =	vmov s8;
	v8 =	vld [tilespmem:s2+$0x6C10]  }
0x1bb: {  	v5 =	vand.u32 $0xF, v5;
	v6 =	vld [tilespmem:s2+$0x4C10]  }
0x1bc: {  	v5 =	vbroadcast v5, $0x0;
	v7 =	vld [tilespmem:s2+$0x7C10]  }
0x1bd: {  	v9 =	vld [tilespmem:s2+$0x5C00]  }
0x1be: {  	v12 =	vld [tilespmem:s2+$0x5C10];
	v10 =	vperm.xlane v0, v5  }
0x1bf: {  	v14 =	vld [tilespmem:s2+$0x6C00];
	v13 =	vperm.xlane v1, v5;
	v15 =	vperm.xlane v3, v5  }
0x1c0: {  	s0 =	simm.s32 $0x20;
	v17 =	vld [tilespmem:s2+$0x7C00];
	v16 =	vperm.xlane v2, v5;
	v11 =	vmul.f32 v4, v10  }
0x1c1: {  	v18 =	vimm.f32 $0.0e+00;
	s2 =	simm.s32 $0x1;
	v5 =	vld [tilespmem:s0+$0x6C10];
	v10 =	vmul.f32 v6, v10;
	v4 =	vmul.f32 v7, v15  }
0x1c2: {  	v6 =	vld [tilespmem:s0+$0x4C00];
	v7 =	vmov s2;
	v9 =	vmul.f32 v9, v13;
	v19 =	vadd.f32 v11, v18  }
0x1c3: {  	v12 =	vmul.f32 v12, v13;
	v7 =	vand.u32 $0xF, v7;
	v11 =	vld [tilespmem:s0+$0x4C10];
	v18 =	vadd.f32 v10, v18  }
0x1c4: {  	v14 =	vmul.f32 v14, v16;
	v20 =	vbroadcast v7, $0x0;
	v7 =	vld [tilespmem:s0+$0x7C10];
	v9 =	vadd.f32 v9, v19  }
0x1c5: {  	v15 =	vmul.f32 v17, v15;
	v10 =	vld [tilespmem:s0+$0x5C00];
	v18 =	vadd.f32 v12, v18;
	v19 =	vmul.f32 v8, v16  }
0x1c6: {  	v13 =	vld [tilespmem:s0+$0x5C10];
	v16 =	vperm.xlane v0, v20;
	v12 =	vperm.xlane v1, v20;
	v17 =	vadd.f32 v14, v9  }
0x1c7: {  	s8 =	simm.s32 $0x100;
	v8 =	vperm.xlane v3, v20;
	v9 =	vperm.xlane v2, v20;
	v14 =	vld [tilespmem:s0+$0x6C00];
	v18 =	vadd.f32 v19, v18  }
.LBB2_24:
0x1c8: {  	p0 =	sne.s32 s8, $0x780;
	v19 =	vmul.f32 v6, v16;
	v16 =	vmul.f32 v11, v16;
	v20 =	vld [tilespmem:s0+$0x7C00];
	s0 =	sshra.s32 s8, $0x2;
	s8 =	sadd.s32 $0x80, s8;
	v11 =	vadd.f32 v15, v17  }
0x1c9: {  	s2 =	sadd.s32 $0x1, s2;
	v6 =	vld [tilespmem:s0+$0x4C00];
	v15 =	vadd.f32 v4, v18;
	v4 =	vmul.f32 v7, v8  }
0x1ca: {  	v7 =	vmov s2;
	v21 =	vld [tilespmem:s0+$0x6C10];
	v17 =	vadd.f32 v19, v11;
	v10 =	vmul.f32 v10, v12  }
.Ltmp15:
0x1cb: {  	v7 =	vand.u32 $0xF, v7;
	v11 =	vld [tilespmem:s0+$0x4C10];
	v15 =	vadd.f32 v16, v15;
	v12 =	vmul.f32 v13, v12;
	(pc) =	sbr.rel @p0 .LBB2_24-.Ltmp15, $4  }
0x1cc: {  	v18 =	vbroadcast v7, $0x0;
	v7 =	vld [tilespmem:s0+$0x7C10];
	v17 =	vadd.f32 v10, v17;
	v14 =	vmul.f32 v14, v9  }
0x1cd: {  	v22 =	vmul.f32 v5, v9;
	v10 =	vld [tilespmem:s0+$0x5C00];
	v19 =	vadd.f32 v12, v15;
	v15 =	vmul.f32 v20, v8  }
0x1ce: {  	v16 =	vperm.xlane v0, v18;
	v12 =	vperm.xlane v1, v18;
	v13 =	vld [tilespmem:s0+$0x5C10];
	v17 =	vadd.f32 v14, v17  }
0x1cf: {  	v9 =	vperm.xlane v2, v18;
	v8 =	vperm.xlane v3, v18;
	v14 =	vld [tilespmem:s0+$0x6C00];
	v18 =	vadd.f32 v22, v19;
	v5 =	vmovc v21  }
0x1d0: {  	v0 =	vmul.f32 v6, v16;
	v1 =	vadd.f32 v15, v17  }
0x1d1: {  	v2 =	vmul.f32 v11, v16;
	v3 =	vld [tilespmem:s0+$0x7C00];
	v4 =	vadd.f32 v4, v18  }
0x1d2: {  	v0 =	vadd.f32 v0, v1;
	v1 =	vmul.f32 v10, v12  }
0x1d3: {  	v2 =	vadd.f32 v2, v4;
	v4 =	vmul.f32 v13, v12  }
0x1d4: {  	v0 =	vadd.f32 v1, v0;
	v1 =	vmul.f32 v14, v9  }
0x1d5: {  	v2 =	vadd.f32 v4, v2;
	v4 =	vmul.f32 v5, v9  }
0x1d6: {  	v3 =	vmul.f32 v3, v8;
	v0 =	vadd.f32 v1, v0  }
0x1d7: {  	v1 =	vmul.f32 v7, v8;
	v2 =	vadd.f32 v4, v2  }
0x1d8: {  	v3 =	vadd.f32 v3, v0;
	v0 =	vld [tilespmem:$0x630]  }
0x1d9: {  	v4 =	vadd.f32 v1, v2;
	v1 =	vld [tilespmem:$0x6B0]  }
0x1da: {  	v2 =	vld [tilespmem:$0x730];
	[tilespmem:$0x8940] =	vst v3  }
0x1db: {  	s2 =	simm.s32 $0x0;
	v3 =	vld [tilespmem:$0x7B0];
	[tilespmem:$0x8950] =	vst v4  }
0x1dc: {  	s8 =	simm.s32 $0x0;
	v4 =	vld [tilespmem:s2+$0x4E00]  }
0x1dd: {  	v5 =	vmov s8;
	v8 =	vld [tilespmem:s2+$0x6E10]  }
0x1de: {  	v5 =	vand.u32 $0xF, v5;
	v6 =	vld [tilespmem:s2+$0x4E10]  }
0x1df: {  	v5 =	vbroadcast v5, $0x0;
	v7 =	vld [tilespmem:s2+$0x7E10]  }
0x1e0: {  	v9 =	vld [tilespmem:s2+$0x5E00]  }
0x1e1: {  	v12 =	vld [tilespmem:s2+$0x5E10];
	v10 =	vperm.xlane v0, v5  }
0x1e2: {  	v14 =	vld [tilespmem:s2+$0x6E00];
	v13 =	vperm.xlane v1, v5;
	v15 =	vperm.xlane v3, v5  }
0x1e3: {  	s0 =	simm.s32 $0x20;
	v17 =	vld [tilespmem:s2+$0x7E00];
	v16 =	vperm.xlane v2, v5;
	v11 =	vmul.f32 v4, v10  }
0x1e4: {  	v18 =	vimm.f32 $0.0e+00;
	s2 =	simm.s32 $0x1;
	v5 =	vld [tilespmem:s0+$0x6E10];
	v10 =	vmul.f32 v6, v10;
	v4 =	vmul.f32 v7, v15  }
0x1e5: {  	v6 =	vld [tilespmem:s0+$0x4E00];
	v7 =	vmov s2;
	v9 =	vmul.f32 v9, v13;
	v19 =	vadd.f32 v11, v18  }
0x1e6: {  	v12 =	vmul.f32 v12, v13;
	v7 =	vand.u32 $0xF, v7;
	v11 =	vld [tilespmem:s0+$0x4E10];
	v18 =	vadd.f32 v10, v18  }
0x1e7: {  	v14 =	vmul.f32 v14, v16;
	v20 =	vbroadcast v7, $0x0;
	v7 =	vld [tilespmem:s0+$0x7E10];
	v9 =	vadd.f32 v9, v19  }
0x1e8: {  	v15 =	vmul.f32 v17, v15;
	v10 =	vld [tilespmem:s0+$0x5E00];
	v18 =	vadd.f32 v12, v18;
	v19 =	vmul.f32 v8, v16  }
0x1e9: {  	v13 =	vld [tilespmem:s0+$0x5E10];
	v16 =	vperm.xlane v0, v20;
	v12 =	vperm.xlane v1, v20;
	v17 =	vadd.f32 v14, v9  }
0x1ea: {  	s8 =	simm.s32 $0x100;
	v8 =	vperm.xlane v3, v20;
	v9 =	vperm.xlane v2, v20;
	v14 =	vld [tilespmem:s0+$0x6E00];
	v18 =	vadd.f32 v19, v18  }
.LBB2_26:
0x1eb: {  	p0 =	sne.s32 s8, $0x780;
	v19 =	vmul.f32 v6, v16;
	v16 =	vmul.f32 v11, v16;
	v20 =	vld [tilespmem:s0+$0x7E00];
	s0 =	sshra.s32 s8, $0x2;
	s8 =	sadd.s32 $0x80, s8;
	v11 =	vadd.f32 v15, v17  }
0x1ec: {  	s2 =	sadd.s32 $0x1, s2;
	v6 =	vld [tilespmem:s0+$0x4E00];
	v15 =	vadd.f32 v4, v18;
	v4 =	vmul.f32 v7, v8  }
0x1ed: {  	v7 =	vmov s2;
	v21 =	vld [tilespmem:s0+$0x6E10];
	v17 =	vadd.f32 v19, v11;
	v10 =	vmul.f32 v10, v12  }
.Ltmp16:
0x1ee: {  	v7 =	vand.u32 $0xF, v7;
	v11 =	vld [tilespmem:s0+$0x4E10];
	v15 =	vadd.f32 v16, v15;
	v12 =	vmul.f32 v13, v12;
	(pc) =	sbr.rel @p0 .LBB2_26-.Ltmp16, $4  }
0x1ef: {  	v18 =	vbroadcast v7, $0x0;
	v7 =	vld [tilespmem:s0+$0x7E10];
	v17 =	vadd.f32 v10, v17;
	v14 =	vmul.f32 v14, v9  }
0x1f0: {  	v22 =	vmul.f32 v5, v9;
	v10 =	vld [tilespmem:s0+$0x5E00];
	v19 =	vadd.f32 v12, v15;
	v15 =	vmul.f32 v20, v8  }
0x1f1: {  	v16 =	vperm.xlane v0, v18;
	v12 =	vperm.xlane v1, v18;
	v13 =	vld [tilespmem:s0+$0x5E10];
	v17 =	vadd.f32 v14, v17  }
0x1f2: {  	v9 =	vperm.xlane v2, v18;
	v8 =	vperm.xlane v3, v18;
	v14 =	vld [tilespmem:s0+$0x6E00];
	v18 =	vadd.f32 v22, v19;
	v5 =	vmovc v21  }
0x1f3: {  	v0 =	vmul.f32 v6, v16;
	v1 =	vadd.f32 v15, v17  }
0x1f4: {  	v2 =	vmul.f32 v11, v16;
	v3 =	vld [tilespmem:s0+$0x7E00];
	v4 =	vadd.f32 v4, v18  }
0x1f5: {  	v0 =	vadd.f32 v0, v1;
	v1 =	vmul.f32 v10, v12  }
0x1f6: {  	v2 =	vadd.f32 v2, v4;
	v4 =	vmul.f32 v13, v12  }
0x1f7: {  	v0 =	vadd.f32 v1, v0;
	v1 =	vmul.f32 v14, v9  }
0x1f8: {  	v2 =	vadd.f32 v4, v2;
	v4 =	vmul.f32 v5, v9  }
0x1f9: {  	v3 =	vmul.f32 v3, v8;
	v0 =	vadd.f32 v1, v0  }
0x1fa: {  	v1 =	vmul.f32 v7, v8;
	v2 =	vadd.f32 v4, v2  }
0x1fb: {  	v3 =	vadd.f32 v3, v0;
	v0 =	vld [tilespmem:$0x640]  }
0x1fc: {  	v4 =	vadd.f32 v1, v2;
	v1 =	vld [tilespmem:$0x6C0]  }
0x1fd: {  	v2 =	vld [tilespmem:$0x740];
	[tilespmem:$0x8960] =	vst v3  }
0x1fe: {  	s2 =	simm.s32 $0x0;
	v3 =	vld [tilespmem:$0x7C0];
	[tilespmem:$0x8970] =	vst v4  }
0x1ff: {  	s8 =	simm.s32 $0x0;
	v4 =	vld [tilespmem:s2+$0x5000]  }
0x200: {  	v5 =	vmov s8;
	v8 =	vld [tilespmem:s2+$0x7010]  }
0x201: {  	v5 =	vand.u32 $0xF, v5;
	v6 =	vld [tilespmem:s2+$0x5010]  }
0x202: {  	v5 =	vbroadcast v5, $0x0;
	v7 =	vld [tilespmem:s2+$0x8010]  }
0x203: {  	v9 =	vld [tilespmem:s2+$0x6000]  }
0x204: {  	v12 =	vld [tilespmem:s2+$0x6010];
	v10 =	vperm.xlane v0, v5  }
0x205: {  	v14 =	vld [tilespmem:s2+$0x7000];
	v13 =	vperm.xlane v1, v5;
	v15 =	vperm.xlane v3, v5  }
0x206: {  	s0 =	simm.s32 $0x20;
	v17 =	vld [tilespmem:s2+$0x8000];
	v16 =	vperm.xlane v2, v5;
	v11 =	vmul.f32 v4, v10  }
0x207: {  	v18 =	vimm.f32 $0.0e+00;
	s2 =	simm.s32 $0x1;
	v5 =	vld [tilespmem:s0+$0x7010];
	v10 =	vmul.f32 v6, v10;
	v4 =	vmul.f32 v7, v15  }
0x208: {  	v6 =	vld [tilespmem:s0+$0x5000];
	v7 =	vmov s2;
	v9 =	vmul.f32 v9, v13;
	v19 =	vadd.f32 v11, v18  }
0x209: {  	v12 =	vmul.f32 v12, v13;
	v7 =	vand.u32 $0xF, v7;
	v11 =	vld [tilespmem:s0+$0x5010];
	v18 =	vadd.f32 v10, v18  }
0x20a: {  	v14 =	vmul.f32 v14, v16;
	v20 =	vbroadcast v7, $0x0;
	v7 =	vld [tilespmem:s0+$0x8010];
	v9 =	vadd.f32 v9, v19  }
0x20b: {  	v15 =	vmul.f32 v17, v15;
	v10 =	vld [tilespmem:s0+$0x6000];
	v18 =	vadd.f32 v12, v18;
	v19 =	vmul.f32 v8, v16  }
0x20c: {  	v13 =	vld [tilespmem:s0+$0x6010];
	v16 =	vperm.xlane v0, v20;
	v12 =	vperm.xlane v1, v20;
	v17 =	vadd.f32 v14, v9  }
0x20d: {  	s8 =	simm.s32 $0x100;
	v8 =	vperm.xlane v3, v20;
	v9 =	vperm.xlane v2, v20;
	v14 =	vld [tilespmem:s0+$0x7000];
	v18 =	vadd.f32 v19, v18  }
.LBB2_28:
0x20e: {  	p0 =	sne.s32 s8, $0x780;
	v19 =	vmul.f32 v6, v16;
	v16 =	vmul.f32 v11, v16;
	v20 =	vld [tilespmem:s0+$0x8000];
	s0 =	sshra.s32 s8, $0x2;
	s8 =	sadd.s32 $0x80, s8;
	v11 =	vadd.f32 v15, v17  }
0x20f: {  	s2 =	sadd.s32 $0x1, s2;
	v6 =	vld [tilespmem:s0+$0x5000];
	v15 =	vadd.f32 v4, v18;
	v4 =	vmul.f32 v7, v8  }
0x210: {  	v7 =	vmov s2;
	v21 =	vld [tilespmem:s0+$0x7010];
	v17 =	vadd.f32 v19, v11;
	v10 =	vmul.f32 v10, v12  }
.Ltmp17:
0x211: {  	v7 =	vand.u32 $0xF, v7;
	v11 =	vld [tilespmem:s0+$0x5010];
	v15 =	vadd.f32 v16, v15;
	v12 =	vmul.f32 v13, v12;
	(pc) =	sbr.rel @p0 .LBB2_28-.Ltmp17, $4  }
0x212: {  	v18 =	vbroadcast v7, $0x0;
	v7 =	vld [tilespmem:s0+$0x8010];
	v17 =	vadd.f32 v10, v17;
	v14 =	vmul.f32 v14, v9  }
0x213: {  	v22 =	vmul.f32 v5, v9;
	v10 =	vld [tilespmem:s0+$0x6000];
	v19 =	vadd.f32 v12, v15;
	v15 =	vmul.f32 v20, v8  }
0x214: {  	v16 =	vperm.xlane v0, v18;
	v12 =	vperm.xlane v1, v18;
	v13 =	vld [tilespmem:s0+$0x6010];
	v17 =	vadd.f32 v14, v17  }
0x215: {  	v9 =	vperm.xlane v2, v18;
	v8 =	vperm.xlane v3, v18;
	v14 =	vld [tilespmem:s0+$0x7000];
	v18 =	vadd.f32 v22, v19;
	v5 =	vmovc v21  }
0x216: {  	v0 =	vmul.f32 v6, v16;
	v1 =	vadd.f32 v15, v17  }
0x217: {  	v2 =	vmul.f32 v11, v16;
	v3 =	vld [tilespmem:s0+$0x8000];
	v4 =	vadd.f32 v4, v18  }
0x218: {  	v0 =	vadd.f32 v0, v1;
	v1 =	vmul.f32 v10, v12  }
0x219: {  	v2 =	vadd.f32 v2, v4;
	v4 =	vmul.f32 v13, v12  }
0x21a: {  	v0 =	vadd.f32 v1, v0;
	v1 =	vmul.f32 v14, v9  }
0x21b: {  	v2 =	vadd.f32 v4, v2;
	v4 =	vmul.f32 v5, v9  }
0x21c: {  	v3 =	vmul.f32 v3, v8;
	v0 =	vadd.f32 v1, v0  }
0x21d: {  	v1 =	vmul.f32 v7, v8;
	v2 =	vadd.f32 v4, v2  }
0x21e: {  	v3 =	vadd.f32 v3, v0;
	v0 =	vld [tilespmem:$0x650]  }
0x21f: {  	v4 =	vadd.f32 v1, v2;
	v1 =	vld [tilespmem:$0x6D0]  }
0x220: {  	v2 =	vld [tilespmem:$0x750];
	[tilespmem:$0x8980] =	vst v3  }
0x221: {  	s2 =	simm.s32 $0x0;
	v3 =	vld [tilespmem:$0x7D0];
	[tilespmem:$0x8990] =	vst v4  }
0x222: {  	s8 =	simm.s32 $0x0;
	v4 =	vld [tilespmem:s2+$0x5200]  }
0x223: {  	v5 =	vmov s8;
	v8 =	vld [tilespmem:s2+$0x7210]  }
0x224: {  	v5 =	vand.u32 $0xF, v5;
	v6 =	vld [tilespmem:s2+$0x5210]  }
0x225: {  	v5 =	vbroadcast v5, $0x0;
	v7 =	vld [tilespmem:s2+$0x8210]  }
0x226: {  	v9 =	vld [tilespmem:s2+$0x6200]  }
0x227: {  	v12 =	vld [tilespmem:s2+$0x6210];
	v10 =	vperm.xlane v0, v5  }
0x228: {  	v14 =	vld [tilespmem:s2+$0x7200];
	v13 =	vperm.xlane v1, v5;
	v15 =	vperm.xlane v3, v5  }
0x229: {  	s0 =	simm.s32 $0x20;
	v17 =	vld [tilespmem:s2+$0x8200];
	v16 =	vperm.xlane v2, v5;
	v11 =	vmul.f32 v4, v10  }
0x22a: {  	v18 =	vimm.f32 $0.0e+00;
	s2 =	simm.s32 $0x1;
	v5 =	vld [tilespmem:s0+$0x7210];
	v10 =	vmul.f32 v6, v10;
	v4 =	vmul.f32 v7, v15  }
0x22b: {  	v6 =	vld [tilespmem:s0+$0x5200];
	v7 =	vmov s2;
	v9 =	vmul.f32 v9, v13;
	v19 =	vadd.f32 v11, v18  }
0x22c: {  	v12 =	vmul.f32 v12, v13;
	v7 =	vand.u32 $0xF, v7;
	v11 =	vld [tilespmem:s0+$0x5210];
	v18 =	vadd.f32 v10, v18  }
0x22d: {  	v14 =	vmul.f32 v14, v16;
	v20 =	vbroadcast v7, $0x0;
	v7 =	vld [tilespmem:s0+$0x8210];
	v9 =	vadd.f32 v9, v19  }
0x22e: {  	v15 =	vmul.f32 v17, v15;
	v10 =	vld [tilespmem:s0+$0x6200];
	v18 =	vadd.f32 v12, v18;
	v19 =	vmul.f32 v8, v16  }
0x22f: {  	v13 =	vld [tilespmem:s0+$0x6210];
	v16 =	vperm.xlane v0, v20;
	v12 =	vperm.xlane v1, v20;
	v17 =	vadd.f32 v14, v9  }
0x230: {  	s8 =	simm.s32 $0x100;
	v8 =	vperm.xlane v3, v20;
	v9 =	vperm.xlane v2, v20;
	v14 =	vld [tilespmem:s0+$0x7200];
	v18 =	vadd.f32 v19, v18  }
.LBB2_30:
0x231: {  	p0 =	sne.s32 s8, $0x780;
	v19 =	vmul.f32 v6, v16;
	v16 =	vmul.f32 v11, v16;
	v20 =	vld [tilespmem:s0+$0x8200];
	s0 =	sshra.s32 s8, $0x2;
	s8 =	sadd.s32 $0x80, s8;
	v11 =	vadd.f32 v15, v17  }
0x232: {  	s2 =	sadd.s32 $0x1, s2;
	v6 =	vld [tilespmem:s0+$0x5200];
	v15 =	vadd.f32 v4, v18;
	v4 =	vmul.f32 v7, v8  }
0x233: {  	v7 =	vmov s2;
	v21 =	vld [tilespmem:s0+$0x7210];
	v17 =	vadd.f32 v19, v11;
	v10 =	vmul.f32 v10, v12  }
.Ltmp18:
0x234: {  	v7 =	vand.u32 $0xF, v7;
	v11 =	vld [tilespmem:s0+$0x5210];
	v15 =	vadd.f32 v16, v15;
	v12 =	vmul.f32 v13, v12;
	(pc) =	sbr.rel @p0 .LBB2_30-.Ltmp18, $4  }
0x235: {  	v18 =	vbroadcast v7, $0x0;
	v7 =	vld [tilespmem:s0+$0x8210];
	v17 =	vadd.f32 v10, v17;
	v14 =	vmul.f32 v14, v9  }
0x236: {  	v22 =	vmul.f32 v5, v9;
	v10 =	vld [tilespmem:s0+$0x6200];
	v19 =	vadd.f32 v12, v15;
	v15 =	vmul.f32 v20, v8  }
0x237: {  	v16 =	vperm.xlane v0, v18;
	v12 =	vperm.xlane v1, v18;
	v13 =	vld [tilespmem:s0+$0x6210];
	v17 =	vadd.f32 v14, v17  }
0x238: {  	v9 =	vperm.xlane v2, v18;
	v8 =	vperm.xlane v3, v18;
	v14 =	vld [tilespmem:s0+$0x7200];
	v18 =	vadd.f32 v22, v19;
	v5 =	vmovc v21  }
0x239: {  	v0 =	vmul.f32 v6, v16;
	v1 =	vadd.f32 v15, v17  }
0x23a: {  	v2 =	vmul.f32 v11, v16;
	v3 =	vld [tilespmem:s0+$0x8200];
	v4 =	vadd.f32 v4, v18  }
0x23b: {  	v0 =	vadd.f32 v0, v1;
	v1 =	vmul.f32 v10, v12  }
0x23c: {  	v2 =	vadd.f32 v2, v4;
	v4 =	vmul.f32 v13, v12  }
0x23d: {  	v0 =	vadd.f32 v1, v0;
	v1 =	vmul.f32 v14, v9  }
0x23e: {  	v2 =	vadd.f32 v4, v2;
	v4 =	vmul.f32 v5, v9  }
0x23f: {  	v3 =	vmul.f32 v3, v8;
	v0 =	vadd.f32 v1, v0  }
0x240: {  	v1 =	vmul.f32 v7, v8;
	v2 =	vadd.f32 v4, v2  }
0x241: {  	v3 =	vadd.f32 v3, v0;
	v0 =	vld [tilespmem:$0x660]  }
0x242: {  	v4 =	vadd.f32 v1, v2;
	v1 =	vld [tilespmem:$0x6E0]  }
0x243: {  	v2 =	vld [tilespmem:$0x760];
	[tilespmem:$0x89A0] =	vst v3  }
0x244: {  	s2 =	simm.s32 $0x0;
	v3 =	vld [tilespmem:$0x7E0];
	[tilespmem:$0x89B0] =	vst v4  }
0x245: {  	s8 =	simm.s32 $0x0;
	v4 =	vld [tilespmem:s2+$0x5400]  }
0x246: {  	v5 =	vmov s8;
	v8 =	vld [tilespmem:s2+$0x7410]  }
0x247: {  	v5 =	vand.u32 $0xF, v5;
	v6 =	vld [tilespmem:s2+$0x5410]  }
0x248: {  	v5 =	vbroadcast v5, $0x0;
	v7 =	vld [tilespmem:s2+$0x8410]  }
0x249: {  	v9 =	vld [tilespmem:s2+$0x6400]  }
0x24a: {  	v12 =	vld [tilespmem:s2+$0x6410];
	v10 =	vperm.xlane v0, v5  }
0x24b: {  	v14 =	vld [tilespmem:s2+$0x7400];
	v13 =	vperm.xlane v1, v5;
	v15 =	vperm.xlane v3, v5  }
0x24c: {  	s0 =	simm.s32 $0x20;
	v17 =	vld [tilespmem:s2+$0x8400];
	v16 =	vperm.xlane v2, v5;
	v11 =	vmul.f32 v4, v10  }
0x24d: {  	v18 =	vimm.f32 $0.0e+00;
	s2 =	simm.s32 $0x1;
	v5 =	vld [tilespmem:s0+$0x7410];
	v10 =	vmul.f32 v6, v10;
	v4 =	vmul.f32 v7, v15  }
0x24e: {  	v6 =	vld [tilespmem:s0+$0x5400];
	v7 =	vmov s2;
	v9 =	vmul.f32 v9, v13;
	v19 =	vadd.f32 v11, v18  }
0x24f: {  	v12 =	vmul.f32 v12, v13;
	v7 =	vand.u32 $0xF, v7;
	v11 =	vld [tilespmem:s0+$0x5410];
	v18 =	vadd.f32 v10, v18  }
0x250: {  	v14 =	vmul.f32 v14, v16;
	v20 =	vbroadcast v7, $0x0;
	v7 =	vld [tilespmem:s0+$0x8410];
	v9 =	vadd.f32 v9, v19  }
0x251: {  	v15 =	vmul.f32 v17, v15;
	v10 =	vld [tilespmem:s0+$0x6400];
	v18 =	vadd.f32 v12, v18;
	v19 =	vmul.f32 v8, v16  }
0x252: {  	v13 =	vld [tilespmem:s0+$0x6410];
	v16 =	vperm.xlane v0, v20;
	v12 =	vperm.xlane v1, v20;
	v17 =	vadd.f32 v14, v9  }
0x253: {  	s8 =	simm.s32 $0x100;
	v8 =	vperm.xlane v3, v20;
	v9 =	vperm.xlane v2, v20;
	v14 =	vld [tilespmem:s0+$0x7400];
	v18 =	vadd.f32 v19, v18  }
.LBB2_32:
0x254: {  	p0 =	sne.s32 s8, $0x780;
	v19 =	vmul.f32 v6, v16;
	v16 =	vmul.f32 v11, v16;
	v20 =	vld [tilespmem:s0+$0x8400];
	s0 =	sshra.s32 s8, $0x2;
	s8 =	sadd.s32 $0x80, s8;
	v11 =	vadd.f32 v15, v17  }
0x255: {  	s2 =	sadd.s32 $0x1, s2;
	v6 =	vld [tilespmem:s0+$0x5400];
	v15 =	vadd.f32 v4, v18;
	v4 =	vmul.f32 v7, v8  }
0x256: {  	v7 =	vmov s2;
	v21 =	vld [tilespmem:s0+$0x7410];
	v17 =	vadd.f32 v19, v11;
	v10 =	vmul.f32 v10, v12  }
.Ltmp19:
0x257: {  	v7 =	vand.u32 $0xF, v7;
	v11 =	vld [tilespmem:s0+$0x5410];
	v15 =	vadd.f32 v16, v15;
	v12 =	vmul.f32 v13, v12;
	(pc) =	sbr.rel @p0 .LBB2_32-.Ltmp19, $4  }
0x258: {  	v18 =	vbroadcast v7, $0x0;
	v7 =	vld [tilespmem:s0+$0x8410];
	v17 =	vadd.f32 v10, v17;
	v14 =	vmul.f32 v14, v9  }
0x259: {  	v22 =	vmul.f32 v5, v9;
	v10 =	vld [tilespmem:s0+$0x6400];
	v19 =	vadd.f32 v12, v15;
	v15 =	vmul.f32 v20, v8  }
0x25a: {  	v16 =	vperm.xlane v0, v18;
	v12 =	vperm.xlane v1, v18;
	v13 =	vld [tilespmem:s0+$0x6410];
	v17 =	vadd.f32 v14, v17  }
0x25b: {  	v9 =	vperm.xlane v2, v18;
	v8 =	vperm.xlane v3, v18;
	v14 =	vld [tilespmem:s0+$0x7400];
	v18 =	vadd.f32 v22, v19;
	v5 =	vmovc v21  }
0x25c: {  	v0 =	vmul.f32 v6, v16;
	v1 =	vadd.f32 v15, v17  }
0x25d: {  	v2 =	vmul.f32 v11, v16;
	v3 =	vld [tilespmem:s0+$0x8400];
	v4 =	vadd.f32 v4, v18  }
0x25e: {  	v0 =	vadd.f32 v0, v1;
	v1 =	vmul.f32 v10, v12  }
0x25f: {  	v2 =	vadd.f32 v2, v4;
	v4 =	vmul.f32 v13, v12  }
0x260: {  	v0 =	vadd.f32 v1, v0;
	v1 =	vmul.f32 v14, v9  }
0x261: {  	v2 =	vadd.f32 v4, v2;
	v4 =	vmul.f32 v5, v9  }
0x262: {  	v3 =	vmul.f32 v3, v8;
	v0 =	vadd.f32 v1, v0  }
0x263: {  	v1 =	vmul.f32 v7, v8;
	v2 =	vadd.f32 v4, v2  }
0x264: {  	v3 =	vadd.f32 v3, v0;
	v0 =	vld [tilespmem:$0x670]  }
0x265: {  	v4 =	vadd.f32 v1, v2;
	v1 =	vld [tilespmem:$0x6F0]  }
0x266: {  	v2 =	vld [tilespmem:$0x770];
	[tilespmem:$0x89C0] =	vst v3  }
0x267: {  	s2 =	simm.s32 $0x0;
	v3 =	vld [tilespmem:$0x7F0];
	[tilespmem:$0x89D0] =	vst v4  }
0x268: {  	s8 =	simm.s32 $0x0;
	v4 =	vld [tilespmem:s2+$0x5600]  }
0x269: {  	v5 =	vmov s8;
	v8 =	vld [tilespmem:s2+$0x7610]  }
0x26a: {  	v5 =	vand.u32 $0xF, v5;
	v6 =	vld [tilespmem:s2+$0x5610]  }
0x26b: {  	v5 =	vbroadcast v5, $0x0;
	v7 =	vld [tilespmem:s2+$0x8610]  }
0x26c: {  	v9 =	vld [tilespmem:s2+$0x6600]  }
0x26d: {  	v12 =	vld [tilespmem:s2+$0x6610];
	v10 =	vperm.xlane v0, v5  }
0x26e: {  	v14 =	vld [tilespmem:s2+$0x7600];
	v13 =	vperm.xlane v1, v5;
	v15 =	vperm.xlane v3, v5  }
0x26f: {  	s0 =	simm.s32 $0x20;
	v17 =	vld [tilespmem:s2+$0x8600];
	v16 =	vperm.xlane v2, v5;
	v11 =	vmul.f32 v4, v10  }
0x270: {  	v18 =	vimm.f32 $0.0e+00;
	s2 =	simm.s32 $0x1;
	v5 =	vld [tilespmem:s0+$0x7610];
	v10 =	vmul.f32 v6, v10;
	v4 =	vmul.f32 v7, v15  }
0x271: {  	v6 =	vld [tilespmem:s0+$0x5600];
	v7 =	vmov s2;
	v9 =	vmul.f32 v9, v13;
	v19 =	vadd.f32 v11, v18  }
0x272: {  	v12 =	vmul.f32 v12, v13;
	v7 =	vand.u32 $0xF, v7;
	v11 =	vld [tilespmem:s0+$0x5610];
	v18 =	vadd.f32 v10, v18  }
0x273: {  	v14 =	vmul.f32 v14, v16;
	v20 =	vbroadcast v7, $0x0;
	v7 =	vld [tilespmem:s0+$0x8610];
	v9 =	vadd.f32 v9, v19  }
0x274: {  	v15 =	vmul.f32 v17, v15;
	v10 =	vld [tilespmem:s0+$0x6600];
	v18 =	vadd.f32 v12, v18;
	v19 =	vmul.f32 v8, v16  }
0x275: {  	v13 =	vld [tilespmem:s0+$0x6610];
	v16 =	vperm.xlane v0, v20;
	v12 =	vperm.xlane v1, v20;
	v17 =	vadd.f32 v14, v9  }
0x276: {  	s8 =	simm.s32 $0x100;
	v8 =	vperm.xlane v3, v20;
	v9 =	vperm.xlane v2, v20;
	v14 =	vld [tilespmem:s0+$0x7600];
	v18 =	vadd.f32 v19, v18  }
.LBB2_34:
0x277: {  	p0 =	sne.s32 s8, $0x780;
	v19 =	vmul.f32 v6, v16;
	v16 =	vmul.f32 v11, v16;
	v20 =	vld [tilespmem:s0+$0x8600];
	s0 =	sshra.s32 s8, $0x2;
	s8 =	sadd.s32 $0x80, s8;
	v11 =	vadd.f32 v15, v17  }
0x278: {  	s2 =	sadd.s32 $0x1, s2;
	v6 =	vld [tilespmem:s0+$0x5600];
	v15 =	vadd.f32 v4, v18;
	v4 =	vmul.f32 v7, v8  }
0x279: {  	v7 =	vmov s2;
	v21 =	vld [tilespmem:s0+$0x7610];
	v17 =	vadd.f32 v19, v11;
	v10 =	vmul.f32 v10, v12  }
.Ltmp20:
0x27a: {  	v7 =	vand.u32 $0xF, v7;
	v11 =	vld [tilespmem:s0+$0x5610];
	v15 =	vadd.f32 v16, v15;
	v12 =	vmul.f32 v13, v12;
	(pc) =	sbr.rel @p0 .LBB2_34-.Ltmp20, $4  }
0x27b: {  	v18 =	vbroadcast v7, $0x0;
	v7 =	vld [tilespmem:s0+$0x8610];
	v17 =	vadd.f32 v10, v17;
	v14 =	vmul.f32 v14, v9  }
0x27c: {  	v22 =	vmul.f32 v5, v9;
	v10 =	vld [tilespmem:s0+$0x6600];
	v19 =	vadd.f32 v12, v15;
	v15 =	vmul.f32 v20, v8  }
0x27d: {  	v16 =	vperm.xlane v0, v18;
	v12 =	vperm.xlane v1, v18;
	v13 =	vld [tilespmem:s0+$0x6610];
	v17 =	vadd.f32 v14, v17  }
0x27e: {  	v9 =	vperm.xlane v2, v18;
	v8 =	vperm.xlane v3, v18;
	v14 =	vld [tilespmem:s0+$0x7600];
	v18 =	vadd.f32 v22, v19;
	v5 =	vmovc v21  }
0x27f: {  	v0 =	vmul.f32 v6, v16;
	v1 =	vadd.f32 v15, v17  }
0x280: {  	v2 =	vmul.f32 v11, v16;
	v3 =	vld [tilespmem:s0+$0x8600];
	v4 =	vadd.f32 v4, v18  }
0x281: {  	v0 =	vadd.f32 v0, v1;
	v59 =	vmul.f32 v10, v12  }
0x282: {  	v2 =	vadd.f32 v2, v4;
	v60 =	vmul.f32 v13, v12  }
0x283: {  	v0 =	vadd.f32 v59, v0;
	v61 =	vmul.f32 v14, v9  }
0x284: {  	v62 =	vmul.f32 v5, v9;
	v2 =	vadd.f32 v60, v2  }
0x285: {  	v3 =	vmul.f32 v3, v8;
	v0 =	vadd.f32 v61, v0  }
0x286: {  	v63 =	vmul.f32 v7, v8;
	v2 =	vadd.f32 v62, v2  }
0x287: {  	v0 =	vadd.f32 v3, v0  }
0x288: {  	v1 =	vadd.f32 v63, v2  }
0x289: {  	s31 =	sshll.u32 s31, $0x6;
	[tilespmem:$0x89E0] =	vst v0  }
.Ltmp21:
0x28a: {  	s0 =	sadd.s32 s1, s31;
	[tilespmem:$0x89F0] =	vst v1;
	(pc) =	sbr.rel .LBB2_36-.Ltmp21, $4  }
0x28b: {  	[hbm4b:s0+s3] =	stream.linear.scatter [tilespmem:s26], [sflag:$0x2], $0x200, $0x38;
	[tilespmem:$0x8A00] =	vst v63  }
0x28c: {  	_ =	swait.ge [sflag:s28], $0x200  }
0x28d: {  	[sflag:s28] =	ssyncset.done $0x0  }
0x28e: {  	[sflag:s28] =	ssyncadd.s32 $0xFFFFFE00  }
.LBB2_38:
0x28f: {  	_ =	sfence.sel $0x180000  }
0x290: {  	[bflag:$0x0] =	sbarrier.arrive $0xFFFF  }
0x291: {  	_ =	strace $0x90000047  }
0x292: {  	s0 =	stileid.u32;
	[bflag:$0x2] =	sbarrier.arrive $0xFFFF  }
0x293: {  	p0 =	sne.s32 s0, $0x0;
	s0 =	rddreg [dreg:$0x2]  }
0x294: {  	s0 =	sadd.s32 @!p0 $0x100000, s0  }
0x295: {  	[sflag:s0] =	ssyncadd.tile.s32 @!p0 $0x1;
	_ =	shalt  }
.Lfunc_end2:
_tile_overlayer_lowered:
.L_overlay_start_2:
0x296: {  	(tag) =	ssettag $0x2  }
0x297: {  	s0 =	rddreg [dreg:$0x0];
	s2 =	stileid.u32  }
0x298: {  	s1 =	rddreg [dreg:$0x1];
	p0 =	sne.s32 s2, $0x0  }
0x299: {  	s3 =	rddreg [dreg:$0x2];
	[bflag:$0x3] =	sbarrier.arrive $0xFFFF;
	s2 =	simm.s32 @!p0 $0x1C02  }
0x29a: {  	[timem:s3], [sflag:s2] =	dma.local @!p0 [hbm:s0], s1  }
0x29b: {  	s0 =	simm.s32 @!p0 $0x2  }
0x29c: {  	_ =	swait.ge @!p0 [sflag:s0], s1  }
0x29d: {  	s1 =	ssub.s32 @!p0 $0x0, s1;
	[sflag:s0] =	ssyncset.done @!p0 $0x0  }
0x29e: {  	[sflag:s0] =	ssyncadd.s32 @!p0 s1  }
0x29f: {  	[bflag:$0x3] =	sbarrier.arrive $0xFFFF  }
0x2a0: {  	_ =	shalt  }

</sc_bundles>
